<compile_context>
chip_gen: v7x
topology: tpu7x:2x2x1
jax: 0.10.2.dev20260603
libtpu: 0.0.44.dev20260713+nightly
codegen_flags: <defaults>
</compile_context>

<pallas_src>
import functools

import jax
import jax.numpy as jnp
from jax import lax
from jax.experimental import pallas as pl
from jax.experimental.pallas import tpu as pltpu
from jax.experimental.pallas import tpu_sc as plsc

N = 10000
E = 320000
D = 128
ED = 16
NC = 2
NS = 16
NW = NC * NS
EPW = E // NW
CH = 80
NCH = EPW // CH
NZCH = N // CH
NB = 80
NGB = 4
NSB = 4

_mesh = plsc.VectorSubcoreMesh(core_axis_name="c", subcore_axis_name="s")


@functools.partial(
    pl.kernel,
    mesh=_mesh,
    out_type=jax.ShapeDtypeStruct((E, D), jnp.float32),
    scratch_types=(
        [pltpu.VMEM((CH,), jnp.int32) for _ in range(NGB)]
        + [pltpu.VMEM((CH, D), jnp.float32) for _ in range(NGB)]
        + [pltpu.VMEM_SHARED((N, D), jnp.float32)]
        + [pltpu.SemaphoreType.DMA] * (3 * NGB)
    ),
)
def _gather(table_hbm, col_hbm, out_hbm, *rest):
    idx_b = rest[:NGB]
    g_b = rest[NGB:2 * NGB]
    table_s = rest[2 * NGB]
    sems = rest[2 * NGB + 1:]
    sem_i = sems[:NGB]
    sem_g = sems[NGB:2 * NGB]
    sem_w = sems[2 * NGB:]
    sid = lax.axis_index("s")
    wid = sid * NC + lax.axis_index("c")
    ebase = wid * EPW

    for t in range(8):
        c = sid + t * NS

        @pl.when(c < NZCH)
        def _():
            pltpu.sync_copy(table_hbm.at[pl.ds(c * CH, CH)],
                            table_s.at[pl.ds(c * CH, CH)])

    plsc.subcore_barrier()

    def _start_idx(b, j):
        pltpu.async_copy(col_hbm.at[wid, j, 0], idx_b[b], sem_i[b])

    def _wait_idx(b, j):
        pltpu.make_async_copy(col_hbm.at[wid, j, 0], idx_b[b], sem_i[b]).wait()

    def _wait_write(b):
        pltpu.make_async_copy(g_b[b], out_hbm.at[pl.ds(ebase, CH)],
                              sem_w[b]).wait()

    for b in range(NGB):
        _start_idx(b, b)

    def body(jo, carry):
        j = jo * NGB
        for b in range(NGB):
            jj = j + b

            @pl.when(jj >= NGB)
            def _():
                _wait_write(b)

            _wait_idx(b, jj)
            pltpu.async_copy(table_s.at[idx_b[b]], g_b[b], sem_g[b]).wait()
            pltpu.async_copy(g_b[b], out_hbm.at[pl.ds(ebase + jj * CH, CH)],
                             sem_w[b])

            @pl.when(jj + NGB < NCH)
            def _():
                _start_idx(b, jj + NGB)

        return carry

    lax.fori_loop(0, NCH // NGB, body, 0)
    _wait_write(0)
    _wait_idx(0, NCH - 1)
    pltpu.async_copy(table_s.at[idx_b[0]], g_b[0], sem_g[0]).wait()
    pltpu.async_copy(g_b[0], out_hbm.at[pl.ds(ebase + (NCH - 1) * CH, CH)],
                     sem_w[0])
    for b in range(NGB):
        _wait_write(b)


def _mlp_body(e_ref, g_ref, w1_ref, b1_ref, w2_ref, b2_ref, c_ref,
              m_ref, a_ref):
    h = jnp.tanh(
        jnp.dot(e_ref[...], w1_ref[...], preferred_element_type=jnp.float32)
        + b1_ref[...]
    )
    f = jnp.dot(h, w2_ref[...], preferred_element_type=jnp.float32) + b2_ref[...]
    hce = g_ref[...] * f
    attn = jnp.exp(jnp.sum(hce * c_ref[...], axis=1, keepdims=True))
    m_ref[...] = hce * attn
    a_ref[...] = attn


def _mlp(edge_emb, g, W1, b1r, W2, b2r, cr):
    be = 8000
    grid = E // be
    return pl.pallas_call(
        _mlp_body,
        grid=(grid,),
        in_specs=[
            pl.BlockSpec((be, ED), lambda i: (i, 0)),
            pl.BlockSpec((be, D), lambda i: (i, 0)),
            pl.BlockSpec((ED, D), lambda i: (0, 0)),
            pl.BlockSpec((1, D), lambda i: (0, 0)),
            pl.BlockSpec((D, D), lambda i: (0, 0)),
            pl.BlockSpec((1, D), lambda i: (0, 0)),
            pl.BlockSpec((1, D), lambda i: (0, 0)),
        ],
        out_specs=[
            pl.BlockSpec((be, D), lambda i: (i, 0)),
            pl.BlockSpec((be, 1), lambda i: (i, 0)),
        ],
        out_shape=[
            jax.ShapeDtypeStruct((E, D), jnp.float32),
            jax.ShapeDtypeStruct((E, 1), jnp.float32),
        ],
    )(edge_emb, g, W1, b1r, W2, b2r, cr)


@functools.partial(
    pl.kernel,
    mesh=_mesh,
    out_type=[
        jax.ShapeDtypeStruct((NC, N, D), jnp.float32),
        jax.ShapeDtypeStruct((NC, 1, N), jnp.float32),
    ],
    scratch_types=(
        [pltpu.VMEM((CH,), jnp.int32) for _ in range(NSB)]
        + [pltpu.VMEM((CH,), jnp.float32) for _ in range(NSB)]
        + [pltpu.VMEM((CH, D), jnp.float32) for _ in range(NSB)]
        + [pltpu.VMEM((2000,), jnp.float32)]
        + [pltpu.VMEM_SHARED((N, D), jnp.float32),
           pltpu.VMEM_SHARED((N,), jnp.float32)]
        + [pltpu.SemaphoreType.DMA] * (4 * NSB)
    ),
)
def _scatter(m_hbm, at_hbm, row_hbm, num_out, asum_out, *rest):
    idx_b = rest[:NSB]
    at_b = rest[NSB:2 * NSB]
    m_b = rest[2 * NSB:3 * NSB]
    zb = rest[3 * NSB]
    num_s, as_s = rest[3 * NSB + 1:3 * NSB + 3]
    sems = rest[3 * NSB + 3:]
    sem_i = sems[:NSB]
    sem_m = sems[NSB:2 * NSB]
    sem_a = sems[2 * NSB:3 * NSB]
    sem_s = sems[3 * NSB:]
    cid = lax.axis_index("c")
    sid = lax.axis_index("s")
    wid = sid * NC + cid
    ebase = wid * EPW

    zero16 = jnp.zeros((16,), jnp.float32)

    def zm(i, carry):
        m_b[0][i // 8, pl.ds((i % 8) * 16, 16)] = zero16
        return carry

    lax.fori_loop(0, CH * 8, zm, 0)

    def za(i, carry):
        zb[pl.ds(i * 16, 16)] = zero16
        return carry

    lax.fori_loop(0, 125, za, 0)

    for t in range(8):
        c = sid + t * NS

        @pl.when(c < NZCH)
        def _():
            pltpu.sync_copy(m_b[0], num_s.at[pl.ds(c * CH, CH)])

    @pl.when(sid == 0)
    def _():
        for q in range(5):
            pltpu.sync_copy(zb, as_s.at[pl.ds(q * 2000, 2000)])

    plsc.subcore_barrier()

    def _start_loads(b, j):
        pltpu.async_copy(row_hbm.at[wid, j, 0], idx_b[b], sem_i[b])
        pltpu.async_copy(m_hbm.at[pl.ds(ebase + j * CH, CH)], m_b[b], sem_m[b])
        pltpu.async_copy(at_hbm.at[wid, j, 0], at_b[b], sem_a[b])

    def _wait_loads(b, j):
        pltpu.make_async_copy(row_hbm.at[wid, j, 0], idx_b[b], sem_i[b]).wait()
        pltpu.make_async_copy(m_hbm.at[pl.ds(ebase + j * CH, CH)], m_b[b],
                              sem_m[b]).wait()
        pltpu.make_async_copy(at_hbm.at[wid, j, 0], at_b[b], sem_a[b]).wait()

    def _process(b):
        hm = pltpu.async_copy(m_b[b], num_s.at[idx_b[b]], sem_s[b], add=True)
        ha = pltpu.async_copy(at_b[b], as_s.at[idx_b[b]], sem_s[b], add=True)
        hm.wait()
        ha.wait()

    for b in range(NSB):
        _start_loads(b, b)

    def body(jo, carry):
        j = jo * NSB
        for b in range(NSB):
            _wait_loads(b, j + b)
            _process(b)

            @pl.when(j + b + NSB < NCH)
            def _():
                _start_loads(b, j + b + NSB)

        return carry

    lax.fori_loop(0, NCH // NSB, body, 0)
    _wait_loads(0, NCH - 1)
    _process(0)
    plsc.subcore_barrier()

    @pl.when(sid == 0)
    def _():
        pltpu.sync_copy(as_s, asum_out.at[cid, 0])

    for t in range(8):
        c = sid + t * NS

        @pl.when(c < NZCH)
        def _():
            r = c * CH
            pltpu.sync_copy(num_s.at[pl.ds(r, CH)], num_out.at[cid, pl.ds(r, CH)])


def _norm_body(num_ref, asum_ref, out_ref):
    nm = num_ref[0] + num_ref[1]
    norm = jnp.sum(asum_ref[...], axis=0)
    safe = jnp.where(norm > 0, norm, 1.0)
    out_ref[...] = jnp.where(norm > 0, nm / safe, nm)


def _norm(num_p, asum_p):
    bn = 1000
    return pl.pallas_call(
        _norm_body,
        grid=(N // bn,),
        in_specs=[
            pl.BlockSpec((NC, bn, D), lambda i: (0, i, 0)),
            pl.BlockSpec((NC, bn, 1), lambda i: (0, i, 0)),
        ],
        out_specs=pl.BlockSpec((bn, D), lambda i: (i, 0)),
        out_shape=jax.ShapeDtypeStruct((N, D), jnp.float32),
    )(num_p, asum_p)


def kernel(hidden_atom_emb, edge_emb, edge_list, W1, b1, W2, b2, linear_coef):
    col3 = edge_list[:, 1].astype(jnp.int32).reshape(NW, NCH, 1, CH)
    row3 = edge_list[:, 0].astype(jnp.int32).reshape(NW, NCH, 1, CH)
    g = _gather(hidden_atom_emb, col3)
    m, attn = _mlp(
        edge_emb, g, W1,
        b1.reshape(1, D), W2, b2.reshape(1, D), linear_coef.reshape(1, D),
    )
    at3 = attn.reshape(NW, NCH, 1, CH)
    num_p, asum_p = _scatter(m, at3, row3)
    asum = asum_p.reshape(NC, N, 1)
    return _norm(num_p, asum)

# --- scband reference (transcript-rebuilt; emitter-appended) ---
"""Pipeline reference for scband-continuous-filter-conv-61400852463921 (READ-ONLY COPY).

The authoritative reference and input builder live on the scoring server;
editing this copy changes nothing except your own understanding.
"""

import jax, jax.numpy as jnp
import numpy as np

N = 10000
E = 320000
EDGE_DIM = 16
HIDDEN = 128

def setup_inputs(seed: int = 0) -> dict:
    key = jax.random.key(seed)
    ks = jax.random.split(key, 8)
    hidden_atom_emb = jax.random.normal(ks[0], (N, HIDDEN), dtype=jnp.float32)
    edge_emb = jax.random.normal(ks[1], (E, EDGE_DIM), dtype=jnp.float32)
    edge_list = jax.random.randint(ks[2], (E, 2), 0, N)
    # Xavier-style init for the filter-generator MLP and attention coef
    W1 = jax.random.normal(ks[3], (EDGE_DIM, HIDDEN), dtype=jnp.float32) * (2.0 / (EDGE_DIM + HIDDEN)) ** 0.5
    b1 = jnp.zeros((HIDDEN,), dtype=jnp.float32)
    W2 = jax.random.normal(ks[4], (HIDDEN, HIDDEN), dtype=jnp.float32) * (2.0 / (HIDDEN + HIDDEN)) ** 0.5
    b2 = jnp.zeros((HIDDEN,), dtype=jnp.float32)
    linear_coef = jax.random.normal(ks[5], (HIDDEN, 1), dtype=jnp.float32) * 1.414 * (2.0 / (HIDDEN + 1)) ** 0.5
    return {"hidden_atom_emb": hidden_atom_emb, "edge_emb": edge_emb, "edge_list": edge_list,
            "W1": W1, "b1": b1, "W2": W2, "b2": b2, "linear_coef": linear_coef}


def reference(hidden_atom_emb, edge_emb, edge_list, W1, b1, W2, b2, linear_coef):
    # filter_generator: Linear(edge_dim->hidden) + Tanh, then Linear(hidden->hidden)
    h = jnp.tanh(edge_emb @ W1 + b1)
    hidden_edge_emb = h @ W2 + b2
    # gather destination-node features (edge_list[:, 1]) and modulate by the filter
    hce = hidden_atom_emb[edge_list[:, 1]] * hidden_edge_emb  # [E, HIDDEN]
    attn = jnp.exp(hce @ linear_coef)  # [E, 1]
    row = edge_list[:, 0]
    n_nodes = hidden_atom_emb.shape[0]
    # sparse.sum over dim=1 == segment-sum of edge values by source/row index
    num = jax.ops.segment_sum(hce * attn, row, num_segments=n_nodes)  # [N, HIDDEN]
    norm = jax.ops.segment_sum(jnp.broadcast_to(attn, hce.shape), row, num_segments=n_nodes)  # [N, HIDDEN]
    denom = jnp.where(norm > 0, norm, 1.0)
    out = jnp.where(norm > 0, num / denom, num)
    return out

if __name__ == "__main__":
    import jax
    _d = setup_inputs()
    print(jax.jit(kernel)(*tuple(_d.values())))

</pallas_src>

<mosaic_0001>
#map = affine_map<(d0, d1) -> (0, 0)>
#map1 = affine_map<(d0, d1) -> (0, 0, 0, 0)>
#map2 = affine_map<(d0, d1) -> (0, 0, 0)>
module attributes {stable_mosaic.version = 14 : i64} {
  func.func @_scatter(%arg0: i32, %arg1: i32, %arg2: memref<320000x128xf32, #tpu.memory_space<hbm>>, %arg3: memref<32x125x1x80xf32, #tpu.memory_space<hbm>>, %arg4: memref<32x125x1x80xi32, #tpu.memory_space<hbm>>, %arg5: memref<2x10000x128xf32, #tpu.memory_space<hbm>>, %arg6: memref<2x1x10000xf32, #tpu.memory_space<hbm>>, %arg7: memref<80xi32, #tpu.memory_space<vmem>>, %arg8: memref<80xi32, #tpu.memory_space<vmem>>, %arg9: memref<80xi32, #tpu.memory_space<vmem>>, %arg10: memref<80xi32, #tpu.memory_space<vmem>>, %arg11: memref<80xf32, #tpu.memory_space<vmem>>, %arg12: memref<80xf32, #tpu.memory_space<vmem>>, %arg13: memref<80xf32, #tpu.memory_space<vmem>>, %arg14: memref<80xf32, #tpu.memory_space<vmem>>, %arg15: memref<80x128xf32, #tpu.memory_space<vmem>>, %arg16: memref<80x128xf32, #tpu.memory_space<vmem>>, %arg17: memref<80x128xf32, #tpu.memory_space<vmem>>, %arg18: memref<80x128xf32, #tpu.memory_space<vmem>>, %arg19: memref<2000xf32, #tpu.memory_space<vmem>>, %arg20: memref<10000x128xf32, #tpu.memory_space<vmem_shared>>, %arg21: memref<10000xf32, #tpu.memory_space<vmem_shared>>, %arg22: memref<!tpu.dma_semaphore, #tpu.memory_space<semaphore_mem>>, %arg23: memref<!tpu.dma_semaphore, #tpu.memory_space<semaphore_mem>>, %arg24: memref<!tpu.dma_semaphore, #tpu.memory_space<semaphore_mem>>, %arg25: memref<!tpu.dma_semaphore, #tpu.memory_space<semaphore_mem>>, %arg26: memref<!tpu.dma_semaphore, #tpu.memory_space<semaphore_mem>>, %arg27: memref<!tpu.dma_semaphore, #tpu.memory_space<semaphore_mem>>, %arg28: memref<!tpu.dma_semaphore, #tpu.memory_space<semaphore_mem>>, %arg29: memref<!tpu.dma_semaphore, #tpu.memory_space<semaphore_mem>>, %arg30: memref<!tpu.dma_semaphore, #tpu.memory_space<semaphore_mem>>, %arg31: memref<!tpu.dma_semaphore, #tpu.memory_space<semaphore_mem>>, %arg32: memref<!tpu.dma_semaphore, #tpu.memory_space<semaphore_mem>>, %arg33: memref<!tpu.dma_semaphore, #tpu.memory_space<semaphore_mem>>, %arg34: memref<!tpu.dma_semaphore, #tpu.memory_space<semaphore_mem>>, %arg35: memref<!tpu.dma_semaphore, #tpu.memory_space<semaphore_mem>>, %arg36: memref<!tpu.dma_semaphore, #tpu.memory_space<semaphore_mem>>, %arg37: memref<!tpu.dma_semaphore, #tpu.memory_space<semaphore_mem>>) attributes {dimension_semantics = [#tpu.dimension_semantics<core_parallel>, #tpu.dimension_semantics<subcore_parallel>], iteration_bounds = array<i64: 2, 16>, scalar_prefetch = 0 : i64, scratch_operands = 31 : i64, tpu.core_type = #tpu.core_type<sc_vector_subcore>, window_params = [{transform_indices = #map}, {transform_indices = #map1}, {transform_indices = #map1}, {transform_indices = #map2}, {transform_indices = #map2}]} {
    %mul3A = arith.constant 2 : i32
    %mul3A_0 = arith.muli %arg1, %mul3A : i32
    %add3A = arith.addi %mul3A_0, %arg0 : i32
    %mul3A_1 = arith.constant 10000 : i32
    %mul3A_2 = arith.muli %add3A, %mul3A_1 : i32
    %broadcast_in_dim3A = arith.constant 0.000000e+00 : f32
    %broadcast_in_dim3A_3 = vector.broadcast %broadcast_in_dim3A : f32 to vector<16xf32>
    %scan3A = arith.constant 0 : i32
    %scan3A_4 = arith.constant 0 : i32
    %scan3A_5 = arith.constant 640 : i32
    %scan3A_6 = arith.addi %scan3A_4, %scan3A_5 : i32
    %scan3A_7 = arith.constant 1 : i32
    scf.for %scan3A_258 = %scan3A_4 to %scan3A_6 step %scan3A_7  : i32 {
      %jit3A = arith.constant 8 : i32
      %div3A = arith.divsi %scan3A_258, %jit3A : i32
      %sign3A = arith.constant 0 : i32
      %sign3A_259 = arith.cmpi sgt, %scan3A_258, %sign3A : i32
      %sign3A_260 = arith.extui %sign3A_259 : i1 to i32
      %sign3A_261 = arith.constant 0 : i32
      %sign3A_262 = arith.cmpi slt, %scan3A_258, %sign3A_261 : i32
      %sign3A_263 = arith.extui %sign3A_262 : i1 to i32
      %sign3A_264 = arith.subi %sign3A_260, %sign3A_263 : i32
      %sign3A_265 = arith.constant 0 : i32
      %sign3A_266 = arith.cmpi sgt, %jit3A, %sign3A_265 : i32
      %sign3A_267 = arith.extui %sign3A_266 : i1 to i32
      %sign3A_268 = arith.constant 0 : i32
      %sign3A_269 = arith.cmpi slt, %jit3A, %sign3A_268 : i32
      %sign3A_270 = arith.extui %sign3A_269 : i1 to i32
      %sign3A_271 = arith.subi %sign3A_267, %sign3A_270 : i32
      %ne3A = arith.cmpi ne, %sign3A_264, %sign3A_271 : i32
      %rem3A = arith.remsi %scan3A_258, %jit3A : i32
      %ne3A_272 = arith.constant 0 : i32
      %ne3A_273 = arith.cmpi ne, %rem3A, %ne3A_272 : i32
      %and3A = arith.andi %ne3A, %ne3A_273 : i1
      %sub3A = arith.constant 1 : i32
      %sub3A_274 = arith.subi %div3A, %sub3A : i32
      %select_n3A = arith.select %and3A, %sub3A_274, %div3A : i32
      %jit3A_275 = arith.constant 8 : i32
      %eq3A_276 = arith.constant 0 : i32
      %eq3A_277 = arith.cmpi eq, %jit3A_275, %eq3A_276 : i32
      %jit3A_278 = arith.constant 1 : i32
      %select_n3A_279 = arith.select %eq3A_277, %jit3A_278, %jit3A_275 : i32
      %rem3A_280 = arith.remsi %scan3A_258, %select_n3A_279 : i32
      %ne3A_281 = arith.constant 0 : i32
      %ne3A_282 = arith.cmpi ne, %rem3A_280, %ne3A_281 : i32
      %lt3A_283 = arith.constant 0 : i32
      %lt3A_284 = arith.cmpi slt, %rem3A_280, %lt3A_283 : i32
      %lt3A_285 = arith.constant 0 : i32
      %lt3A_286 = arith.cmpi slt, %select_n3A_279, %lt3A_285 : i32
      %ne3A_287 = arith.xori %lt3A_284, %lt3A_286 : i1
      %and3A_288 = arith.andi %ne3A_287, %ne3A_282 : i1
      %add3A_289 = arith.addi %rem3A_280, %select_n3A_279 : i32
      %select_n3A_290 = arith.select %and3A_288, %add3A_289, %rem3A_280 : i32
      %mul3A_291 = arith.constant 16 : i32
      %mul3A_292 = arith.muli %select_n3A_290, %mul3A_291 : i32
      %swap3A = arith.index_cast %select_n3A : i32 to index
      %swap3A_293 = arith.index_cast %mul3A_292 : i32 to index
      %swap3A_294 = tpu.vector_load %arg15[%swap3A, %swap3A_293] {strides = array<i32>} : memref<80x128xf32, #tpu.memory_space<vmem>>, vector<1x16xf32>,
      %swap3A_295 = vector.shape_cast %swap3A_294 : vector<1x16xf32> to vector<16xf32>
      %swap3A_296 = vector.shape_cast %broadcast_in_dim3A_3 : vector<16xf32> to vector<1x16xf32>
      tpu.vector_store %arg15[%swap3A, %swap3A_293], %swap3A_296 {strides = array<i32>} : memref<80x128xf32, #tpu.memory_space<vmem>>, vector<1x16xf32>,
    }
    %scan3A_8 = arith.constant 640 : i32
    %scan3A_9 = arith.constant 0 : i32
    %scan3A_10 = arith.constant 0 : i32
    %scan3A_11 = arith.constant 125 : i32
    %scan3A_12 = arith.addi %scan3A_10, %scan3A_11 : i32
    %scan3A_13 = arith.constant 1 : i32
    scf.for %scan3A_258 = %scan3A_10 to %scan3A_12 step %scan3A_13  : i32 {
      %mul3A_259 = arith.constant 16 : i32
      %mul3A_260 = arith.muli %scan3A_258, %mul3A_259 : i32
      %swap3A = arith.index_cast %mul3A_260 : i32 to index
      %swap3A_261 = tpu.vector_load %arg19[%swap3A] {strides = array<i32>} : memref<2000xf32, #tpu.memory_space<vmem>>, vector<16xf32>,
      %swap3A_262 = vector.shape_cast %swap3A_261 : vector<16xf32> to vector<16xf32>
      %swap3A_263 = vector.shape_cast %broadcast_in_dim3A_3 : vector<16xf32> to vector<16xf32>
      tpu.vector_store %arg19[%swap3A], %swap3A_263 {strides = array<i32>} : memref<2000xf32, #tpu.memory_space<vmem>>, vector<16xf32>,
    }
    %scan3A_14 = arith.constant 125 : i32
    %add3A_15 = arith.constant 0 : i32
    %add3A_16 = arith.addi %arg1, %add3A_15 : i32
    %lt3A = arith.constant 125 : i32
    %lt3A_17 = arith.cmpi slt, %add3A_16, %lt3A : i32
    %convert_element_type3A = arith.extui %lt3A_17 : i1 to i32
    %cond3A = arith.constant 0 : i32
    %cond3A_18 = arith.cmpi ne, %convert_element_type3A, %cond3A : i32
    scf.if %cond3A_18 {
      %mul3A_258 = arith.constant 80 : i32
      %mul3A_259 = arith.muli %add3A_16, %mul3A_258 : i32
      "tpu.region"() ({
        %run_scoped3A = tpu.sem_alloc : memref<!tpu.dma_semaphore, #tpu.memory_space<semaphore_mem>>
        %dma_start3A_260 = arith.constant 0 : i32
        %dma_start3A_261 = tpu.memref_slice %arg20[%mul3A_259, %dma_start3A_260] : memref<10000x128xf32, #tpu.memory_space<vmem_shared>> -> memref<80x128xf32, #tpu.memory_space<vmem_shared>>
        %dma_start3A_262 = arith.constant 0 : i32
        %dma_start3A_263 = tpu.memref_slice %arg20[%mul3A_259, %dma_start3A_262] : memref<10000x128xf32, #tpu.memory_space<vmem_shared>> -> memref<80x128xf32, #tpu.memory_space<vmem_shared>>
        tpu.enqueue_dma source(%arg15 : memref<80x128xf32, #tpu.memory_space<vmem>>) target(%dma_start3A_263 : memref<80x128xf32, #tpu.memory_space<vmem_shared>>) target_semaphore(%run_scoped3A : memref<!tpu.dma_semaphore, #tpu.memory_space<semaphore_mem>>)
        %dma_wait3A_264 = arith.constant 0 : i32
        %dma_wait3A_265 = tpu.memref_slice %arg20[%mul3A_259, %dma_wait3A_264] : memref<10000x128xf32, #tpu.memory_space<vmem_shared>> -> memref<80x128xf32, #tpu.memory_space<vmem_shared>>
        %dma_wait3A_266 = arith.constant 0 : i32
        %dma_wait3A_267 = tpu.memref_slice %arg20[%mul3A_259, %dma_wait3A_266] : memref<10000x128xf32, #tpu.memory_space<vmem_shared>> -> memref<80x128xf32, #tpu.memory_space<vmem_shared>>
        tpu.wait_dma2 semaphore(%run_scoped3A : memref<!tpu.dma_semaphore, #tpu.memory_space<semaphore_mem>>) src(%arg15 : memref<80x128xf32, #tpu.memory_space<vmem>>) dst(%dma_wait3A_267 : memref<80x128xf32, #tpu.memory_space<vmem_shared>>)
        tpu.yield
      }) : () -> ()
    } else {
    }
    %add3A_19 = arith.constant 16 : i32
    %add3A_20 = arith.addi %arg1, %add3A_19 : i32
    %lt3A_21 = arith.constant 125 : i32
    %lt3A_22 = arith.cmpi slt, %add3A_20, %lt3A_21 : i32
    %convert_element_type3A_23 = arith.extui %lt3A_22 : i1 to i32
    %cond3A_24 = arith.constant 0 : i32
    %cond3A_25 = arith.cmpi ne, %convert_element_type3A_23, %cond3A_24 : i32
    scf.if %cond3A_25 {
      %mul3A_258 = arith.constant 80 : i32
      %mul3A_259 = arith.muli %add3A_20, %mul3A_258 : i32
      "tpu.region"() ({
        %run_scoped3A = tpu.sem_alloc : memref<!tpu.dma_semaphore, #tpu.memory_space<semaphore_mem>>
        %dma_start3A_260 = arith.constant 0 : i32
        %dma_start3A_261 = tpu.memref_slice %arg20[%mul3A_259, %dma_start3A_260] : memref<10000x128xf32, #tpu.memory_space<vmem_shared>> -> memref<80x128xf32, #tpu.memory_space<vmem_shared>>
        %dma_start3A_262 = arith.constant 0 : i32
        %dma_start3A_263 = tpu.memref_slice %arg20[%mul3A_259, %dma_start3A_262] : memref<10000x128xf32, #tpu.memory_space<vmem_shared>> -> memref<80x128xf32, #tpu.memory_space<vmem_shared>>
        tpu.enqueue_dma source(%arg15 : memref<80x128xf32, #tpu.memory_space<vmem>>) target(%dma_start3A_263 : memref<80x128xf32, #tpu.memory_space<vmem_shared>>) target_semaphore(%run_scoped3A : memref<!tpu.dma_semaphore, #tpu.memory_space<semaphore_mem>>)
        %dma_wait3A_264 = arith.constant 0 : i32
        %dma_wait3A_265 = tpu.memref_slice %arg20[%mul3A_259, %dma_wait3A_264] : memref<10000x128xf32, #tpu.memory_space<vmem_shared>> -> memref<80x128xf32, #tpu.memory_space<vmem_shared>>
        %dma_wait3A_266 = arith.constant 0 : i32
        %dma_wait3A_267 = tpu.memref_slice %arg20[%mul3A_259, %dma_wait3A_266] : memref<10000x128xf32, #tpu.memory_space<vmem_shared>> -> memref<80x128xf32, #tpu.memory_space<vmem_shared>>
        tpu.wait_dma2 semaphore(%run_scoped3A : memref<!tpu.dma_semaphore, #tpu.memory_space<semaphore_mem>>) src(%arg15 : memref<80x128xf32, #tpu.memory_space<vmem>>) dst(%dma_wait3A_267 : memref<80x128xf32, #tpu.memory_space<vmem_shared>>)
        tpu.yield
      }) : () -> ()
    } else {
    }
    %add3A_26 = arith.constant 32 : i32
    %add3A_27 = arith.addi %arg1, %add3A_26 : i32
    %lt3A_28 = arith.constant 125 : i32
    %lt3A_29 = arith.cmpi slt, %add3A_27, %lt3A_28 : i32
    %convert_element_type3A_30 = arith.extui %lt3A_29 : i1 to i32
    %cond3A_31 = arith.constant 0 : i32
    %cond3A_32 = arith.cmpi ne, %convert_element_type3A_30, %cond3A_31 : i32
    scf.if %cond3A_32 {
      %mul3A_258 = arith.constant 80 : i32
      %mul3A_259 = arith.muli %add3A_27, %mul3A_258 : i32
      "tpu.region"() ({
        %run_scoped3A = tpu.sem_alloc : memref<!tpu.dma_semaphore, #tpu.memory_space<semaphore_mem>>
        %dma_start3A_260 = arith.constant 0 : i32
        %dma_start3A_261 = tpu.memref_slice %arg20[%mul3A_259, %dma_start3A_260] : memref<10000x128xf32, #tpu.memory_space<vmem_shared>> -> memref<80x128xf32, #tpu.memory_space<vmem_shared>>
        %dma_start3A_262 = arith.constant 0 : i32
        %dma_start3A_263 = tpu.memref_slice %arg20[%mul3A_259, %dma_start3A_262] : memref<10000x128xf32, #tpu.memory_space<vmem_shared>> -> memref<80x128xf32, #tpu.memory_space<vmem_shared>>
        tpu.enqueue_dma source(%arg15 : memref<80x128xf32, #tpu.memory_space<vmem>>) target(%dma_start3A_263 : memref<80x128xf32, #tpu.memory_space<vmem_shared>>) target_semaphore(%run_scoped3A : memref<!tpu.dma_semaphore, #tpu.memory_space<semaphore_mem>>)
        %dma_wait3A_264 = arith.constant 0 : i32
        %dma_wait3A_265 = tpu.memref_slice %arg20[%mul3A_259, %dma_wait3A_264] : memref<10000x128xf32, #tpu.memory_space<vmem_shared>> -> memref<80x128xf32, #tpu.memory_space<vmem_shared>>
        %dma_wait3A_266 = arith.constant 0 : i32
        %dma_wait3A_267 = tpu.memref_slice %arg20[%mul3A_259, %dma_wait3A_266] : memref<10000x128xf32, #tpu.memory_space<vmem_shared>> -> memref<80x128xf32, #tpu.memory_space<vmem_shared>>
        tpu.wait_dma2 semaphore(%run_scoped3A : memref<!tpu.dma_semaphore, #tpu.memory_space<semaphore_mem>>) src(%arg15 : memref<80x128xf32, #tpu.memory_space<vmem>>) dst(%dma_wait3A_267 : memref<80x128xf32, #tpu.memory_space<vmem_shared>>)
        tpu.yield
      }) : () -> ()
    } else {
    }
    %add3A_33 = arith.constant 48 : i32
    %add3A_34 = arith.addi %arg1, %add3A_33 : i32
    %lt3A_35 = arith.constant 125 : i32
    %lt3A_36 = arith.cmpi slt, %add3A_34, %lt3A_35 : i32
    %convert_element_type3A_37 = arith.extui %lt3A_36 : i1 to i32
    %cond3A_38 = arith.constant 0 : i32
    %cond3A_39 = arith.cmpi ne, %convert_element_type3A_37, %cond3A_38 : i32
    scf.if %cond3A_39 {
      %mul3A_258 = arith.constant 80 : i32
      %mul3A_259 = arith.muli %add3A_34, %mul3A_258 : i32
      "tpu.region"() ({
        %run_scoped3A = tpu.sem_alloc : memref<!tpu.dma_semaphore, #tpu.memory_space<semaphore_mem>>
        %dma_start3A_260 = arith.constant 0 : i32
        %dma_start3A_261 = tpu.memref_slice %arg20[%mul3A_259, %dma_start3A_260] : memref<10000x128xf32, #tpu.memory_space<vmem_shared>> -> memref<80x128xf32, #tpu.memory_space<vmem_shared>>
        %dma_start3A_262 = arith.constant 0 : i32
        %dma_start3A_263 = tpu.memref_slice %arg20[%mul3A_259, %dma_start3A_262] : memref<10000x128xf32, #tpu.memory_space<vmem_shared>> -> memref<80x128xf32, #tpu.memory_space<vmem_shared>>
        tpu.enqueue_dma source(%arg15 : memref<80x128xf32, #tpu.memory_space<vmem>>) target(%dma_start3A_263 : memref<80x128xf32, #tpu.memory_space<vmem_shared>>) target_semaphore(%run_scoped3A : memref<!tpu.dma_semaphore, #tpu.memory_space<semaphore_mem>>)
        %dma_wait3A_264 = arith.constant 0 : i32
        %dma_wait3A_265 = tpu.memref_slice %arg20[%mul3A_259, %dma_wait3A_264] : memref<10000x128xf32, #tpu.memory_space<vmem_shared>> -> memref<80x128xf32, #tpu.memory_space<vmem_shared>>
        %dma_wait3A_266 = arith.constant 0 : i32
        %dma_wait3A_267 = tpu.memref_slice %arg20[%mul3A_259, %dma_wait3A_266] : memref<10000x128xf32, #tpu.memory_space<vmem_shared>> -> memref<80x128xf32, #tpu.memory_space<vmem_shared>>
        tpu.wait_dma2 semaphore(%run_scoped3A : memref<!tpu.dma_semaphore, #tpu.memory_space<semaphore_mem>>) src(%arg15 : memref<80x128xf32, #tpu.memory_space<vmem>>) dst(%dma_wait3A_267 : memref<80x128xf32, #tpu.memory_space<vmem_shared>>)
        tpu.yield
      }) : () -> ()
    } else {
    }
    %add3A_40 = arith.constant 64 : i32
    %add3A_41 = arith.addi %arg1, %add3A_40 : i32
    %lt3A_42 = arith.constant 125 : i32
    %lt3A_43 = arith.cmpi slt, %add3A_41, %lt3A_42 : i32
    %convert_element_type3A_44 = arith.extui %lt3A_43 : i1 to i32
    %cond3A_45 = arith.constant 0 : i32
    %cond3A_46 = arith.cmpi ne, %convert_element_type3A_44, %cond3A_45 : i32
    scf.if %cond3A_46 {
      %mul3A_258 = arith.constant 80 : i32
      %mul3A_259 = arith.muli %add3A_41, %mul3A_258 : i32
      "tpu.region"() ({
        %run_scoped3A = tpu.sem_alloc : memref<!tpu.dma_semaphore, #tpu.memory_space<semaphore_mem>>
        %dma_start3A_260 = arith.constant 0 : i32
        %dma_start3A_261 = tpu.memref_slice %arg20[%mul3A_259, %dma_start3A_260] : memref<10000x128xf32, #tpu.memory_space<vmem_shared>> -> memref<80x128xf32, #tpu.memory_space<vmem_shared>>
        %dma_start3A_262 = arith.constant 0 : i32
        %dma_start3A_263 = tpu.memref_slice %arg20[%mul3A_259, %dma_start3A_262] : memref<10000x128xf32, #tpu.memory_space<vmem_shared>> -> memref<80x128xf32, #tpu.memory_space<vmem_shared>>
        tpu.enqueue_dma source(%arg15 : memref<80x128xf32, #tpu.memory_space<vmem>>) target(%dma_start3A_263 : memref<80x128xf32, #tpu.memory_space<vmem_shared>>) target_semaphore(%run_scoped3A : memref<!tpu.dma_semaphore, #tpu.memory_space<semaphore_mem>>)
        %dma_wait3A_264 = arith.constant 0 : i32
        %dma_wait3A_265 = tpu.memref_slice %arg20[%mul3A_259, %dma_wait3A_264] : memref<10000x128xf32, #tpu.memory_space<vmem_shared>> -> memref<80x128xf32, #tpu.memory_space<vmem_shared>>
        %dma_wait3A_266 = arith.constant 0 : i32
        %dma_wait3A_267 = tpu.memref_slice %arg20[%mul3A_259, %dma_wait3A_266] : memref<10000x128xf32, #tpu.memory_space<vmem_shared>> -> memref<80x128xf32, #tpu.memory_space<vmem_shared>>
        tpu.wait_dma2 semaphore(%run_scoped3A : memref<!tpu.dma_semaphore, #tpu.memory_space<semaphore_mem>>) src(%arg15 : memref<80x128xf32, #tpu.memory_space<vmem>>) dst(%dma_wait3A_267 : memref<80x128xf32, #tpu.memory_space<vmem_shared>>)
        tpu.yield
      }) : () -> ()
    } else {
    }
    %add3A_47 = arith.constant 80 : i32
    %add3A_48 = arith.addi %arg1, %add3A_47 : i32
    %lt3A_49 = arith.constant 125 : i32
    %lt3A_50 = arith.cmpi slt, %add3A_48, %lt3A_49 : i32
    %convert_element_type3A_51 = arith.extui %lt3A_50 : i1 to i32
    %cond3A_52 = arith.constant 0 : i32
    %cond3A_53 = arith.cmpi ne, %convert_element_type3A_51, %cond3A_52 : i32
    scf.if %cond3A_53 {
      %mul3A_258 = arith.constant 80 : i32
      %mul3A_259 = arith.muli %add3A_48, %mul3A_258 : i32
      "tpu.region"() ({
        %run_scoped3A = tpu.sem_alloc : memref<!tpu.dma_semaphore, #tpu.memory_space<semaphore_mem>>
        %dma_start3A_260 = arith.constant 0 : i32
        %dma_start3A_261 = tpu.memref_slice %arg20[%mul3A_259, %dma_start3A_260] : memref<10000x128xf32, #tpu.memory_space<vmem_shared>> -> memref<80x128xf32, #tpu.memory_space<vmem_shared>>
        %dma_start3A_262 = arith.constant 0 : i32
        %dma_start3A_263 = tpu.memref_slice %arg20[%mul3A_259, %dma_start3A_262] : memref<10000x128xf32, #tpu.memory_space<vmem_shared>> -> memref<80x128xf32, #tpu.memory_space<vmem_shared>>
        tpu.enqueue_dma source(%arg15 : memref<80x128xf32, #tpu.memory_space<vmem>>) target(%dma_start3A_263 : memref<80x128xf32, #tpu.memory_space<vmem_shared>>) target_semaphore(%run_scoped3A : memref<!tpu.dma_semaphore, #tpu.memory_space<semaphore_mem>>)
        %dma_wait3A_264 = arith.constant 0 : i32
        %dma_wait3A_265 = tpu.memref_slice %arg20[%mul3A_259, %dma_wait3A_264] : memref<10000x128xf32, #tpu.memory_space<vmem_shared>> -> memref<80x128xf32, #tpu.memory_space<vmem_shared>>
        %dma_wait3A_266 = arith.constant 0 : i32
        %dma_wait3A_267 = tpu.memref_slice %arg20[%mul3A_259, %dma_wait3A_266] : memref<10000x128xf32, #tpu.memory_space<vmem_shared>> -> memref<80x128xf32, #tpu.memory_space<vmem_shared>>
        tpu.wait_dma2 semaphore(%run_scoped3A : memref<!tpu.dma_semaphore, #tpu.memory_space<semaphore_mem>>) src(%arg15 : memref<80x128xf32, #tpu.memory_space<vmem>>) dst(%dma_wait3A_267 : memref<80x128xf32, #tpu.memory_space<vmem_shared>>)
        tpu.yield
      }) : () -> ()
    } else {
    }
    %add3A_54 = arith.constant 96 : i32
    %add3A_55 = arith.addi %arg1, %add3A_54 : i32
    %lt3A_56 = arith.constant 125 : i32
    %lt3A_57 = arith.cmpi slt, %add3A_55, %lt3A_56 : i32
    %convert_element_type3A_58 = arith.extui %lt3A_57 : i1 to i32
    %cond3A_59 = arith.constant 0 : i32
    %cond3A_60 = arith.cmpi ne, %convert_element_type3A_58, %cond3A_59 : i32
    scf.if %cond3A_60 {
      %mul3A_258 = arith.constant 80 : i32
      %mul3A_259 = arith.muli %add3A_55, %mul3A_258 : i32
      "tpu.region"() ({
        %run_scoped3A = tpu.sem_alloc : memref<!tpu.dma_semaphore, #tpu.memory_space<semaphore_mem>>
        %dma_start3A_260 = arith.constant 0 : i32
        %dma_start3A_261 = tpu.memref_slice %arg20[%mul3A_259, %dma_start3A_260] : memref<10000x128xf32, #tpu.memory_space<vmem_shared>> -> memref<80x128xf32, #tpu.memory_space<vmem_shared>>
        %dma_start3A_262 = arith.constant 0 : i32
        %dma_start3A_263 = tpu.memref_slice %arg20[%mul3A_259, %dma_start3A_262] : memref<10000x128xf32, #tpu.memory_space<vmem_shared>> -> memref<80x128xf32, #tpu.memory_space<vmem_shared>>
        tpu.enqueue_dma source(%arg15 : memref<80x128xf32, #tpu.memory_space<vmem>>) target(%dma_start3A_263 : memref<80x128xf32, #tpu.memory_space<vmem_shared>>) target_semaphore(%run_scoped3A : memref<!tpu.dma_semaphore, #tpu.memory_space<semaphore_mem>>)
        %dma_wait3A_264 = arith.constant 0 : i32
        %dma_wait3A_265 = tpu.memref_slice %arg20[%mul3A_259, %dma_wait3A_264] : memref<10000x128xf32, #tpu.memory_space<vmem_shared>> -> memref<80x128xf32, #tpu.memory_space<vmem_shared>>
        %dma_wait3A_266 = arith.constant 0 : i32
        %dma_wait3A_267 = tpu.memref_slice %arg20[%mul3A_259, %dma_wait3A_266] : memref<10000x128xf32, #tpu.memory_space<vmem_shared>> -> memref<80x128xf32, #tpu.memory_space<vmem_shared>>
        tpu.wait_dma2 semaphore(%run_scoped3A : memref<!tpu.dma_semaphore, #tpu.memory_space<semaphore_mem>>) src(%arg15 : memref<80x128xf32, #tpu.memory_space<vmem>>) dst(%dma_wait3A_267 : memref<80x128xf32, #tpu.memory_space<vmem_shared>>)
        tpu.yield
      }) : () -> ()
    } else {
    }
    %add3A_61 = arith.constant 112 : i32
    %add3A_62 = arith.addi %arg1, %add3A_61 : i32
    %lt3A_63 = arith.constant 125 : i32
    %lt3A_64 = arith.cmpi slt, %add3A_62, %lt3A_63 : i32
    %convert_element_type3A_65 = arith.extui %lt3A_64 : i1 to i32
    %cond3A_66 = arith.constant 0 : i32
    %cond3A_67 = arith.cmpi ne, %convert_element_type3A_65, %cond3A_66 : i32
    scf.if %cond3A_67 {
      %mul3A_258 = arith.constant 80 : i32
      %mul3A_259 = arith.muli %add3A_62, %mul3A_258 : i32
      "tpu.region"() ({
        %run_scoped3A = tpu.sem_alloc : memref<!tpu.dma_semaphore, #tpu.memory_space<semaphore_mem>>
        %dma_start3A_260 = arith.constant 0 : i32
        %dma_start3A_261 = tpu.memref_slice %arg20[%mul3A_259, %dma_start3A_260] : memref<10000x128xf32, #tpu.memory_space<vmem_shared>> -> memref<80x128xf32, #tpu.memory_space<vmem_shared>>
        %dma_start3A_262 = arith.constant 0 : i32
        %dma_start3A_263 = tpu.memref_slice %arg20[%mul3A_259, %dma_start3A_262] : memref<10000x128xf32, #tpu.memory_space<vmem_shared>> -> memref<80x128xf32, #tpu.memory_space<vmem_shared>>
        tpu.enqueue_dma source(%arg15 : memref<80x128xf32, #tpu.memory_space<vmem>>) target(%dma_start3A_263 : memref<80x128xf32, #tpu.memory_space<vmem_shared>>) target_semaphore(%run_scoped3A : memref<!tpu.dma_semaphore, #tpu.memory_space<semaphore_mem>>)
        %dma_wait3A_264 = arith.constant 0 : i32
        %dma_wait3A_265 = tpu.memref_slice %arg20[%mul3A_259, %dma_wait3A_264] : memref<10000x128xf32, #tpu.memory_space<vmem_shared>> -> memref<80x128xf32, #tpu.memory_space<vmem_shared>>
        %dma_wait3A_266 = arith.constant 0 : i32
        %dma_wait3A_267 = tpu.memref_slice %arg20[%mul3A_259, %dma_wait3A_266] : memref<10000x128xf32, #tpu.memory_space<vmem_shared>> -> memref<80x128xf32, #tpu.memory_space<vmem_shared>>
        tpu.wait_dma2 semaphore(%run_scoped3A : memref<!tpu.dma_semaphore, #tpu.memory_space<semaphore_mem>>) src(%arg15 : memref<80x128xf32, #tpu.memory_space<vmem>>) dst(%dma_wait3A_267 : memref<80x128xf32, #tpu.memory_space<vmem_shared>>)
        tpu.yield
      }) : () -> ()
    } else {
    }
    %eq3A = arith.constant 0 : i32
    %eq3A_68 = arith.cmpi eq, %arg1, %eq3A : i32
    %convert_element_type3A_69 = arith.extui %eq3A_68 : i1 to i32
    %cond3A_70 = arith.constant 0 : i32
    %cond3A_71 = arith.cmpi ne, %convert_element_type3A_69, %cond3A_70 : i32
    scf.if %cond3A_71 {
      "tpu.region"() ({
        %run_scoped3A = tpu.sem_alloc : memref<!tpu.dma_semaphore, #tpu.memory_space<semaphore_mem>>
        %dma_start3A_258 = arith.constant 0 : i32
        %dma_start3A_259 = tpu.memref_slice %arg21[%dma_start3A_258] : memref<10000xf32, #tpu.memory_space<vmem_shared>> -> memref<2000xf32, #tpu.memory_space<vmem_shared>>
        %dma_start3A_260 = arith.constant 0 : i32
        %dma_start3A_261 = tpu.memref_slice %arg21[%dma_start3A_260] : memref<10000xf32, #tpu.memory_space<vmem_shared>> -> memref<2000xf32, #tpu.memory_space<vmem_shared>>
        tpu.enqueue_dma source(%arg19 : memref<2000xf32, #tpu.memory_space<vmem>>) target(%dma_start3A_261 : memref<2000xf32, #tpu.memory_space<vmem_shared>>) target_semaphore(%run_scoped3A : memref<!tpu.dma_semaphore, #tpu.memory_space<semaphore_mem>>)
        %dma_wait3A_262 = arith.constant 0 : i32
        %dma_wait3A_263 = tpu.memref_slice %arg21[%dma_wait3A_262] : memref<10000xf32, #tpu.memory_space<vmem_shared>> -> memref<2000xf32, #tpu.memory_space<vmem_shared>>
        %dma_wait3A_264 = arith.constant 0 : i32
        %dma_wait3A_265 = tpu.memref_slice %arg21[%dma_wait3A_264] : memref<10000xf32, #tpu.memory_space<vmem_shared>> -> memref<2000xf32, #tpu.memory_space<vmem_shared>>
        tpu.wait_dma2 semaphore(%run_scoped3A : memref<!tpu.dma_semaphore, #tpu.memory_space<semaphore_mem>>) src(%arg19 : memref<2000xf32, #tpu.memory_space<vmem>>) dst(%dma_wait3A_265 : memref<2000xf32, #tpu.memory_space<vmem_shared>>)
        tpu.yield
      }) : () -> ()
      "tpu.region"() ({
        %run_scoped3A = tpu.sem_alloc : memref<!tpu.dma_semaphore, #tpu.memory_space<semaphore_mem>>
        %dma_start3A_258 = arith.constant 2000 : i32
        %dma_start3A_259 = tpu.memref_slice %arg21[%dma_start3A_258] : memref<10000xf32, #tpu.memory_space<vmem_shared>> -> memref<2000xf32, #tpu.memory_space<vmem_shared>>
        %dma_start3A_260 = arith.constant 2000 : i32
        %dma_start3A_261 = tpu.memref_slice %arg21[%dma_start3A_260] : memref<10000xf32, #tpu.memory_space<vmem_shared>> -> memref<2000xf32, #tpu.memory_space<vmem_shared>>
        tpu.enqueue_dma source(%arg19 : memref<2000xf32, #tpu.memory_space<vmem>>) target(%dma_start3A_261 : memref<2000xf32, #tpu.memory_space<vmem_shared>>) target_semaphore(%run_scoped3A : memref<!tpu.dma_semaphore, #tpu.memory_space<semaphore_mem>>)
        %dma_wait3A_262 = arith.constant 2000 : i32
        %dma_wait3A_263 = tpu.memref_slice %arg21[%dma_wait3A_262] : memref<10000xf32, #tpu.memory_space<vmem_shared>> -> memref<2000xf32, #tpu.memory_space<vmem_shared>>
        %dma_wait3A_264 = arith.constant 2000 : i32
        %dma_wait3A_265 = tpu.memref_slice %arg21[%dma_wait3A_264] : memref<10000xf32, #tpu.memory_space<vmem_shared>> -> memref<2000xf32, #tpu.memory_space<vmem_shared>>
        tpu.wait_dma2 semaphore(%run_scoped3A : memref<!tpu.dma_semaphore, #tpu.memory_space<semaphore_mem>>) src(%arg19 : memref<2000xf32, #tpu.memory_space<vmem>>) dst(%dma_wait3A_265 : memref<2000xf32, #tpu.memory_space<vmem_shared>>)
        tpu.yield
      }) : () -> ()
      "tpu.region"() ({
        %run_scoped3A = tpu.sem_alloc : memref<!tpu.dma_semaphore, #tpu.memory_space<semaphore_mem>>
        %dma_start3A_258 = arith.constant 4000 : i32
        %dma_start3A_259 = tpu.memref_slice %arg21[%dma_start3A_258] : memref<10000xf32, #tpu.memory_space<vmem_shared>> -> memref<2000xf32, #tpu.memory_space<vmem_shared>>
        %dma_start3A_260 = arith.constant 4000 : i32
        %dma_start3A_261 = tpu.memref_slice %arg21[%dma_start3A_260] : memref<10000xf32, #tpu.memory_space<vmem_shared>> -> memref<2000xf32, #tpu.memory_space<vmem_shared>>
        tpu.enqueue_dma source(%arg19 : memref<2000xf32, #tpu.memory_space<vmem>>) target(%dma_start3A_261 : memref<2000xf32, #tpu.memory_space<vmem_shared>>) target_semaphore(%run_scoped3A : memref<!tpu.dma_semaphore, #tpu.memory_space<semaphore_mem>>)
        %dma_wait3A_262 = arith.constant 4000 : i32
        %dma_wait3A_263 = tpu.memref_slice %arg21[%dma_wait3A_262] : memref<10000xf32, #tpu.memory_space<vmem_shared>> -> memref<2000xf32, #tpu.memory_space<vmem_shared>>
        %dma_wait3A_264 = arith.constant 4000 : i32
        %dma_wait3A_265 = tpu.memref_slice %arg21[%dma_wait3A_264] : memref<10000xf32, #tpu.memory_space<vmem_shared>> -> memref<2000xf32, #tpu.memory_space<vmem_shared>>
        tpu.wait_dma2 semaphore(%run_scoped3A : memref<!tpu.dma_semaphore, #tpu.memory_space<semaphore_mem>>) src(%arg19 : memref<2000xf32, #tpu.memory_space<vmem>>) dst(%dma_wait3A_265 : memref<2000xf32, #tpu.memory_space<vmem_shared>>)
        tpu.yield
      }) : () -> ()
      "tpu.region"() ({
        %run_scoped3A = tpu.sem_alloc : memref<!tpu.dma_semaphore, #tpu.memory_space<semaphore_mem>>
        %dma_start3A_258 = arith.constant 6000 : i32
        %dma_start3A_259 = tpu.memref_slice %arg21[%dma_start3A_258] : memref<10000xf32, #tpu.memory_space<vmem_shared>> -> memref<2000xf32, #tpu.memory_space<vmem_shared>>
        %dma_start3A_260 = arith.constant 6000 : i32
        %dma_start3A_261 = tpu.memref_slice %arg21[%dma_start3A_260] : memref<10000xf32, #tpu.memory_space<vmem_shared>> -> memref<2000xf32, #tpu.memory_space<vmem_shared>>
        tpu.enqueue_dma source(%arg19 : memref<2000xf32, #tpu.memory_space<vmem>>) target(%dma_start3A_261 : memref<2000xf32, #tpu.memory_space<vmem_shared>>) target_semaphore(%run_scoped3A : memref<!tpu.dma_semaphore, #tpu.memory_space<semaphore_mem>>)
        %dma_wait3A_262 = arith.constant 6000 : i32
        %dma_wait3A_263 = tpu.memref_slice %arg21[%dma_wait3A_262] : memref<10000xf32, #tpu.memory_space<vmem_shared>> -> memref<2000xf32, #tpu.memory_space<vmem_shared>>
        %dma_wait3A_264 = arith.constant 6000 : i32
        %dma_wait3A_265 = tpu.memref_slice %arg21[%dma_wait3A_264] : memref<10000xf32, #tpu.memory_space<vmem_shared>> -> memref<2000xf32, #tpu.memory_space<vmem_shared>>
        tpu.wait_dma2 semaphore(%run_scoped3A : memref<!tpu.dma_semaphore, #tpu.memory_space<semaphore_mem>>) src(%arg19 : memref<2000xf32, #tpu.memory_space<vmem>>) dst(%dma_wait3A_265 : memref<2000xf32, #tpu.memory_space<vmem_shared>>)
        tpu.yield
      }) : () -> ()
      "tpu.region"() ({
        %run_scoped3A = tpu.sem_alloc : memref<!tpu.dma_semaphore, #tpu.memory_space<semaphore_mem>>
        %dma_start3A_258 = arith.constant 8000 : i32
        %dma_start3A_259 = tpu.memref_slice %arg21[%dma_start3A_258] : memref<10000xf32, #tpu.memory_space<vmem_shared>> -> memref<2000xf32, #tpu.memory_space<vmem_shared>>
        %dma_start3A_260 = arith.constant 8000 : i32
        %dma_start3A_261 = tpu.memref_slice %arg21[%dma_start3A_260] : memref<10000xf32, #tpu.memory_space<vmem_shared>> -> memref<2000xf32, #tpu.memory_space<vmem_shared>>
        tpu.enqueue_dma source(%arg19 : memref<2000xf32, #tpu.memory_space<vmem>>) target(%dma_start3A_261 : memref<2000xf32, #tpu.memory_space<vmem_shared>>) target_semaphore(%run_scoped3A : memref<!tpu.dma_semaphore, #tpu.memory_space<semaphore_mem>>)
        %dma_wait3A_262 = arith.constant 8000 : i32
        %dma_wait3A_263 = tpu.memref_slice %arg21[%dma_wait3A_262] : memref<10000xf32, #tpu.memory_space<vmem_shared>> -> memref<2000xf32, #tpu.memory_space<vmem_shared>>
        %dma_wait3A_264 = arith.constant 8000 : i32
        %dma_wait3A_265 = tpu.memref_slice %arg21[%dma_wait3A_264] : memref<10000xf32, #tpu.memory_space<vmem_shared>> -> memref<2000xf32, #tpu.memory_space<vmem_shared>>
        tpu.wait_dma2 semaphore(%run_scoped3A : memref<!tpu.dma_semaphore, #tpu.memory_space<semaphore_mem>>) src(%arg19 : memref<2000xf32, #tpu.memory_space<vmem>>) dst(%dma_wait3A_265 : memref<2000xf32, #tpu.memory_space<vmem_shared>>)
        tpu.yield
      }) : () -> ()
    } else {
    }
    %barrier3A = arith.constant 0 : index
    tpu.barrier barrier_id(%barrier3A)
    %dma_start3A = arith.constant 0 : i32
    %dma_start3A_72 = arith.constant 0 : i32
    %dma_start3A_73 = arith.constant 0 : i32
    %dma_start3A_74 = tpu.memref_slice %arg4[%add3A, %dma_start3A, %dma_start3A_72, %dma_start3A_73] : memref<32x125x1x80xi32, #tpu.memory_space<hbm>> -> memref<1x1x1x80xi32, #tpu.memory_space<hbm>>
    %dma_start3A_75 = tpu.memref_squeeze %dma_start3A_74 : memref<1x1x1x80xi32, #tpu.memory_space<hbm>> -> memref<80xi32, #tpu.memory_space<hbm>>
    %dma_start3A_76 = arith.constant 0 : i32
    %dma_start3A_77 = tpu.memref_slice %arg4[%add3A, %dma_start3A, %dma_start3A_72, %dma_start3A_76] : memref<32x125x1x80xi32, #tpu.memory_space<hbm>> -> memref<1x1x1x80xi32, #tpu.memory_space<hbm>>
    %dma_start3A_78 = tpu.memref_squeeze %dma_start3A_77 : memref<1x1x1x80xi32, #tpu.memory_space<hbm>> -> memref<80xi32, #tpu.memory_space<hbm>>
    tpu.enqueue_dma source(%dma_start3A_78 : memref<80xi32, #tpu.memory_space<hbm>>) target(%arg7 : memref<80xi32, #tpu.memory_space<vmem>>) target_semaphore(%arg22 : memref<!tpu.dma_semaphore, #tpu.memory_space<semaphore_mem>>)
    %add3A_79 = arith.constant 0 : i32
    %add3A_80 = arith.addi %mul3A_2, %add3A_79 : i32
    %dma_start3A_81 = arith.constant 0 : i32
    %dma_start3A_82 = tpu.memref_slice %arg2[%add3A_80, %dma_start3A_81] : memref<320000x128xf32, #tpu.memory_space<hbm>> -> memref<80x128xf32, #tpu.memory_space<hbm>>
    %dma_start3A_83 = arith.constant 0 : i32
    %dma_start3A_84 = tpu.memref_slice %arg2[%add3A_80, %dma_start3A_83] : memref<320000x128xf32, #tpu.memory_space<hbm>> -> memref<80x128xf32, #tpu.memory_space<hbm>>
    tpu.enqueue_dma source(%dma_start3A_84 : memref<80x128xf32, #tpu.memory_space<hbm>>) target(%arg15 : memref<80x128xf32, #tpu.memory_space<vmem>>) target_semaphore(%arg26 : memref<!tpu.dma_semaphore, #tpu.memory_space<semaphore_mem>>)
    %dma_start3A_85 = arith.constant 0 : i32
    %dma_start3A_86 = arith.constant 0 : i32
    %dma_start3A_87 = arith.constant 0 : i32
    %dma_start3A_88 = tpu.memref_slice %arg3[%add3A, %dma_start3A_85, %dma_start3A_86, %dma_start3A_87] : memref<32x125x1x80xf32, #tpu.memory_space<hbm>> -> memref<1x1x1x80xf32, #tpu.memory_space<hbm>>
    %dma_start3A_89 = tpu.memref_squeeze %dma_start3A_88 : memref<1x1x1x80xf32, #tpu.memory_space<hbm>> -> memref<80xf32, #tpu.memory_space<hbm>>
    %dma_start3A_90 = arith.constant 0 : i32
    %dma_start3A_91 = tpu.memref_slice %arg3[%add3A, %dma_start3A_85, %dma_start3A_86, %dma_start3A_90] : memref<32x125x1x80xf32, #tpu.memory_space<hbm>> -> memref<1x1x1x80xf32, #tpu.memory_space<hbm>>
    %dma_start3A_92 = tpu.memref_squeeze %dma_start3A_91 : memref<1x1x1x80xf32, #tpu.memory_space<hbm>> -> memref<80xf32, #tpu.memory_space<hbm>>
    tpu.enqueue_dma source(%dma_start3A_92 : memref<80xf32, #tpu.memory_space<hbm>>) target(%arg11 : memref<80xf32, #tpu.memory_space<vmem>>) target_semaphore(%arg30 : memref<!tpu.dma_semaphore, #tpu.memory_space<semaphore_mem>>)
    %dma_start3A_93 = arith.constant 1 : i32
    %dma_start3A_94 = arith.constant 0 : i32
    %dma_start3A_95 = arith.constant 0 : i32
    %dma_start3A_96 = tpu.memref_slice %arg4[%add3A, %dma_start3A_93, %dma_start3A_94, %dma_start3A_95] : memref<32x125x1x80xi32, #tpu.memory_space<hbm>> -> memref<1x1x1x80xi32, #tpu.memory_space<hbm>>
    %dma_start3A_97 = tpu.memref_squeeze %dma_start3A_96 : memref<1x1x1x80xi32, #tpu.memory_space<hbm>> -> memref<80xi32, #tpu.memory_space<hbm>>
    %dma_start3A_98 = arith.constant 0 : i32
    %dma_start3A_99 = tpu.memref_slice %arg4[%add3A, %dma_start3A_93, %dma_start3A_94, %dma_start3A_98] : memref<32x125x1x80xi32, #tpu.memory_space<hbm>> -> memref<1x1x1x80xi32, #tpu.memory_space<hbm>>
    %dma_start3A_100 = tpu.memref_squeeze %dma_start3A_99 : memref<1x1x1x80xi32, #tpu.memory_space<hbm>> -> memref<80xi32, #tpu.memory_space<hbm>>
    tpu.enqueue_dma source(%dma_start3A_100 : memref<80xi32, #tpu.memory_space<hbm>>) target(%arg8 : memref<80xi32, #tpu.memory_space<vmem>>) target_semaphore(%arg23 : memref<!tpu.dma_semaphore, #tpu.memory_space<semaphore_mem>>)
    %add3A_101 = arith.constant 80 : i32
    %add3A_102 = arith.addi %mul3A_2, %add3A_101 : i32
    %dma_start3A_103 = arith.constant 0 : i32
    %dma_start3A_104 = tpu.memref_slice %arg2[%add3A_102, %dma_start3A_103] : memref<320000x128xf32, #tpu.memory_space<hbm>> -> memref<80x128xf32, #tpu.memory_space<hbm>>
    %dma_start3A_105 = arith.constant 0 : i32
    %dma_start3A_106 = tpu.memref_slice %arg2[%add3A_102, %dma_start3A_105] : memref<320000x128xf32, #tpu.memory_space<hbm>> -> memref<80x128xf32, #tpu.memory_space<hbm>>
    tpu.enqueue_dma source(%dma_start3A_106 : memref<80x128xf32, #tpu.memory_space<hbm>>) target(%arg16 : memref<80x128xf32, #tpu.memory_space<vmem>>) target_semaphore(%arg27 : memref<!tpu.dma_semaphore, #tpu.memory_space<semaphore_mem>>)
    %dma_start3A_107 = arith.constant 1 : i32
    %dma_start3A_108 = arith.constant 0 : i32
    %dma_start3A_109 = arith.constant 0 : i32
    %dma_start3A_110 = tpu.memref_slice %arg3[%add3A, %dma_start3A_107, %dma_start3A_108, %dma_start3A_109] : memref<32x125x1x80xf32, #tpu.memory_space<hbm>> -> memref<1x1x1x80xf32, #tpu.memory_space<hbm>>
    %dma_start3A_111 = tpu.memref_squeeze %dma_start3A_110 : memref<1x1x1x80xf32, #tpu.memory_space<hbm>> -> memref<80xf32, #tpu.memory_space<hbm>>
    %dma_start3A_112 = arith.constant 0 : i32
    %dma_start3A_113 = tpu.memref_slice %arg3[%add3A, %dma_start3A_107, %dma_start3A_108, %dma_start3A_112] : memref<32x125x1x80xf32, #tpu.memory_space<hbm>> -> memref<1x1x1x80xf32, #tpu.memory_space<hbm>>
    %dma_start3A_114 = tpu.memref_squeeze %dma_start3A_113 : memref<1x1x1x80xf32, #tpu.memory_space<hbm>> -> memref<80xf32, #tpu.memory_space<hbm>>
    tpu.enqueue_dma source(%dma_start3A_114 : memref<80xf32, #tpu.memory_space<hbm>>) target(%arg12 : memref<80xf32, #tpu.memory_space<vmem>>) target_semaphore(%arg31 : memref<!tpu.dma_semaphore, #tpu.memory_space<semaphore_mem>>)
    %dma_start3A_115 = arith.constant 2 : i32
    %dma_start3A_116 = arith.constant 0 : i32
    %dma_start3A_117 = arith.constant 0 : i32
    %dma_start3A_118 = tpu.memref_slice %arg4[%add3A, %dma_start3A_115, %dma_start3A_116, %dma_start3A_117] : memref<32x125x1x80xi32, #tpu.memory_space<hbm>> -> memref<1x1x1x80xi32, #tpu.memory_space<hbm>>
    %dma_start3A_119 = tpu.memref_squeeze %dma_start3A_118 : memref<1x1x1x80xi32, #tpu.memory_space<hbm>> -> memref<80xi32, #tpu.memory_space<hbm>>
    %dma_start3A_120 = arith.constant 0 : i32
    %dma_start3A_121 = tpu.memref_slice %arg4[%add3A, %dma_start3A_115, %dma_start3A_116, %dma_start3A_120] : memref<32x125x1x80xi32, #tpu.memory_space<hbm>> -> memref<1x1x1x80xi32, #tpu.memory_space<hbm>>
    %dma_start3A_122 = tpu.memref_squeeze %dma_start3A_121 : memref<1x1x1x80xi32, #tpu.memory_space<hbm>> -> memref<80xi32, #tpu.memory_space<hbm>>
    tpu.enqueue_dma source(%dma_start3A_122 : memref<80xi32, #tpu.memory_space<hbm>>) target(%arg9 : memref<80xi32, #tpu.memory_space<vmem>>) target_semaphore(%arg24 : memref<!tpu.dma_semaphore, #tpu.memory_space<semaphore_mem>>)
    %add3A_123 = arith.constant 160 : i32
    %add3A_124 = arith.addi %mul3A_2, %add3A_123 : i32
    %dma_start3A_125 = arith.constant 0 : i32
    %dma_start3A_126 = tpu.memref_slice %arg2[%add3A_124, %dma_start3A_125] : memref<320000x128xf32, #tpu.memory_space<hbm>> -> memref<80x128xf32, #tpu.memory_space<hbm>>
    %dma_start3A_127 = arith.constant 0 : i32
    %dma_start3A_128 = tpu.memref_slice %arg2[%add3A_124, %dma_start3A_127] : memref<320000x128xf32, #tpu.memory_space<hbm>> -> memref<80x128xf32, #tpu.memory_space<hbm>>
    tpu.enqueue_dma source(%dma_start3A_128 : memref<80x128xf32, #tpu.memory_space<hbm>>) target(%arg17 : memref<80x128xf32, #tpu.memory_space<vmem>>) target_semaphore(%arg28 : memref<!tpu.dma_semaphore, #tpu.memory_space<semaphore_mem>>)
    %dma_start3A_129 = arith.constant 2 : i32
    %dma_start3A_130 = arith.constant 0 : i32
    %dma_start3A_131 = arith.constant 0 : i32
    %dma_start3A_132 = tpu.memref_slice %arg3[%add3A, %dma_start3A_129, %dma_start3A_130, %dma_start3A_131] : memref<32x125x1x80xf32, #tpu.memory_space<hbm>> -> memref<1x1x1x80xf32, #tpu.memory_space<hbm>>
    %dma_start3A_133 = tpu.memref_squeeze %dma_start3A_132 : memref<1x1x1x80xf32, #tpu.memory_space<hbm>> -> memref<80xf32, #tpu.memory_space<hbm>>
    %dma_start3A_134 = arith.constant 0 : i32
    %dma_start3A_135 = tpu.memref_slice %arg3[%add3A, %dma_start3A_129, %dma_start3A_130, %dma_start3A_134] : memref<32x125x1x80xf32, #tpu.memory_space<hbm>> -> memref<1x1x1x80xf32, #tpu.memory_space<hbm>>
    %dma_start3A_136 = tpu.memref_squeeze %dma_start3A_135 : memref<1x1x1x80xf32, #tpu.memory_space<hbm>> -> memref<80xf32, #tpu.memory_space<hbm>>
    tpu.enqueue_dma source(%dma_start3A_136 : memref<80xf32, #tpu.memory_space<hbm>>) target(%arg13 : memref<80xf32, #tpu.memory_space<vmem>>) target_semaphore(%arg32 : memref<!tpu.dma_semaphore, #tpu.memory_space<semaphore_mem>>)
    %dma_start3A_137 = arith.constant 3 : i32
    %dma_start3A_138 = arith.constant 0 : i32
    %dma_start3A_139 = arith.constant 0 : i32
    %dma_start3A_140 = tpu.memref_slice %arg4[%add3A, %dma_start3A_137, %dma_start3A_138, %dma_start3A_139] : memref<32x125x1x80xi32, #tpu.memory_space<hbm>> -> memref<1x1x1x80xi32, #tpu.memory_space<hbm>>
    %dma_start3A_141 = tpu.memref_squeeze %dma_start3A_140 : memref<1x1x1x80xi32, #tpu.memory_space<hbm>> -> memref<80xi32, #tpu.memory_space<hbm>>
    %dma_start3A_142 = arith.constant 0 : i32
    %dma_start3A_143 = tpu.memref_slice %arg4[%add3A, %dma_start3A_137, %dma_start3A_138, %dma_start3A_142] : memref<32x125x1x80xi32, #tpu.memory_space<hbm>> -> memref<1x1x1x80xi32, #tpu.memory_space<hbm>>
    %dma_start3A_144 = tpu.memref_squeeze %dma_start3A_143 : memref<1x1x1x80xi32, #tpu.memory_space<hbm>> -> memref<80xi32, #tpu.memory_space<hbm>>
    tpu.enqueue_dma source(%dma_start3A_144 : memref<80xi32, #tpu.memory_space<hbm>>) target(%arg10 : memref<80xi32, #tpu.memory_space<vmem>>) target_semaphore(%arg25 : memref<!tpu.dma_semaphore, #tpu.memory_space<semaphore_mem>>)
    %add3A_145 = arith.constant 240 : i32
    %add3A_146 = arith.addi %mul3A_2, %add3A_145 : i32
    %dma_start3A_147 = arith.constant 0 : i32
    %dma_start3A_148 = tpu.memref_slice %arg2[%add3A_146, %dma_start3A_147] : memref<320000x128xf32, #tpu.memory_space<hbm>> -> memref<80x128xf32, #tpu.memory_space<hbm>>
    %dma_start3A_149 = arith.constant 0 : i32
    %dma_start3A_150 = tpu.memref_slice %arg2[%add3A_146, %dma_start3A_149] : memref<320000x128xf32, #tpu.memory_space<hbm>> -> memref<80x128xf32, #tpu.memory_space<hbm>>
    tpu.enqueue_dma source(%dma_start3A_150 : memref<80x128xf32, #tpu.memory_space<hbm>>) target(%arg18 : memref<80x128xf32, #tpu.memory_space<vmem>>) target_semaphore(%arg29 : memref<!tpu.dma_semaphore, #tpu.memory_space<semaphore_mem>>)
    %dma_start3A_151 = arith.constant 3 : i32
    %dma_start3A_152 = arith.constant 0 : i32
    %dma_start3A_153 = arith.constant 0 : i32
    %dma_start3A_154 = tpu.memref_slice %arg3[%add3A, %dma_start3A_151, %dma_start3A_152, %dma_start3A_153] : memref<32x125x1x80xf32, #tpu.memory_space<hbm>> -> memref<1x1x1x80xf32, #tpu.memory_space<hbm>>
    %dma_start3A_155 = tpu.memref_squeeze %dma_start3A_154 : memref<1x1x1x80xf32, #tpu.memory_space<hbm>> -> memref<80xf32, #tpu.memory_space<hbm>>
    %dma_start3A_156 = arith.constant 0 : i32
    %dma_start3A_157 = tpu.memref_slice %arg3[%add3A, %dma_start3A_151, %dma_start3A_152, %dma_start3A_156] : memref<32x125x1x80xf32, #tpu.memory_space<hbm>> -> memref<1x1x1x80xf32, #tpu.memory_space<hbm>>
    %dma_start3A_158 = tpu.memref_squeeze %dma_start3A_157 : memref<1x1x1x80xf32, #tpu.memory_space<hbm>> -> memref<80xf32, #tpu.memory_space<hbm>>
    tpu.enqueue_dma source(%dma_start3A_158 : memref<80xf32, #tpu.memory_space<hbm>>) target(%arg14 : memref<80xf32, #tpu.memory_space<vmem>>) target_semaphore(%arg33 : memref<!tpu.dma_semaphore, #tpu.memory_space<semaphore_mem>>)
    %scan3A_159 = arith.constant 0 : i32
    %scan3A_160 = arith.constant 0 : i32
    %scan3A_161 = arith.constant 31 : i32
    %scan3A_162 = arith.addi %scan3A_160, %scan3A_161 : i32
    %scan3A_163 = arith.constant 1 : i32
    scf.for %scan3A_258 = %scan3A_160 to %scan3A_162 step %scan3A_163  : i32 {
      %mul3A_259 = arith.constant 4 : i32
      %mul3A_260 = arith.muli %scan3A_258, %mul3A_259 : i32
      %add3A_261 = arith.constant 0 : i32
      %add3A_262 = arith.addi %mul3A_260, %add3A_261 : i32
      %dma_wait3A_263 = arith.constant 0 : i32
      %dma_wait3A_264 = arith.constant 0 : i32
      %dma_wait3A_265 = tpu.memref_slice %arg4[%add3A, %add3A_262, %dma_wait3A_263, %dma_wait3A_264] : memref<32x125x1x80xi32, #tpu.memory_space<hbm>> -> memref<1x1x1x80xi32, #tpu.memory_space<hbm>>
      %dma_wait3A_266 = tpu.memref_squeeze %dma_wait3A_265 : memref<1x1x1x80xi32, #tpu.memory_space<hbm>> -> memref<80xi32, #tpu.memory_space<hbm>>
      %dma_wait3A_267 = arith.constant 0 : i32
      %dma_wait3A_268 = tpu.memref_slice %arg4[%add3A, %add3A_262, %dma_wait3A_263, %dma_wait3A_267] : memref<32x125x1x80xi32, #tpu.memory_space<hbm>> -> memref<1x1x1x80xi32, #tpu.memory_space<hbm>>
      %dma_wait3A_269 = tpu.memref_squeeze %dma_wait3A_268 : memref<1x1x1x80xi32, #tpu.memory_space<hbm>> -> memref<80xi32, #tpu.memory_space<hbm>>
      tpu.wait_dma2 semaphore(%arg22 : memref<!tpu.dma_semaphore, #tpu.memory_space<semaphore_mem>>) src(%dma_wait3A_269 : memref<80xi32, #tpu.memory_space<hbm>>) dst(%arg7 : memref<80xi32, #tpu.memory_space<vmem>>)
      %mul3A_270 = arith.constant 80 : i32
      %mul3A_271 = arith.muli %add3A_262, %mul3A_270 : i32
      %add3A_272 = arith.addi %mul3A_2, %mul3A_271 : i32
      %dma_wait3A_273 = arith.constant 0 : i32
      %dma_wait3A_274 = tpu.memref_slice %arg2[%add3A_272, %dma_wait3A_273] : memref<320000x128xf32, #tpu.memory_space<hbm>> -> memref<80x128xf32, #tpu.memory_space<hbm>>
      %dma_wait3A_275 = arith.constant 0 : i32
      %dma_wait3A_276 = tpu.memref_slice %arg2[%add3A_272, %dma_wait3A_275] : memref<320000x128xf32, #tpu.memory_space<hbm>> -> memref<80x128xf32, #tpu.memory_space<hbm>>
      tpu.wait_dma2 semaphore(%arg26 : memref<!tpu.dma_semaphore, #tpu.memory_space<semaphore_mem>>) src(%dma_wait3A_276 : memref<80x128xf32, #tpu.memory_space<hbm>>) dst(%arg15 : memref<80x128xf32, #tpu.memory_space<vmem>>)
      %dma_wait3A_277 = arith.constant 0 : i32
      %dma_wait3A_278 = arith.constant 0 : i32
      %dma_wait3A_279 = tpu.memref_slice %arg3[%add3A, %add3A_262, %dma_wait3A_277, %dma_wait3A_278] : memref<32x125x1x80xf32, #tpu.memory_space<hbm>> -> memref<1x1x1x80xf32, #tpu.memory_space<hbm>>
      %dma_wait3A_280 = tpu.memref_squeeze %dma_wait3A_279 : memref<1x1x1x80xf32, #tpu.memory_space<hbm>> -> memref<80xf32, #tpu.memory_space<hbm>>
      %dma_wait3A_281 = arith.constant 0 : i32
      %dma_wait3A_282 = tpu.memref_slice %arg3[%add3A, %add3A_262, %dma_wait3A_277, %dma_wait3A_281] : memref<32x125x1x80xf32, #tpu.memory_space<hbm>> -> memref<1x1x1x80xf32, #tpu.memory_space<hbm>>
      %dma_wait3A_283 = tpu.memref_squeeze %dma_wait3A_282 : memref<1x1x1x80xf32, #tpu.memory_space<hbm>> -> memref<80xf32, #tpu.memory_space<hbm>>
      tpu.wait_dma2 semaphore(%arg30 : memref<!tpu.dma_semaphore, #tpu.memory_space<semaphore_mem>>) src(%dma_wait3A_283 : memref<80xf32, #tpu.memory_space<hbm>>) dst(%arg11 : memref<80xf32, #tpu.memory_space<vmem>>)
      %dma_start3A_284 = arith.constant 0 : i32
      %dma_start3A_285 = arith.constant 0 : i32
      %dma_start3A_286 = tpu.memref_slice %arg20[%dma_start3A_284, %dma_start3A_285] : memref<10000x128xf32, #tpu.memory_space<vmem_shared>> -> memref<10000x128xf32, #tpu.memory_space<vmem_shared>>
      tpu.enqueue_indirect_dma source(%arg15 : memref<80x128xf32, #tpu.memory_space<vmem>>) target(%dma_start3A_286 : memref<10000x128xf32, #tpu.memory_space<vmem_shared>>) offsets(%arg7 : memref<80xi32, #tpu.memory_space<vmem>>) semaphore(%arg34 : memref<!tpu.dma_semaphore, #tpu.memory_space<semaphore_mem>>) {add = true}
      %dma_start3A_287 = arith.constant 0 : i32
      %dma_start3A_288 = tpu.memref_slice %arg21[%dma_start3A_287] : memref<10000xf32, #tpu.memory_space<vmem_shared>> -> memref<10000xf32, #tpu.memory_space<vmem_shared>>
      tpu.enqueue_indirect_dma source(%arg11 : memref<80xf32, #tpu.memory_space<vmem>>) target(%dma_start3A_288 : memref<10000xf32, #tpu.memory_space<vmem_shared>>) offsets(%arg7 : memref<80xi32, #tpu.memory_space<vmem>>) semaphore(%arg34 : memref<!tpu.dma_semaphore, #tpu.memory_space<semaphore_mem>>) {add = true}
      %dma_wait3A_289 = arith.constant 0 : i32
      %dma_wait3A_290 = arith.constant 0 : i32
      %dma_wait3A_291 = tpu.memref_slice %arg20[%dma_wait3A_289, %dma_wait3A_290] : memref<10000x128xf32, #tpu.memory_space<vmem_shared>> -> memref<10000x128xf32, #tpu.memory_space<vmem_shared>>
      tpu.wait_indirect_dma semaphore(%arg34 : memref<!tpu.dma_semaphore, #tpu.memory_space<semaphore_mem>>) src(%arg15 : memref<80x128xf32, #tpu.memory_space<vmem>>) dst(%dma_wait3A_291 : memref<10000x128xf32, #tpu.memory_space<vmem_shared>>)
      %dma_wait3A_292 = arith.constant 0 : i32
      %dma_wait3A_293 = tpu.memref_slice %arg21[%dma_wait3A_292] : memref<10000xf32, #tpu.memory_space<vmem_shared>> -> memref<10000xf32, #tpu.memory_space<vmem_shared>>
      tpu.wait_indirect_dma semaphore(%arg34 : memref<!tpu.dma_semaphore, #tpu.memory_space<semaphore_mem>>) src(%arg11 : memref<80xf32, #tpu.memory_space<vmem>>) dst(%dma_wait3A_293 : memref<10000xf32, #tpu.memory_space<vmem_shared>>)
      %add3A_294 = arith.constant 0 : i32
      %add3A_295 = arith.addi %mul3A_260, %add3A_294 : i32
      %add3A_296 = arith.constant 4 : i32
      %add3A_297 = arith.addi %add3A_295, %add3A_296 : i32
      %lt3A_298 = arith.constant 125 : i32
      %lt3A_299 = arith.cmpi slt, %add3A_297, %lt3A_298 : i32
      %convert_element_type3A_300 = arith.extui %lt3A_299 : i1 to i32
      %cond3A_301 = arith.constant 0 : i32
      %cond3A_302 = arith.cmpi ne, %convert_element_type3A_300, %cond3A_301 : i32
      scf.if %cond3A_302 {
        %add3A_429 = arith.constant 0 : i32
        %add3A_430 = arith.addi %mul3A_260, %add3A_429 : i32
        %add3A_431 = arith.constant 4 : i32
        %add3A_432 = arith.addi %add3A_430, %add3A_431 : i32
        %dma_start3A_433 = arith.constant 0 : i32
        %dma_start3A_434 = arith.constant 0 : i32
        %dma_start3A_435 = tpu.memref_slice %arg4[%add3A, %add3A_432, %dma_start3A_433, %dma_start3A_434] : memref<32x125x1x80xi32, #tpu.memory_space<hbm>> -> memref<1x1x1x80xi32, #tpu.memory_space<hbm>>
        %dma_start3A_436 = tpu.memref_squeeze %dma_start3A_435 : memref<1x1x1x80xi32, #tpu.memory_space<hbm>> -> memref<80xi32, #tpu.memory_space<hbm>>
        %dma_start3A_437 = arith.constant 0 : i32
        %dma_start3A_438 = tpu.memref_slice %arg4[%add3A, %add3A_432, %dma_start3A_433, %dma_start3A_437] : memref<32x125x1x80xi32, #tpu.memory_space<hbm>> -> memref<1x1x1x80xi32, #tpu.memory_space<hbm>>
        %dma_start3A_439 = tpu.memref_squeeze %dma_start3A_438 : memref<1x1x1x80xi32, #tpu.memory_space<hbm>> -> memref<80xi32, #tpu.memory_space<hbm>>
        tpu.enqueue_dma source(%dma_start3A_439 : memref<80xi32, #tpu.memory_space<hbm>>) target(%arg7 : memref<80xi32, #tpu.memory_space<vmem>>) target_semaphore(%arg22 : memref<!tpu.dma_semaphore, #tpu.memory_space<semaphore_mem>>)
        %mul3A_440 = arith.constant 80 : i32
        %mul3A_441 = arith.muli %add3A_432, %mul3A_440 : i32
        %add3A_442 = arith.addi %mul3A_2, %mul3A_441 : i32
        %dma_start3A_443 = arith.constant 0 : i32
        %dma_start3A_444 = tpu.memref_slice %arg2[%add3A_442, %dma_start3A_443] : memref<320000x128xf32, #tpu.memory_space<hbm>> -> memref<80x128xf32, #tpu.memory_space<hbm>>
        %dma_start3A_445 = arith.constant 0 : i32
        %dma_start3A_446 = tpu.memref_slice %arg2[%add3A_442, %dma_start3A_445] : memref<320000x128xf32, #tpu.memory_space<hbm>> -> memref<80x128xf32, #tpu.memory_space<hbm>>
        tpu.enqueue_dma source(%dma_start3A_446 : memref<80x128xf32, #tpu.memory_space<hbm>>) target(%arg15 : memref<80x128xf32, #tpu.memory_space<vmem>>) target_semaphore(%arg26 : memref<!tpu.dma_semaphore, #tpu.memory_space<semaphore_mem>>)
        %dma_start3A_447 = arith.constant 0 : i32
        %dma_start3A_448 = arith.constant 0 : i32
        %dma_start3A_449 = tpu.memref_slice %arg3[%add3A, %add3A_432, %dma_start3A_447, %dma_start3A_448] : memref<32x125x1x80xf32, #tpu.memory_space<hbm>> -> memref<1x1x1x80xf32, #tpu.memory_space<hbm>>
        %dma_start3A_450 = tpu.memref_squeeze %dma_start3A_449 : memref<1x1x1x80xf32, #tpu.memory_space<hbm>> -> memref<80xf32, #tpu.memory_space<hbm>>
        %dma_start3A_451 = arith.constant 0 : i32
        %dma_start3A_452 = tpu.memref_slice %arg3[%add3A, %add3A_432, %dma_start3A_447, %dma_start3A_451] : memref<32x125x1x80xf32, #tpu.memory_space<hbm>> -> memref<1x1x1x80xf32, #tpu.memory_space<hbm>>
        %dma_start3A_453 = tpu.memref_squeeze %dma_start3A_452 : memref<1x1x1x80xf32, #tpu.memory_space<hbm>> -> memref<80xf32, #tpu.memory_space<hbm>>
        tpu.enqueue_dma source(%dma_start3A_453 : memref<80xf32, #tpu.memory_space<hbm>>) target(%arg11 : memref<80xf32, #tpu.memory_space<vmem>>) target_semaphore(%arg30 : memref<!tpu.dma_semaphore, #tpu.memory_space<semaphore_mem>>)
      } else {
      }
      %add3A_303 = arith.constant 1 : i32
      %add3A_304 = arith.addi %mul3A_260, %add3A_303 : i32
      %dma_wait3A_305 = arith.constant 0 : i32
      %dma_wait3A_306 = arith.constant 0 : i32
      %dma_wait3A_307 = tpu.memref_slice %arg4[%add3A, %add3A_304, %dma_wait3A_305, %dma_wait3A_306] : memref<32x125x1x80xi32, #tpu.memory_space<hbm>> -> memref<1x1x1x80xi32, #tpu.memory_space<hbm>>
      %dma_wait3A_308 = tpu.memref_squeeze %dma_wait3A_307 : memref<1x1x1x80xi32, #tpu.memory_space<hbm>> -> memref<80xi32, #tpu.memory_space<hbm>>
      %dma_wait3A_309 = arith.constant 0 : i32
      %dma_wait3A_310 = tpu.memref_slice %arg4[%add3A, %add3A_304, %dma_wait3A_305, %dma_wait3A_309] : memref<32x125x1x80xi32, #tpu.memory_space<hbm>> -> memref<1x1x1x80xi32, #tpu.memory_space<hbm>>
      %dma_wait3A_311 = tpu.memref_squeeze %dma_wait3A_310 : memref<1x1x1x80xi32, #tpu.memory_space<hbm>> -> memref<80xi32, #tpu.memory_space<hbm>>
      tpu.wait_dma2 semaphore(%arg23 : memref<!tpu.dma_semaphore, #tpu.memory_space<semaphore_mem>>) src(%dma_wait3A_311 : memref<80xi32, #tpu.memory_space<hbm>>) dst(%arg8 : memref<80xi32, #tpu.memory_space<vmem>>)
      %mul3A_312 = arith.constant 80 : i32
      %mul3A_313 = arith.muli %add3A_304, %mul3A_312 : i32
      %add3A_314 = arith.addi %mul3A_2, %mul3A_313 : i32
      %dma_wait3A_315 = arith.constant 0 : i32
      %dma_wait3A_316 = tpu.memref_slice %arg2[%add3A_314, %dma_wait3A_315] : memref<320000x128xf32, #tpu.memory_space<hbm>> -> memref<80x128xf32, #tpu.memory_space<hbm>>
      %dma_wait3A_317 = arith.constant 0 : i32
      %dma_wait3A_318 = tpu.memref_slice %arg2[%add3A_314, %dma_wait3A_317] : memref<320000x128xf32, #tpu.memory_space<hbm>> -> memref<80x128xf32, #tpu.memory_space<hbm>>
      tpu.wait_dma2 semaphore(%arg27 : memref<!tpu.dma_semaphore, #tpu.memory_space<semaphore_mem>>) src(%dma_wait3A_318 : memref<80x128xf32, #tpu.memory_space<hbm>>) dst(%arg16 : memref<80x128xf32, #tpu.memory_space<vmem>>)
      %dma_wait3A_319 = arith.constant 0 : i32
      %dma_wait3A_320 = arith.constant 0 : i32
      %dma_wait3A_321 = tpu.memref_slice %arg3[%add3A, %add3A_304, %dma_wait3A_319, %dma_wait3A_320] : memref<32x125x1x80xf32, #tpu.memory_space<hbm>> -> memref<1x1x1x80xf32, #tpu.memory_space<hbm>>
      %dma_wait3A_322 = tpu.memref_squeeze %dma_wait3A_321 : memref<1x1x1x80xf32, #tpu.memory_space<hbm>> -> memref<80xf32, #tpu.memory_space<hbm>>
      %dma_wait3A_323 = arith.constant 0 : i32
      %dma_wait3A_324 = tpu.memref_slice %arg3[%add3A, %add3A_304, %dma_wait3A_319, %dma_wait3A_323] : memref<32x125x1x80xf32, #tpu.memory_space<hbm>> -> memref<1x1x1x80xf32, #tpu.memory_space<hbm>>
      %dma_wait3A_325 = tpu.memref_squeeze %dma_wait3A_324 : memref<1x1x1x80xf32, #tpu.memory_space<hbm>> -> memref<80xf32, #tpu.memory_space<hbm>>
      tpu.wait_dma2 semaphore(%arg31 : memref<!tpu.dma_semaphore, #tpu.memory_space<semaphore_mem>>) src(%dma_wait3A_325 : memref<80xf32, #tpu.memory_space<hbm>>) dst(%arg12 : memref<80xf32, #tpu.memory_space<vmem>>)
      %dma_start3A_326 = arith.constant 0 : i32
      %dma_start3A_327 = arith.constant 0 : i32
      %dma_start3A_328 = tpu.memref_slice %arg20[%dma_start3A_326, %dma_start3A_327] : memref<10000x128xf32, #tpu.memory_space<vmem_shared>> -> memref<10000x128xf32, #tpu.memory_space<vmem_shared>>
      tpu.enqueue_indirect_dma source(%arg16 : memref<80x128xf32, #tpu.memory_space<vmem>>) target(%dma_start3A_328 : memref<10000x128xf32, #tpu.memory_space<vmem_shared>>) offsets(%arg8 : memref<80xi32, #tpu.memory_space<vmem>>) semaphore(%arg35 : memref<!tpu.dma_semaphore, #tpu.memory_space<semaphore_mem>>) {add = true}
      %dma_start3A_329 = arith.constant 0 : i32
      %dma_start3A_330 = tpu.memref_slice %arg21[%dma_start3A_329] : memref<10000xf32, #tpu.memory_space<vmem_shared>> -> memref<10000xf32, #tpu.memory_space<vmem_shared>>
      tpu.enqueue_indirect_dma source(%arg12 : memref<80xf32, #tpu.memory_space<vmem>>) target(%dma_start3A_330 : memref<10000xf32, #tpu.memory_space<vmem_shared>>) offsets(%arg8 : memref<80xi32, #tpu.memory_space<vmem>>) semaphore(%arg35 : memref<!tpu.dma_semaphore, #tpu.memory_space<semaphore_mem>>) {add = true}
      %dma_wait3A_331 = arith.constant 0 : i32
      %dma_wait3A_332 = arith.constant 0 : i32
      %dma_wait3A_333 = tpu.memref_slice %arg20[%dma_wait3A_331, %dma_wait3A_332] : memref<10000x128xf32, #tpu.memory_space<vmem_shared>> -> memref<10000x128xf32, #tpu.memory_space<vmem_shared>>
      tpu.wait_indirect_dma semaphore(%arg35 : memref<!tpu.dma_semaphore, #tpu.memory_space<semaphore_mem>>) src(%arg16 : memref<80x128xf32, #tpu.memory_space<vmem>>) dst(%dma_wait3A_333 : memref<10000x128xf32, #tpu.memory_space<vmem_shared>>)
      %dma_wait3A_334 = arith.constant 0 : i32
      %dma_wait3A_335 = tpu.memref_slice %arg21[%dma_wait3A_334] : memref<10000xf32, #tpu.memory_space<vmem_shared>> -> memref<10000xf32, #tpu.memory_space<vmem_shared>>
      tpu.wait_indirect_dma semaphore(%arg35 : memref<!tpu.dma_semaphore, #tpu.memory_space<semaphore_mem>>) src(%arg12 : memref<80xf32, #tpu.memory_space<vmem>>) dst(%dma_wait3A_335 : memref<10000xf32, #tpu.memory_space<vmem_shared>>)
      %add3A_336 = arith.constant 1 : i32
      %add3A_337 = arith.addi %mul3A_260, %add3A_336 : i32
      %add3A_338 = arith.constant 4 : i32
      %add3A_339 = arith.addi %add3A_337, %add3A_338 : i32
      %lt3A_340 = arith.constant 125 : i32
      %lt3A_341 = arith.cmpi slt, %add3A_339, %lt3A_340 : i32
      %convert_element_type3A_342 = arith.extui %lt3A_341 : i1 to i32
      %cond3A_343 = arith.constant 0 : i32
      %cond3A_344 = arith.cmpi ne, %convert_element_type3A_342, %cond3A_343 : i32
      scf.if %cond3A_344 {
        %add3A_429 = arith.constant 1 : i32
        %add3A_430 = arith.addi %mul3A_260, %add3A_429 : i32
        %add3A_431 = arith.constant 4 : i32
        %add3A_432 = arith.addi %add3A_430, %add3A_431 : i32
        %dma_start3A_433 = arith.constant 0 : i32
        %dma_start3A_434 = arith.constant 0 : i32
        %dma_start3A_435 = tpu.memref_slice %arg4[%add3A, %add3A_432, %dma_start3A_433, %dma_start3A_434] : memref<32x125x1x80xi32, #tpu.memory_space<hbm>> -> memref<1x1x1x80xi32, #tpu.memory_space<hbm>>
        %dma_start3A_436 = tpu.memref_squeeze %dma_start3A_435 : memref<1x1x1x80xi32, #tpu.memory_space<hbm>> -> memref<80xi32, #tpu.memory_space<hbm>>
        %dma_start3A_437 = arith.constant 0 : i32
        %dma_start3A_438 = tpu.memref_slice %arg4[%add3A, %add3A_432, %dma_start3A_433, %dma_start3A_437] : memref<32x125x1x80xi32, #tpu.memory_space<hbm>> -> memref<1x1x1x80xi32, #tpu.memory_space<hbm>>
        %dma_start3A_439 = tpu.memref_squeeze %dma_start3A_438 : memref<1x1x1x80xi32, #tpu.memory_space<hbm>> -> memref<80xi32, #tpu.memory_space<hbm>>
        tpu.enqueue_dma source(%dma_start3A_439 : memref<80xi32, #tpu.memory_space<hbm>>) target(%arg8 : memref<80xi32, #tpu.memory_space<vmem>>) target_semaphore(%arg23 : memref<!tpu.dma_semaphore, #tpu.memory_space<semaphore_mem>>)
        %mul3A_440 = arith.constant 80 : i32
        %mul3A_441 = arith.muli %add3A_432, %mul3A_440 : i32
        %add3A_442 = arith.addi %mul3A_2, %mul3A_441 : i32
        %dma_start3A_443 = arith.constant 0 : i32
        %dma_start3A_444 = tpu.memref_slice %arg2[%add3A_442, %dma_start3A_443] : memref<320000x128xf32, #tpu.memory_space<hbm>> -> memref<80x128xf32, #tpu.memory_space<hbm>>
        %dma_start3A_445 = arith.constant 0 : i32
        %dma_start3A_446 = tpu.memref_slice %arg2[%add3A_442, %dma_start3A_445] : memref<320000x128xf32, #tpu.memory_space<hbm>> -> memref<80x128xf32, #tpu.memory_space<hbm>>
        tpu.enqueue_dma source(%dma_start3A_446 : memref<80x128xf32, #tpu.memory_space<hbm>>) target(%arg16 : memref<80x128xf32, #tpu.memory_space<vmem>>) target_semaphore(%arg27 : memref<!tpu.dma_semaphore, #tpu.memory_space<semaphore_mem>>)
        %dma_start3A_447 = arith.constant 0 : i32
        %dma_start3A_448 = arith.constant 0 : i32
        %dma_start3A_449 = tpu.memref_slice %arg3[%add3A, %add3A_432, %dma_start3A_447, %dma_start3A_448] : memref<32x125x1x80xf32, #tpu.memory_space<hbm>> -> memref<1x1x1x80xf32, #tpu.memory_space<hbm>>
        %dma_start3A_450 = tpu.memref_squeeze %dma_start3A_449 : memref<1x1x1x80xf32, #tpu.memory_space<hbm>> -> memref<80xf32, #tpu.memory_space<hbm>>
        %dma_start3A_451 = arith.constant 0 : i32
        %dma_start3A_452 = tpu.memref_slice %arg3[%add3A, %add3A_432, %dma_start3A_447, %dma_start3A_451] : memref<32x125x1x80xf32, #tpu.memory_space<hbm>> -> memref<1x1x1x80xf32, #tpu.memory_space<hbm>>
        %dma_start3A_453 = tpu.memref_squeeze %dma_start3A_452 : memref<1x1x1x80xf32, #tpu.memory_space<hbm>> -> memref<80xf32, #tpu.memory_space<hbm>>
        tpu.enqueue_dma source(%dma_start3A_453 : memref<80xf32, #tpu.memory_space<hbm>>) target(%arg12 : memref<80xf32, #tpu.memory_space<vmem>>) target_semaphore(%arg31 : memref<!tpu.dma_semaphore, #tpu.memory_space<semaphore_mem>>)
      } else {
      }
      %add3A_345 = arith.constant 2 : i32
      %add3A_346 = arith.addi %mul3A_260, %add3A_345 : i32
      %dma_wait3A_347 = arith.constant 0 : i32
      %dma_wait3A_348 = arith.constant 0 : i32
      %dma_wait3A_349 = tpu.memref_slice %arg4[%add3A, %add3A_346, %dma_wait3A_347, %dma_wait3A_348] : memref<32x125x1x80xi32, #tpu.memory_space<hbm>> -> memref<1x1x1x80xi32, #tpu.memory_space<hbm>>
      %dma_wait3A_350 = tpu.memref_squeeze %dma_wait3A_349 : memref<1x1x1x80xi32, #tpu.memory_space<hbm>> -> memref<80xi32, #tpu.memory_space<hbm>>
      %dma_wait3A_351 = arith.constant 0 : i32
      %dma_wait3A_352 = tpu.memref_slice %arg4[%add3A, %add3A_346, %dma_wait3A_347, %dma_wait3A_351] : memref<32x125x1x80xi32, #tpu.memory_space<hbm>> -> memref<1x1x1x80xi32, #tpu.memory_space<hbm>>
      %dma_wait3A_353 = tpu.memref_squeeze %dma_wait3A_352 : memref<1x1x1x80xi32, #tpu.memory_space<hbm>> -> memref<80xi32, #tpu.memory_space<hbm>>
      tpu.wait_dma2 semaphore(%arg24 : memref<!tpu.dma_semaphore, #tpu.memory_space<semaphore_mem>>) src(%dma_wait3A_353 : memref<80xi32, #tpu.memory_space<hbm>>) dst(%arg9 : memref<80xi32, #tpu.memory_space<vmem>>)
      %mul3A_354 = arith.constant 80 : i32
      %mul3A_355 = arith.muli %add3A_346, %mul3A_354 : i32
      %add3A_356 = arith.addi %mul3A_2, %mul3A_355 : i32
      %dma_wait3A_357 = arith.constant 0 : i32
      %dma_wait3A_358 = tpu.memref_slice %arg2[%add3A_356, %dma_wait3A_357] : memref<320000x128xf32, #tpu.memory_space<hbm>> -> memref<80x128xf32, #tpu.memory_space<hbm>>
      %dma_wait3A_359 = arith.constant 0 : i32
      %dma_wait3A_360 = tpu.memref_slice %arg2[%add3A_356, %dma_wait3A_359] : memref<320000x128xf32, #tpu.memory_space<hbm>> -> memref<80x128xf32, #tpu.memory_space<hbm>>
      tpu.wait_dma2 semaphore(%arg28 : memref<!tpu.dma_semaphore, #tpu.memory_space<semaphore_mem>>) src(%dma_wait3A_360 : memref<80x128xf32, #tpu.memory_space<hbm>>) dst(%arg17 : memref<80x128xf32, #tpu.memory_space<vmem>>)
      %dma_wait3A_361 = arith.constant 0 : i32
      %dma_wait3A_362 = arith.constant 0 : i32
      %dma_wait3A_363 = tpu.memref_slice %arg3[%add3A, %add3A_346, %dma_wait3A_361, %dma_wait3A_362] : memref<32x125x1x80xf32, #tpu.memory_space<hbm>> -> memref<1x1x1x80xf32, #tpu.memory_space<hbm>>
      %dma_wait3A_364 = tpu.memref_squeeze %dma_wait3A_363 : memref<1x1x1x80xf32, #tpu.memory_space<hbm>> -> memref<80xf32, #tpu.memory_space<hbm>>
      %dma_wait3A_365 = arith.constant 0 : i32
      %dma_wait3A_366 = tpu.memref_slice %arg3[%add3A, %add3A_346, %dma_wait3A_361, %dma_wait3A_365] : memref<32x125x1x80xf32, #tpu.memory_space<hbm>> -> memref<1x1x1x80xf32, #tpu.memory_space<hbm>>
      %dma_wait3A_367 = tpu.memref_squeeze %dma_wait3A_366 : memref<1x1x1x80xf32, #tpu.memory_space<hbm>> -> memref<80xf32, #tpu.memory_space<hbm>>
      tpu.wait_dma2 semaphore(%arg32 : memref<!tpu.dma_semaphore, #tpu.memory_space<semaphore_mem>>) src(%dma_wait3A_367 : memref<80xf32, #tpu.memory_space<hbm>>) dst(%arg13 : memref<80xf32, #tpu.memory_space<vmem>>)
      %dma_start3A_368 = arith.constant 0 : i32
      %dma_start3A_369 = arith.constant 0 : i32
      %dma_start3A_370 = tpu.memref_slice %arg20[%dma_start3A_368, %dma_start3A_369] : memref<10000x128xf32, #tpu.memory_space<vmem_shared>> -> memref<10000x128xf32, #tpu.memory_space<vmem_shared>>
      tpu.enqueue_indirect_dma source(%arg17 : memref<80x128xf32, #tpu.memory_space<vmem>>) target(%dma_start3A_370 : memref<10000x128xf32, #tpu.memory_space<vmem_shared>>) offsets(%arg9 : memref<80xi32, #tpu.memory_space<vmem>>) semaphore(%arg36 : memref<!tpu.dma_semaphore, #tpu.memory_space<semaphore_mem>>) {add = true}
      %dma_start3A_371 = arith.constant 0 : i32
      %dma_start3A_372 = tpu.memref_slice %arg21[%dma_start3A_371] : memref<10000xf32, #tpu.memory_space<vmem_shared>> -> memref<10000xf32, #tpu.memory_space<vmem_shared>>
      tpu.enqueue_indirect_dma source(%arg13 : memref<80xf32, #tpu.memory_space<vmem>>) target(%dma_start3A_372 : memref<10000xf32, #tpu.memory_space<vmem_shared>>) offsets(%arg9 : memref<80xi32, #tpu.memory_space<vmem>>) semaphore(%arg36 : memref<!tpu.dma_semaphore, #tpu.memory_space<semaphore_mem>>) {add = true}
      %dma_wait3A_373 = arith.constant 0 : i32
      %dma_wait3A_374 = arith.constant 0 : i32
      %dma_wait3A_375 = tpu.memref_slice %arg20[%dma_wait3A_373, %dma_wait3A_374] : memref<10000x128xf32, #tpu.memory_space<vmem_shared>> -> memref<10000x128xf32, #tpu.memory_space<vmem_shared>>
      tpu.wait_indirect_dma semaphore(%arg36 : memref<!tpu.dma_semaphore, #tpu.memory_space<semaphore_mem>>) src(%arg17 : memref<80x128xf32, #tpu.memory_space<vmem>>) dst(%dma_wait3A_375 : memref<10000x128xf32, #tpu.memory_space<vmem_shared>>)
      %dma_wait3A_376 = arith.constant 0 : i32
      %dma_wait3A_377 = tpu.memref_slice %arg21[%dma_wait3A_376] : memref<10000xf32, #tpu.memory_space<vmem_shared>> -> memref<10000xf32, #tpu.memory_space<vmem_shared>>
      tpu.wait_indirect_dma semaphore(%arg36 : memref<!tpu.dma_semaphore, #tpu.memory_space<semaphore_mem>>) src(%arg13 : memref<80xf32, #tpu.memory_space<vmem>>) dst(%dma_wait3A_377 : memref<10000xf32, #tpu.memory_space<vmem_shared>>)
      %add3A_378 = arith.constant 2 : i32
      %add3A_379 = arith.addi %mul3A_260, %add3A_378 : i32
      %add3A_380 = arith.constant 4 : i32
      %add3A_381 = arith.addi %add3A_379, %add3A_380 : i32
      %lt3A_382 = arith.constant 125 : i32
      %lt3A_383 = arith.cmpi slt, %add3A_381, %lt3A_382 : i32
      %convert_element_type3A_384 = arith.extui %lt3A_383 : i1 to i32
      %cond3A_385 = arith.constant 0 : i32
      %cond3A_386 = arith.cmpi ne, %convert_element_type3A_384, %cond3A_385 : i32
      scf.if %cond3A_386 {
        %add3A_429 = arith.constant 2 : i32
        %add3A_430 = arith.addi %mul3A_260, %add3A_429 : i32
        %add3A_431 = arith.constant 4 : i32
        %add3A_432 = arith.addi %add3A_430, %add3A_431 : i32
        %dma_start3A_433 = arith.constant 0 : i32
        %dma_start3A_434 = arith.constant 0 : i32
        %dma_start3A_435 = tpu.memref_slice %arg4[%add3A, %add3A_432, %dma_start3A_433, %dma_start3A_434] : memref<32x125x1x80xi32, #tpu.memory_space<hbm>> -> memref<1x1x1x80xi32, #tpu.memory_space<hbm>>
        %dma_start3A_436 = tpu.memref_squeeze %dma_start3A_435 : memref<1x1x1x80xi32, #tpu.memory_space<hbm>> -> memref<80xi32, #tpu.memory_space<hbm>>
        %dma_start3A_437 = arith.constant 0 : i32
        %dma_start3A_438 = tpu.memref_slice %arg4[%add3A, %add3A_432, %dma_start3A_433, %dma_start3A_437] : memref<32x125x1x80xi32, #tpu.memory_space<hbm>> -> memref<1x1x1x80xi32, #tpu.memory_space<hbm>>
        %dma_start3A_439 = tpu.memref_squeeze %dma_start3A_438 : memref<1x1x1x80xi32, #tpu.memory_space<hbm>> -> memref<80xi32, #tpu.memory_space<hbm>>
        tpu.enqueue_dma source(%dma_start3A_439 : memref<80xi32, #tpu.memory_space<hbm>>) target(%arg9 : memref<80xi32, #tpu.memory_space<vmem>>) target_semaphore(%arg24 : memref<!tpu.dma_semaphore, #tpu.memory_space<semaphore_mem>>)
        %mul3A_440 = arith.constant 80 : i32
        %mul3A_441 = arith.muli %add3A_432, %mul3A_440 : i32
        %add3A_442 = arith.addi %mul3A_2, %mul3A_441 : i32
        %dma_start3A_443 = arith.constant 0 : i32
        %dma_start3A_444 = tpu.memref_slice %arg2[%add3A_442, %dma_start3A_443] : memref<320000x128xf32, #tpu.memory_space<hbm>> -> memref<80x128xf32, #tpu.memory_space<hbm>>
        %dma_start3A_445 = arith.constant 0 : i32
        %dma_start3A_446 = tpu.memref_slice %arg2[%add3A_442, %dma_start3A_445] : memref<320000x128xf32, #tpu.memory_space<hbm>> -> memref<80x128xf32, #tpu.memory_space<hbm>>
        tpu.enqueue_dma source(%dma_start3A_446 : memref<80x128xf32, #tpu.memory_space<hbm>>) target(%arg17 : memref<80x128xf32, #tpu.memory_space<vmem>>) target_semaphore(%arg28 : memref<!tpu.dma_semaphore, #tpu.memory_space<semaphore_mem>>)
        %dma_start3A_447 = arith.constant 0 : i32
        %dma_start3A_448 = arith.constant 0 : i32
        %dma_start3A_449 = tpu.memref_slice %arg3[%add3A, %add3A_432, %dma_start3A_447, %dma_start3A_448] : memref<32x125x1x80xf32, #tpu.memory_space<hbm>> -> memref<1x1x1x80xf32, #tpu.memory_space<hbm>>
        %dma_start3A_450 = tpu.memref_squeeze %dma_start3A_449 : memref<1x1x1x80xf32, #tpu.memory_space<hbm>> -> memref<80xf32, #tpu.memory_space<hbm>>
        %dma_start3A_451 = arith.constant 0 : i32
        %dma_start3A_452 = tpu.memref_slice %arg3[%add3A, %add3A_432, %dma_start3A_447, %dma_start3A_451] : memref<32x125x1x80xf32, #tpu.memory_space<hbm>> -> memref<1x1x1x80xf32, #tpu.memory_space<hbm>>
        %dma_start3A_453 = tpu.memref_squeeze %dma_start3A_452 : memref<1x1x1x80xf32, #tpu.memory_space<hbm>> -> memref<80xf32, #tpu.memory_space<hbm>>
        tpu.enqueue_dma source(%dma_start3A_453 : memref<80xf32, #tpu.memory_space<hbm>>) target(%arg13 : memref<80xf32, #tpu.memory_space<vmem>>) target_semaphore(%arg32 : memref<!tpu.dma_semaphore, #tpu.memory_space<semaphore_mem>>)
      } else {
      }
      %add3A_387 = arith.constant 3 : i32
      %add3A_388 = arith.addi %mul3A_260, %add3A_387 : i32
      %dma_wait3A_389 = arith.constant 0 : i32
      %dma_wait3A_390 = arith.constant 0 : i32
      %dma_wait3A_391 = tpu.memref_slice %arg4[%add3A, %add3A_388, %dma_wait3A_389, %dma_wait3A_390] : memref<32x125x1x80xi32, #tpu.memory_space<hbm>> -> memref<1x1x1x80xi32, #tpu.memory_space<hbm>>
      %dma_wait3A_392 = tpu.memref_squeeze %dma_wait3A_391 : memref<1x1x1x80xi32, #tpu.memory_space<hbm>> -> memref<80xi32, #tpu.memory_space<hbm>>
      %dma_wait3A_393 = arith.constant 0 : i32
      %dma_wait3A_394 = tpu.memref_slice %arg4[%add3A, %add3A_388, %dma_wait3A_389, %dma_wait3A_393] : memref<32x125x1x80xi32, #tpu.memory_space<hbm>> -> memref<1x1x1x80xi32, #tpu.memory_space<hbm>>
      %dma_wait3A_395 = tpu.memref_squeeze %dma_wait3A_394 : memref<1x1x1x80xi32, #tpu.memory_space<hbm>> -> memref<80xi32, #tpu.memory_space<hbm>>
      tpu.wait_dma2 semaphore(%arg25 : memref<!tpu.dma_semaphore, #tpu.memory_space<semaphore_mem>>) src(%dma_wait3A_395 : memref<80xi32, #tpu.memory_space<hbm>>) dst(%arg10 : memref<80xi32, #tpu.memory_space<vmem>>)
      %mul3A_396 = arith.constant 80 : i32
      %mul3A_397 = arith.muli %add3A_388, %mul3A_396 : i32
      %add3A_398 = arith.addi %mul3A_2, %mul3A_397 : i32
      %dma_wait3A_399 = arith.constant 0 : i32
      %dma_wait3A_400 = tpu.memref_slice %arg2[%add3A_398, %dma_wait3A_399] : memref<320000x128xf32, #tpu.memory_space<hbm>> -> memref<80x128xf32, #tpu.memory_space<hbm>>
      %dma_wait3A_401 = arith.constant 0 : i32
      %dma_wait3A_402 = tpu.memref_slice %arg2[%add3A_398, %dma_wait3A_401] : memref<320000x128xf32, #tpu.memory_space<hbm>> -> memref<80x128xf32, #tpu.memory_space<hbm>>
      tpu.wait_dma2 semaphore(%arg29 : memref<!tpu.dma_semaphore, #tpu.memory_space<semaphore_mem>>) src(%dma_wait3A_402 : memref<80x128xf32, #tpu.memory_space<hbm>>) dst(%arg18 : memref<80x128xf32, #tpu.memory_space<vmem>>)
      %dma_wait3A_403 = arith.constant 0 : i32
      %dma_wait3A_404 = arith.constant 0 : i32
      %dma_wait3A_405 = tpu.memref_slice %arg3[%add3A, %add3A_388, %dma_wait3A_403, %dma_wait3A_404] : memref<32x125x1x80xf32, #tpu.memory_space<hbm>> -> memref<1x1x1x80xf32, #tpu.memory_space<hbm>>
      %dma_wait3A_406 = tpu.memref_squeeze %dma_wait3A_405 : memref<1x1x1x80xf32, #tpu.memory_space<hbm>> -> memref<80xf32, #tpu.memory_space<hbm>>
      %dma_wait3A_407 = arith.constant 0 : i32
      %dma_wait3A_408 = tpu.memref_slice %arg3[%add3A, %add3A_388, %dma_wait3A_403, %dma_wait3A_407] : memref<32x125x1x80xf32, #tpu.memory_space<hbm>> -> memref<1x1x1x80xf32, #tpu.memory_space<hbm>>
      %dma_wait3A_409 = tpu.memref_squeeze %dma_wait3A_408 : memref<1x1x1x80xf32, #tpu.memory_space<hbm>> -> memref<80xf32, #tpu.memory_space<hbm>>
      tpu.wait_dma2 semaphore(%arg33 : memref<!tpu.dma_semaphore, #tpu.memory_space<semaphore_mem>>) src(%dma_wait3A_409 : memref<80xf32, #tpu.memory_space<hbm>>) dst(%arg14 : memref<80xf32, #tpu.memory_space<vmem>>)
      %dma_start3A_410 = arith.constant 0 : i32
      %dma_start3A_411 = arith.constant 0 : i32
      %dma_start3A_412 = tpu.memref_slice %arg20[%dma_start3A_410, %dma_start3A_411] : memref<10000x128xf32, #tpu.memory_space<vmem_shared>> -> memref<10000x128xf32, #tpu.memory_space<vmem_shared>>
      tpu.enqueue_indirect_dma source(%arg18 : memref<80x128xf32, #tpu.memory_space<vmem>>) target(%dma_start3A_412 : memref<10000x128xf32, #tpu.memory_space<vmem_shared>>) offsets(%arg10 : memref<80xi32, #tpu.memory_space<vmem>>) semaphore(%arg37 : memref<!tpu.dma_semaphore, #tpu.memory_space<semaphore_mem>>) {add = true}
      %dma_start3A_413 = arith.constant 0 : i32
      %dma_start3A_414 = tpu.memref_slice %arg21[%dma_start3A_413] : memref<10000xf32, #tpu.memory_space<vmem_shared>> -> memref<10000xf32, #tpu.memory_space<vmem_shared>>
      tpu.enqueue_indirect_dma source(%arg14 : memref<80xf32, #tpu.memory_space<vmem>>) target(%dma_start3A_414 : memref<10000xf32, #tpu.memory_space<vmem_shared>>) offsets(%arg10 : memref<80xi32, #tpu.memory_space<vmem>>) semaphore(%arg37 : memref<!tpu.dma_semaphore, #tpu.memory_space<semaphore_mem>>) {add = true}
      %dma_wait3A_415 = arith.constant 0 : i32
      %dma_wait3A_416 = arith.constant 0 : i32
      %dma_wait3A_417 = tpu.memref_slice %arg20[%dma_wait3A_415, %dma_wait3A_416] : memref<10000x128xf32, #tpu.memory_space<vmem_shared>> -> memref<10000x128xf32, #tpu.memory_space<vmem_shared>>
      tpu.wait_indirect_dma semaphore(%arg37 : memref<!tpu.dma_semaphore, #tpu.memory_space<semaphore_mem>>) src(%arg18 : memref<80x128xf32, #tpu.memory_space<vmem>>) dst(%dma_wait3A_417 : memref<10000x128xf32, #tpu.memory_space<vmem_shared>>)
      %dma_wait3A_418 = arith.constant 0 : i32
      %dma_wait3A_419 = tpu.memref_slice %arg21[%dma_wait3A_418] : memref<10000xf32, #tpu.memory_space<vmem_shared>> -> memref<10000xf32, #tpu.memory_space<vmem_shared>>
      tpu.wait_indirect_dma semaphore(%arg37 : memref<!tpu.dma_semaphore, #tpu.memory_space<semaphore_mem>>) src(%arg14 : memref<80xf32, #tpu.memory_space<vmem>>) dst(%dma_wait3A_419 : memref<10000xf32, #tpu.memory_space<vmem_shared>>)
      %add3A_420 = arith.constant 3 : i32
      %add3A_421 = arith.addi %mul3A_260, %add3A_420 : i32
      %add3A_422 = arith.constant 4 : i32
      %add3A_423 = arith.addi %add3A_421, %add3A_422 : i32
      %lt3A_424 = arith.constant 125 : i32
      %lt3A_425 = arith.cmpi slt, %add3A_423, %lt3A_424 : i32
      %convert_element_type3A_426 = arith.extui %lt3A_425 : i1 to i32
      %cond3A_427 = arith.constant 0 : i32
      %cond3A_428 = arith.cmpi ne, %convert_element_type3A_426, %cond3A_427 : i32
      scf.if %cond3A_428 {
        %add3A_429 = arith.constant 3 : i32
        %add3A_430 = arith.addi %mul3A_260, %add3A_429 : i32
        %add3A_431 = arith.constant 4 : i32
        %add3A_432 = arith.addi %add3A_430, %add3A_431 : i32
        %dma_start3A_433 = arith.constant 0 : i32
        %dma_start3A_434 = arith.constant 0 : i32
        %dma_start3A_435 = tpu.memref_slice %arg4[%add3A, %add3A_432, %dma_start3A_433, %dma_start3A_434] : memref<32x125x1x80xi32, #tpu.memory_space<hbm>> -> memref<1x1x1x80xi32, #tpu.memory_space<hbm>>
        %dma_start3A_436 = tpu.memref_squeeze %dma_start3A_435 : memref<1x1x1x80xi32, #tpu.memory_space<hbm>> -> memref<80xi32, #tpu.memory_space<hbm>>
        %dma_start3A_437 = arith.constant 0 : i32
        %dma_start3A_438 = tpu.memref_slice %arg4[%add3A, %add3A_432, %dma_start3A_433, %dma_start3A_437] : memref<32x125x1x80xi32, #tpu.memory_space<hbm>> -> memref<1x1x1x80xi32, #tpu.memory_space<hbm>>
        %dma_start3A_439 = tpu.memref_squeeze %dma_start3A_438 : memref<1x1x1x80xi32, #tpu.memory_space<hbm>> -> memref<80xi32, #tpu.memory_space<hbm>>
        tpu.enqueue_dma source(%dma_start3A_439 : memref<80xi32, #tpu.memory_space<hbm>>) target(%arg10 : memref<80xi32, #tpu.memory_space<vmem>>) target_semaphore(%arg25 : memref<!tpu.dma_semaphore, #tpu.memory_space<semaphore_mem>>)
        %mul3A_440 = arith.constant 80 : i32
        %mul3A_441 = arith.muli %add3A_432, %mul3A_440 : i32
        %add3A_442 = arith.addi %mul3A_2, %mul3A_441 : i32
        %dma_start3A_443 = arith.constant 0 : i32
        %dma_start3A_444 = tpu.memref_slice %arg2[%add3A_442, %dma_start3A_443] : memref<320000x128xf32, #tpu.memory_space<hbm>> -> memref<80x128xf32, #tpu.memory_space<hbm>>
        %dma_start3A_445 = arith.constant 0 : i32
        %dma_start3A_446 = tpu.memref_slice %arg2[%add3A_442, %dma_start3A_445] : memref<320000x128xf32, #tpu.memory_space<hbm>> -> memref<80x128xf32, #tpu.memory_space<hbm>>
        tpu.enqueue_dma source(%dma_start3A_446 : memref<80x128xf32, #tpu.memory_space<hbm>>) target(%arg18 : memref<80x128xf32, #tpu.memory_space<vmem>>) target_semaphore(%arg29 : memref<!tpu.dma_semaphore, #tpu.memory_space<semaphore_mem>>)
        %dma_start3A_447 = arith.constant 0 : i32
        %dma_start3A_448 = arith.constant 0 : i32
        %dma_start3A_449 = tpu.memref_slice %arg3[%add3A, %add3A_432, %dma_start3A_447, %dma_start3A_448] : memref<32x125x1x80xf32, #tpu.memory_space<hbm>> -> memref<1x1x1x80xf32, #tpu.memory_space<hbm>>
        %dma_start3A_450 = tpu.memref_squeeze %dma_start3A_449 : memref<1x1x1x80xf32, #tpu.memory_space<hbm>> -> memref<80xf32, #tpu.memory_space<hbm>>
        %dma_start3A_451 = arith.constant 0 : i32
        %dma_start3A_452 = tpu.memref_slice %arg3[%add3A, %add3A_432, %dma_start3A_447, %dma_start3A_451] : memref<32x125x1x80xf32, #tpu.memory_space<hbm>> -> memref<1x1x1x80xf32, #tpu.memory_space<hbm>>
        %dma_start3A_453 = tpu.memref_squeeze %dma_start3A_452 : memref<1x1x1x80xf32, #tpu.memory_space<hbm>> -> memref<80xf32, #tpu.memory_space<hbm>>
        tpu.enqueue_dma source(%dma_start3A_453 : memref<80xf32, #tpu.memory_space<hbm>>) target(%arg14 : memref<80xf32, #tpu.memory_space<vmem>>) target_semaphore(%arg33 : memref<!tpu.dma_semaphore, #tpu.memory_space<semaphore_mem>>)
      } else {
      }
    }
    %scan3A_164 = arith.constant 31 : i32
    %dma_wait3A = arith.constant 124 : i32
    %dma_wait3A_165 = arith.constant 0 : i32
    %dma_wait3A_166 = arith.constant 0 : i32
    %dma_wait3A_167 = tpu.memref_slice %arg4[%add3A, %dma_wait3A, %dma_wait3A_165, %dma_wait3A_166] : memref<32x125x1x80xi32, #tpu.memory_space<hbm>> -> memref<1x1x1x80xi32, #tpu.memory_space<hbm>>
    %dma_wait3A_168 = tpu.memref_squeeze %dma_wait3A_167 : memref<1x1x1x80xi32, #tpu.memory_space<hbm>> -> memref<80xi32, #tpu.memory_space<hbm>>
    %dma_wait3A_169 = arith.constant 0 : i32
    %dma_wait3A_170 = tpu.memref_slice %arg4[%add3A, %dma_wait3A, %dma_wait3A_165, %dma_wait3A_169] : memref<32x125x1x80xi32, #tpu.memory_space<hbm>> -> memref<1x1x1x80xi32, #tpu.memory_space<hbm>>
    %dma_wait3A_171 = tpu.memref_squeeze %dma_wait3A_170 : memref<1x1x1x80xi32, #tpu.memory_space<hbm>> -> memref<80xi32, #tpu.memory_space<hbm>>
    tpu.wait_dma2 semaphore(%arg22 : memref<!tpu.dma_semaphore, #tpu.memory_space<semaphore_mem>>) src(%dma_wait3A_171 : memref<80xi32, #tpu.memory_space<hbm>>) dst(%arg7 : memref<80xi32, #tpu.memory_space<vmem>>)
    %add3A_172 = arith.constant 9920 : i32
    %add3A_173 = arith.addi %mul3A_2, %add3A_172 : i32
    %dma_wait3A_174 = arith.constant 0 : i32
    %dma_wait3A_175 = tpu.memref_slice %arg2[%add3A_173, %dma_wait3A_174] : memref<320000x128xf32, #tpu.memory_space<hbm>> -> memref<80x128xf32, #tpu.memory_space<hbm>>
    %dma_wait3A_176 = arith.constant 0 : i32
    %dma_wait3A_177 = tpu.memref_slice %arg2[%add3A_173, %dma_wait3A_176] : memref<320000x128xf32, #tpu.memory_space<hbm>> -> memref<80x128xf32, #tpu.memory_space<hbm>>
    tpu.wait_dma2 semaphore(%arg26 : memref<!tpu.dma_semaphore, #tpu.memory_space<semaphore_mem>>) src(%dma_wait3A_177 : memref<80x128xf32, #tpu.memory_space<hbm>>) dst(%arg15 : memref<80x128xf32, #tpu.memory_space<vmem>>)
    %dma_wait3A_178 = arith.constant 124 : i32
    %dma_wait3A_179 = arith.constant 0 : i32
    %dma_wait3A_180 = arith.constant 0 : i32
    %dma_wait3A_181 = tpu.memref_slice %arg3[%add3A, %dma_wait3A_178, %dma_wait3A_179, %dma_wait3A_180] : memref<32x125x1x80xf32, #tpu.memory_space<hbm>> -> memref<1x1x1x80xf32, #tpu.memory_space<hbm>>
    %dma_wait3A_182 = tpu.memref_squeeze %dma_wait3A_181 : memref<1x1x1x80xf32, #tpu.memory_space<hbm>> -> memref<80xf32, #tpu.memory_space<hbm>>
    %dma_wait3A_183 = arith.constant 0 : i32
    %dma_wait3A_184 = tpu.memref_slice %arg3[%add3A, %dma_wait3A_178, %dma_wait3A_179, %dma_wait3A_183] : memref<32x125x1x80xf32, #tpu.memory_space<hbm>> -> memref<1x1x1x80xf32, #tpu.memory_space<hbm>>
    %dma_wait3A_185 = tpu.memref_squeeze %dma_wait3A_184 : memref<1x1x1x80xf32, #tpu.memory_space<hbm>> -> memref<80xf32, #tpu.memory_space<hbm>>
    tpu.wait_dma2 semaphore(%arg30 : memref<!tpu.dma_semaphore, #tpu.memory_space<semaphore_mem>>) src(%dma_wait3A_185 : memref<80xf32, #tpu.memory_space<hbm>>) dst(%arg11 : memref<80xf32, #tpu.memory_space<vmem>>)
    %dma_start3A_186 = arith.constant 0 : i32
    %dma_start3A_187 = arith.constant 0 : i32
    %dma_start3A_188 = tpu.memref_slice %arg20[%dma_start3A_186, %dma_start3A_187] : memref<10000x128xf32, #tpu.memory_space<vmem_shared>> -> memref<10000x128xf32, #tpu.memory_space<vmem_shared>>
    tpu.enqueue_indirect_dma source(%arg15 : memref<80x128xf32, #tpu.memory_space<vmem>>) target(%dma_start3A_188 : memref<10000x128xf32, #tpu.memory_space<vmem_shared>>) offsets(%arg7 : memref<80xi32, #tpu.memory_space<vmem>>) semaphore(%arg34 : memref<!tpu.dma_semaphore, #tpu.memory_space<semaphore_mem>>) {add = true}
    %dma_start3A_189 = arith.constant 0 : i32
    %dma_start3A_190 = tpu.memref_slice %arg21[%dma_start3A_189] : memref<10000xf32, #tpu.memory_space<vmem_shared>> -> memref<10000xf32, #tpu.memory_space<vmem_shared>>
    tpu.enqueue_indirect_dma source(%arg11 : memref<80xf32, #tpu.memory_space<vmem>>) target(%dma_start3A_190 : memref<10000xf32, #tpu.memory_space<vmem_shared>>) offsets(%arg7 : memref<80xi32, #tpu.memory_space<vmem>>) semaphore(%arg34 : memref<!tpu.dma_semaphore, #tpu.memory_space<semaphore_mem>>) {add = true}
    %dma_wait3A_191 = arith.constant 0 : i32
    %dma_wait3A_192 = arith.constant 0 : i32
    %dma_wait3A_193 = tpu.memref_slice %arg20[%dma_wait3A_191, %dma_wait3A_192] : memref<10000x128xf32, #tpu.memory_space<vmem_shared>> -> memref<10000x128xf32, #tpu.memory_space<vmem_shared>>
    tpu.wait_indirect_dma semaphore(%arg34 : memref<!tpu.dma_semaphore, #tpu.memory_space<semaphore_mem>>) src(%arg15 : memref<80x128xf32, #tpu.memory_space<vmem>>) dst(%dma_wait3A_193 : memref<10000x128xf32, #tpu.memory_space<vmem_shared>>)
    %dma_wait3A_194 = arith.constant 0 : i32
    %dma_wait3A_195 = tpu.memref_slice %arg21[%dma_wait3A_194] : memref<10000xf32, #tpu.memory_space<vmem_shared>> -> memref<10000xf32, #tpu.memory_space<vmem_shared>>
    tpu.wait_indirect_dma semaphore(%arg34 : memref<!tpu.dma_semaphore, #tpu.memory_space<semaphore_mem>>) src(%arg11 : memref<80xf32, #tpu.memory_space<vmem>>) dst(%dma_wait3A_195 : memref<10000xf32, #tpu.memory_space<vmem_shared>>)
    %barrier3A_196 = arith.constant 0 : index
    tpu.barrier barrier_id(%barrier3A_196)
    %eq3A_197 = arith.constant 0 : i32
    %eq3A_198 = arith.cmpi eq, %arg1, %eq3A_197 : i32
    %convert_element_type3A_199 = arith.extui %eq3A_198 : i1 to i32
    %cond3A_200 = arith.constant 0 : i32
    %cond3A_201 = arith.cmpi ne, %convert_element_type3A_199, %cond3A_200 : i32
    scf.if %cond3A_201 {
      %run_scoped3A = arith.constant 0 : i32
      "tpu.region"() ({
        %run_scoped3A_258 = tpu.sem_alloc : memref<!tpu.dma_semaphore, #tpu.memory_space<semaphore_mem>>
        %dma_start3A_259 = arith.constant 0 : i32
        %dma_start3A_260 = tpu.memref_slice %arg6[%arg0, %run_scoped3A, %dma_start3A_259] : memref<2x1x10000xf32, #tpu.memory_space<hbm>> -> memref<1x1x10000xf32, #tpu.memory_space<hbm>>
        %dma_start3A_261 = tpu.memref_squeeze %dma_start3A_260 : memref<1x1x10000xf32, #tpu.memory_space<hbm>> -> memref<10000xf32, #tpu.memory_space<hbm>>
        tpu.enqueue_dma source(%arg21 : memref<10000xf32, #tpu.memory_space<vmem_shared>>) target(%dma_start3A_261 : memref<10000xf32, #tpu.memory_space<hbm>>) target_semaphore(%run_scoped3A_258 : memref<!tpu.dma_semaphore, #tpu.memory_space<semaphore_mem>>)
        %dma_wait3A_262 = arith.constant 0 : i32
        %dma_wait3A_263 = tpu.memref_slice %arg6[%arg0, %run_scoped3A, %dma_wait3A_262] : memref<2x1x10000xf32, #tpu.memory_space<hbm>> -> memref<1x1x10000xf32, #tpu.memory_space<hbm>>
        %dma_wait3A_264 = tpu.memref_squeeze %dma_wait3A_263 : memref<1x1x10000xf32, #tpu.memory_space<hbm>> -> memref<10000xf32, #tpu.memory_space<hbm>>
        tpu.wait_dma2 semaphore(%run_scoped3A_258 : memref<!tpu.dma_semaphore, #tpu.memory_space<semaphore_mem>>) src(%arg21 : memref<10000xf32, #tpu.memory_space<vmem_shared>>) dst(%dma_wait3A_264 : memref<10000xf32, #tpu.memory_space<hbm>>)
        tpu.yield
      }) : () -> ()
    } else {
    }
    %add3A_202 = arith.constant 0 : i32
    %add3A_203 = arith.addi %arg1, %add3A_202 : i32
    %lt3A_204 = arith.constant 125 : i32
    %lt3A_205 = arith.cmpi slt, %add3A_203, %lt3A_204 : i32
    %convert_element_type3A_206 = arith.extui %lt3A_205 : i1 to i32
    %cond3A_207 = arith.constant 0 : i32
    %cond3A_208 = arith.cmpi ne, %convert_element_type3A_206, %cond3A_207 : i32
    scf.if %cond3A_208 {
      %mul3A_258 = arith.constant 80 : i32
      %mul3A_259 = arith.muli %add3A_203, %mul3A_258 : i32
      "tpu.region"() ({
        %run_scoped3A = tpu.sem_alloc : memref<!tpu.dma_semaphore, #tpu.memory_space<semaphore_mem>>
        %dma_start3A_260 = arith.constant 0 : i32
        %dma_start3A_261 = tpu.memref_slice %arg5[%arg0, %mul3A_259, %dma_start3A_260] : memref<2x10000x128xf32, #tpu.memory_space<hbm>> -> memref<1x80x128xf32, #tpu.memory_space<hbm>>
        %dma_start3A_262 = tpu.memref_squeeze %dma_start3A_261 : memref<1x80x128xf32, #tpu.memory_space<hbm>> -> memref<80x128xf32, #tpu.memory_space<hbm>>
        %dma_start3A_263 = arith.constant 0 : i32
        %dma_start3A_264 = tpu.memref_slice %arg20[%mul3A_259, %dma_start3A_263] : memref<10000x128xf32, #tpu.memory_space<vmem_shared>> -> memref<80x128xf32, #tpu.memory_space<vmem_shared>>
        tpu.enqueue_dma source(%dma_start3A_264 : memref<80x128xf32, #tpu.memory_space<vmem_shared>>) target(%dma_start3A_262 : memref<80x128xf32, #tpu.memory_space<hbm>>) target_semaphore(%run_scoped3A : memref<!tpu.dma_semaphore, #tpu.memory_space<semaphore_mem>>)
        %dma_wait3A_265 = arith.constant 0 : i32
        %dma_wait3A_266 = tpu.memref_slice %arg5[%arg0, %mul3A_259, %dma_wait3A_265] : memref<2x10000x128xf32, #tpu.memory_space<hbm>> -> memref<1x80x128xf32, #tpu.memory_space<hbm>>
        %dma_wait3A_267 = tpu.memref_squeeze %dma_wait3A_266 : memref<1x80x128xf32, #tpu.memory_space<hbm>> -> memref<80x128xf32, #tpu.memory_space<hbm>>
        %dma_wait3A_268 = arith.constant 0 : i32
        %dma_wait3A_269 = tpu.memref_slice %arg20[%mul3A_259, %dma_wait3A_268] : memref<10000x128xf32, #tpu.memory_space<vmem_shared>> -> memref<80x128xf32, #tpu.memory_space<vmem_shared>>
        tpu.wait_dma2 semaphore(%run_scoped3A : memref<!tpu.dma_semaphore, #tpu.memory_space<semaphore_mem>>) src(%dma_wait3A_269 : memref<80x128xf32, #tpu.memory_space<vmem_shared>>) dst(%dma_wait3A_267 : memref<80x128xf32, #tpu.memory_space<hbm>>)
        tpu.yield
      }) : () -> ()
    } else {
    }
    %add3A_209 = arith.constant 16 : i32
    %add3A_210 = arith.addi %arg1, %add3A_209 : i32
    %lt3A_211 = arith.constant 125 : i32
    %lt3A_212 = arith.cmpi slt, %add3A_210, %lt3A_211 : i32
    %convert_element_type3A_213 = arith.extui %lt3A_212 : i1 to i32
    %cond3A_214 = arith.constant 0 : i32
    %cond3A_215 = arith.cmpi ne, %convert_element_type3A_213, %cond3A_214 : i32
    scf.if %cond3A_215 {
      %mul3A_258 = arith.constant 80 : i32
      %mul3A_259 = arith.muli %add3A_210, %mul3A_258 : i32
      "tpu.region"() ({
        %run_scoped3A = tpu.sem_alloc : memref<!tpu.dma_semaphore, #tpu.memory_space<semaphore_mem>>
        %dma_start3A_260 = arith.constant 0 : i32
        %dma_start3A_261 = tpu.memref_slice %arg5[%arg0, %mul3A_259, %dma_start3A_260] : memref<2x10000x128xf32, #tpu.memory_space<hbm>> -> memref<1x80x128xf32, #tpu.memory_space<hbm>>
        %dma_start3A_262 = tpu.memref_squeeze %dma_start3A_261 : memref<1x80x128xf32, #tpu.memory_space<hbm>> -> memref<80x128xf32, #tpu.memory_space<hbm>>
        %dma_start3A_263 = arith.constant 0 : i32
        %dma_start3A_264 = tpu.memref_slice %arg20[%mul3A_259, %dma_start3A_263] : memref<10000x128xf32, #tpu.memory_space<vmem_shared>> -> memref<80x128xf32, #tpu.memory_space<vmem_shared>>
        tpu.enqueue_dma source(%dma_start3A_264 : memref<80x128xf32, #tpu.memory_space<vmem_shared>>) target(%dma_start3A_262 : memref<80x128xf32, #tpu.memory_space<hbm>>) target_semaphore(%run_scoped3A : memref<!tpu.dma_semaphore, #tpu.memory_space<semaphore_mem>>)
        %dma_wait3A_265 = arith.constant 0 : i32
        %dma_wait3A_266 = tpu.memref_slice %arg5[%arg0, %mul3A_259, %dma_wait3A_265] : memref<2x10000x128xf32, #tpu.memory_space<hbm>> -> memref<1x80x128xf32, #tpu.memory_space<hbm>>
        %dma_wait3A_267 = tpu.memref_squeeze %dma_wait3A_266 : memref<1x80x128xf32, #tpu.memory_space<hbm>> -> memref<80x128xf32, #tpu.memory_space<hbm>>
        %dma_wait3A_268 = arith.constant 0 : i32
        %dma_wait3A_269 = tpu.memref_slice %arg20[%mul3A_259, %dma_wait3A_268] : memref<10000x128xf32, #tpu.memory_space<vmem_shared>> -> memref<80x128xf32, #tpu.memory_space<vmem_shared>>
        tpu.wait_dma2 semaphore(%run_scoped3A : memref<!tpu.dma_semaphore, #tpu.memory_space<semaphore_mem>>) src(%dma_wait3A_269 : memref<80x128xf32, #tpu.memory_space<vmem_shared>>) dst(%dma_wait3A_267 : memref<80x128xf32, #tpu.memory_space<hbm>>)
        tpu.yield
      }) : () -> ()
    } else {
    }
    %add3A_216 = arith.constant 32 : i32
    %add3A_217 = arith.addi %arg1, %add3A_216 : i32
    %lt3A_218 = arith.constant 125 : i32
    %lt3A_219 = arith.cmpi slt, %add3A_217, %lt3A_218 : i32
    %convert_element_type3A_220 = arith.extui %lt3A_219 : i1 to i32
    %cond3A_221 = arith.constant 0 : i32
    %cond3A_222 = arith.cmpi ne, %convert_element_type3A_220, %cond3A_221 : i32
    scf.if %cond3A_222 {
      %mul3A_258 = arith.constant 80 : i32
      %mul3A_259 = arith.muli %add3A_217, %mul3A_258 : i32
      "tpu.region"() ({
        %run_scoped3A = tpu.sem_alloc : memref<!tpu.dma_semaphore, #tpu.memory_space<semaphore_mem>>
        %dma_start3A_260 = arith.constant 0 : i32
        %dma_start3A_261 = tpu.memref_slice %arg5[%arg0, %mul3A_259, %dma_start3A_260] : memref<2x10000x128xf32, #tpu.memory_space<hbm>> -> memref<1x80x128xf32, #tpu.memory_space<hbm>>
        %dma_start3A_262 = tpu.memref_squeeze %dma_start3A_261 : memref<1x80x128xf32, #tpu.memory_space<hbm>> -> memref<80x128xf32, #tpu.memory_space<hbm>>
        %dma_start3A_263 = arith.constant 0 : i32
        %dma_start3A_264 = tpu.memref_slice %arg20[%mul3A_259, %dma_start3A_263] : memref<10000x128xf32, #tpu.memory_space<vmem_shared>> -> memref<80x128xf32, #tpu.memory_space<vmem_shared>>
        tpu.enqueue_dma source(%dma_start3A_264 : memref<80x128xf32, #tpu.memory_space<vmem_shared>>) target(%dma_start3A_262 : memref<80x128xf32, #tpu.memory_space<hbm>>) target_semaphore(%run_scoped3A : memref<!tpu.dma_semaphore, #tpu.memory_space<semaphore_mem>>)
        %dma_wait3A_265 = arith.constant 0 : i32
        %dma_wait3A_266 = tpu.memref_slice %arg5[%arg0, %mul3A_259, %dma_wait3A_265] : memref<2x10000x128xf32, #tpu.memory_space<hbm>> -> memref<1x80x128xf32, #tpu.memory_space<hbm>>
        %dma_wait3A_267 = tpu.memref_squeeze %dma_wait3A_266 : memref<1x80x128xf32, #tpu.memory_space<hbm>> -> memref<80x128xf32, #tpu.memory_space<hbm>>
        %dma_wait3A_268 = arith.constant 0 : i32
        %dma_wait3A_269 = tpu.memref_slice %arg20[%mul3A_259, %dma_wait3A_268] : memref<10000x128xf32, #tpu.memory_space<vmem_shared>> -> memref<80x128xf32, #tpu.memory_space<vmem_shared>>
        tpu.wait_dma2 semaphore(%run_scoped3A : memref<!tpu.dma_semaphore, #tpu.memory_space<semaphore_mem>>) src(%dma_wait3A_269 : memref<80x128xf32, #tpu.memory_space<vmem_shared>>) dst(%dma_wait3A_267 : memref<80x128xf32, #tpu.memory_space<hbm>>)
        tpu.yield
      }) : () -> ()
    } else {
    }
    %add3A_223 = arith.constant 48 : i32
    %add3A_224 = arith.addi %arg1, %add3A_223 : i32
    %lt3A_225 = arith.constant 125 : i32
    %lt3A_226 = arith.cmpi slt, %add3A_224, %lt3A_225 : i32
    %convert_element_type3A_227 = arith.extui %lt3A_226 : i1 to i32
    %cond3A_228 = arith.constant 0 : i32
    %cond3A_229 = arith.cmpi ne, %convert_element_type3A_227, %cond3A_228 : i32
    scf.if %cond3A_229 {
      %mul3A_258 = arith.constant 80 : i32
      %mul3A_259 = arith.muli %add3A_224, %mul3A_258 : i32
      "tpu.region"() ({
        %run_scoped3A = tpu.sem_alloc : memref<!tpu.dma_semaphore, #tpu.memory_space<semaphore_mem>>
        %dma_start3A_260 = arith.constant 0 : i32
        %dma_start3A_261 = tpu.memref_slice %arg5[%arg0, %mul3A_259, %dma_start3A_260] : memref<2x10000x128xf32, #tpu.memory_space<hbm>> -> memref<1x80x128xf32, #tpu.memory_space<hbm>>
        %dma_start3A_262 = tpu.memref_squeeze %dma_start3A_261 : memref<1x80x128xf32, #tpu.memory_space<hbm>> -> memref<80x128xf32, #tpu.memory_space<hbm>>
        %dma_start3A_263 = arith.constant 0 : i32
        %dma_start3A_264 = tpu.memref_slice %arg20[%mul3A_259, %dma_start3A_263] : memref<10000x128xf32, #tpu.memory_space<vmem_shared>> -> memref<80x128xf32, #tpu.memory_space<vmem_shared>>
        tpu.enqueue_dma source(%dma_start3A_264 : memref<80x128xf32, #tpu.memory_space<vmem_shared>>) target(%dma_start3A_262 : memref<80x128xf32, #tpu.memory_space<hbm>>) target_semaphore(%run_scoped3A : memref<!tpu.dma_semaphore, #tpu.memory_space<semaphore_mem>>)
        %dma_wait3A_265 = arith.constant 0 : i32
        %dma_wait3A_266 = tpu.memref_slice %arg5[%arg0, %mul3A_259, %dma_wait3A_265] : memref<2x10000x128xf32, #tpu.memory_space<hbm>> -> memref<1x80x128xf32, #tpu.memory_space<hbm>>
        %dma_wait3A_267 = tpu.memref_squeeze %dma_wait3A_266 : memref<1x80x128xf32, #tpu.memory_space<hbm>> -> memref<80x128xf32, #tpu.memory_space<hbm>>
        %dma_wait3A_268 = arith.constant 0 : i32
        %dma_wait3A_269 = tpu.memref_slice %arg20[%mul3A_259, %dma_wait3A_268] : memref<10000x128xf32, #tpu.memory_space<vmem_shared>> -> memref<80x128xf32, #tpu.memory_space<vmem_shared>>
        tpu.wait_dma2 semaphore(%run_scoped3A : memref<!tpu.dma_semaphore, #tpu.memory_space<semaphore_mem>>) src(%dma_wait3A_269 : memref<80x128xf32, #tpu.memory_space<vmem_shared>>) dst(%dma_wait3A_267 : memref<80x128xf32, #tpu.memory_space<hbm>>)
        tpu.yield
      }) : () -> ()
    } else {
    }
    %add3A_230 = arith.constant 64 : i32
    %add3A_231 = arith.addi %arg1, %add3A_230 : i32
    %lt3A_232 = arith.constant 125 : i32
    %lt3A_233 = arith.cmpi slt, %add3A_231, %lt3A_232 : i32
    %convert_element_type3A_234 = arith.extui %lt3A_233 : i1 to i32
    %cond3A_235 = arith.constant 0 : i32
    %cond3A_236 = arith.cmpi ne, %convert_element_type3A_234, %cond3A_235 : i32
    scf.if %cond3A_236 {
      %mul3A_258 = arith.constant 80 : i32
      %mul3A_259 = arith.muli %add3A_231, %mul3A_258 : i32
      "tpu.region"() ({
        %run_scoped3A = tpu.sem_alloc : memref<!tpu.dma_semaphore, #tpu.memory_space<semaphore_mem>>
        %dma_start3A_260 = arith.constant 0 : i32
        %dma_start3A_261 = tpu.memref_slice %arg5[%arg0, %mul3A_259, %dma_start3A_260] : memref<2x10000x128xf32, #tpu.memory_space<hbm>> -> memref<1x80x128xf32, #tpu.memory_space<hbm>>
        %dma_start3A_262 = tpu.memref_squeeze %dma_start3A_261 : memref<1x80x128xf32, #tpu.memory_space<hbm>> -> memref<80x128xf32, #tpu.memory_space<hbm>>
        %dma_start3A_263 = arith.constant 0 : i32
        %dma_start3A_264 = tpu.memref_slice %arg20[%mul3A_259, %dma_start3A_263] : memref<10000x128xf32, #tpu.memory_space<vmem_shared>> -> memref<80x128xf32, #tpu.memory_space<vmem_shared>>
        tpu.enqueue_dma source(%dma_start3A_264 : memref<80x128xf32, #tpu.memory_space<vmem_shared>>) target(%dma_start3A_262 : memref<80x128xf32, #tpu.memory_space<hbm>>) target_semaphore(%run_scoped3A : memref<!tpu.dma_semaphore, #tpu.memory_space<semaphore_mem>>)
        %dma_wait3A_265 = arith.constant 0 : i32
        %dma_wait3A_266 = tpu.memref_slice %arg5[%arg0, %mul3A_259, %dma_wait3A_265] : memref<2x10000x128xf32, #tpu.memory_space<hbm>> -> memref<1x80x128xf32, #tpu.memory_space<hbm>>
        %dma_wait3A_267 = tpu.memref_squeeze %dma_wait3A_266 : memref<1x80x128xf32, #tpu.memory_space<hbm>> -> memref<80x128xf32, #tpu.memory_space<hbm>>
        %dma_wait3A_268 = arith.constant 0 : i32
        %dma_wait3A_269 = tpu.memref_slice %arg20[%mul3A_259, %dma_wait3A_268] : memref<10000x128xf32, #tpu.memory_space<vmem_shared>> -> memref<80x128xf32, #tpu.memory_space<vmem_shared>>
        tpu.wait_dma2 semaphore(%run_scoped3A : memref<!tpu.dma_semaphore, #tpu.memory_space<semaphore_mem>>) src(%dma_wait3A_269 : memref<80x128xf32, #tpu.memory_space<vmem_shared>>) dst(%dma_wait3A_267 : memref<80x128xf32, #tpu.memory_space<hbm>>)
        tpu.yield
      }) : () -> ()
    } else {
    }
    %add3A_237 = arith.constant 80 : i32
    %add3A_238 = arith.addi %arg1, %add3A_237 : i32
    %lt3A_239 = arith.constant 125 : i32
    %lt3A_240 = arith.cmpi slt, %add3A_238, %lt3A_239 : i32
    %convert_element_type3A_241 = arith.extui %lt3A_240 : i1 to i32
    %cond3A_242 = arith.constant 0 : i32
    %cond3A_243 = arith.cmpi ne, %convert_element_type3A_241, %cond3A_242 : i32
    scf.if %cond3A_243 {
      %mul3A_258 = arith.constant 80 : i32
      %mul3A_259 = arith.muli %add3A_238, %mul3A_258 : i32
      "tpu.region"() ({
        %run_scoped3A = tpu.sem_alloc : memref<!tpu.dma_semaphore, #tpu.memory_space<semaphore_mem>>
        %dma_start3A_260 = arith.constant 0 : i32
        %dma_start3A_261 = tpu.memref_slice %arg5[%arg0, %mul3A_259, %dma_start3A_260] : memref<2x10000x128xf32, #tpu.memory_space<hbm>> -> memref<1x80x128xf32, #tpu.memory_space<hbm>>
        %dma_start3A_262 = tpu.memref_squeeze %dma_start3A_261 : memref<1x80x128xf32, #tpu.memory_space<hbm>> -> memref<80x128xf32, #tpu.memory_space<hbm>>
        %dma_start3A_263 = arith.constant 0 : i32
        %dma_start3A_264 = tpu.memref_slice %arg20[%mul3A_259, %dma_start3A_263] : memref<10000x128xf32, #tpu.memory_space<vmem_shared>> -> memref<80x128xf32, #tpu.memory_space<vmem_shared>>
        tpu.enqueue_dma source(%dma_start3A_264 : memref<80x128xf32, #tpu.memory_space<vmem_shared>>) target(%dma_start3A_262 : memref<80x128xf32, #tpu.memory_space<hbm>>) target_semaphore(%run_scoped3A : memref<!tpu.dma_semaphore, #tpu.memory_space<semaphore_mem>>)
        %dma_wait3A_265 = arith.constant 0 : i32
        %dma_wait3A_266 = tpu.memref_slice %arg5[%arg0, %mul3A_259, %dma_wait3A_265] : memref<2x10000x128xf32, #tpu.memory_space<hbm>> -> memref<1x80x128xf32, #tpu.memory_space<hbm>>
        %dma_wait3A_267 = tpu.memref_squeeze %dma_wait3A_266 : memref<1x80x128xf32, #tpu.memory_space<hbm>> -> memref<80x128xf32, #tpu.memory_space<hbm>>
        %dma_wait3A_268 = arith.constant 0 : i32
        %dma_wait3A_269 = tpu.memref_slice %arg20[%mul3A_259, %dma_wait3A_268] : memref<10000x128xf32, #tpu.memory_space<vmem_shared>> -> memref<80x128xf32, #tpu.memory_space<vmem_shared>>
        tpu.wait_dma2 semaphore(%run_scoped3A : memref<!tpu.dma_semaphore, #tpu.memory_space<semaphore_mem>>) src(%dma_wait3A_269 : memref<80x128xf32, #tpu.memory_space<vmem_shared>>) dst(%dma_wait3A_267 : memref<80x128xf32, #tpu.memory_space<hbm>>)
        tpu.yield
      }) : () -> ()
    } else {
    }
    %add3A_244 = arith.constant 96 : i32
    %add3A_245 = arith.addi %arg1, %add3A_244 : i32
    %lt3A_246 = arith.constant 125 : i32
    %lt3A_247 = arith.cmpi slt, %add3A_245, %lt3A_246 : i32
    %convert_element_type3A_248 = arith.extui %lt3A_247 : i1 to i32
    %cond3A_249 = arith.constant 0 : i32
    %cond3A_250 = arith.cmpi ne, %convert_element_type3A_248, %cond3A_249 : i32
    scf.if %cond3A_250 {
      %mul3A_258 = arith.constant 80 : i32
      %mul3A_259 = arith.muli %add3A_245, %mul3A_258 : i32
      "tpu.region"() ({
        %run_scoped3A = tpu.sem_alloc : memref<!tpu.dma_semaphore, #tpu.memory_space<semaphore_mem>>
        %dma_start3A_260 = arith.constant 0 : i32
        %dma_start3A_261 = tpu.memref_slice %arg5[%arg0, %mul3A_259, %dma_start3A_260] : memref<2x10000x128xf32, #tpu.memory_space<hbm>> -> memref<1x80x128xf32, #tpu.memory_space<hbm>>
        %dma_start3A_262 = tpu.memref_squeeze %dma_start3A_261 : memref<1x80x128xf32, #tpu.memory_space<hbm>> -> memref<80x128xf32, #tpu.memory_space<hbm>>
        %dma_start3A_263 = arith.constant 0 : i32
        %dma_start3A_264 = tpu.memref_slice %arg20[%mul3A_259, %dma_start3A_263] : memref<10000x128xf32, #tpu.memory_space<vmem_shared>> -> memref<80x128xf32, #tpu.memory_space<vmem_shared>>
        tpu.enqueue_dma source(%dma_start3A_264 : memref<80x128xf32, #tpu.memory_space<vmem_shared>>) target(%dma_start3A_262 : memref<80x128xf32, #tpu.memory_space<hbm>>) target_semaphore(%run_scoped3A : memref<!tpu.dma_semaphore, #tpu.memory_space<semaphore_mem>>)
        %dma_wait3A_265 = arith.constant 0 : i32
        %dma_wait3A_266 = tpu.memref_slice %arg5[%arg0, %mul3A_259, %dma_wait3A_265] : memref<2x10000x128xf32, #tpu.memory_space<hbm>> -> memref<1x80x128xf32, #tpu.memory_space<hbm>>
        %dma_wait3A_267 = tpu.memref_squeeze %dma_wait3A_266 : memref<1x80x128xf32, #tpu.memory_space<hbm>> -> memref<80x128xf32, #tpu.memory_space<hbm>>
        %dma_wait3A_268 = arith.constant 0 : i32
        %dma_wait3A_269 = tpu.memref_slice %arg20[%mul3A_259, %dma_wait3A_268] : memref<10000x128xf32, #tpu.memory_space<vmem_shared>> -> memref<80x128xf32, #tpu.memory_space<vmem_shared>>
        tpu.wait_dma2 semaphore(%run_scoped3A : memref<!tpu.dma_semaphore, #tpu.memory_space<semaphore_mem>>) src(%dma_wait3A_269 : memref<80x128xf32, #tpu.memory_space<vmem_shared>>) dst(%dma_wait3A_267 : memref<80x128xf32, #tpu.memory_space<hbm>>)
        tpu.yield
      }) : () -> ()
    } else {
    }
    %add3A_251 = arith.constant 112 : i32
    %add3A_252 = arith.addi %arg1, %add3A_251 : i32
    %lt3A_253 = arith.constant 125 : i32
    %lt3A_254 = arith.cmpi slt, %add3A_252, %lt3A_253 : i32
    %convert_element_type3A_255 = arith.extui %lt3A_254 : i1 to i32
    %cond3A_256 = arith.constant 0 : i32
    %cond3A_257 = arith.cmpi ne, %convert_element_type3A_255, %cond3A_256 : i32
    scf.if %cond3A_257 {
      %mul3A_258 = arith.constant 80 : i32
      %mul3A_259 = arith.muli %add3A_252, %mul3A_258 : i32
      "tpu.region"() ({
        %run_scoped3A = tpu.sem_alloc : memref<!tpu.dma_semaphore, #tpu.memory_space<semaphore_mem>>
        %dma_start3A_260 = arith.constant 0 : i32
        %dma_start3A_261 = tpu.memref_slice %arg5[%arg0, %mul3A_259, %dma_start3A_260] : memref<2x10000x128xf32, #tpu.memory_space<hbm>> -> memref<1x80x128xf32, #tpu.memory_space<hbm>>
        %dma_start3A_262 = tpu.memref_squeeze %dma_start3A_261 : memref<1x80x128xf32, #tpu.memory_space<hbm>> -> memref<80x128xf32, #tpu.memory_space<hbm>>
        %dma_start3A_263 = arith.constant 0 : i32
        %dma_start3A_264 = tpu.memref_slice %arg20[%mul3A_259, %dma_start3A_263] : memref<10000x128xf32, #tpu.memory_space<vmem_shared>> -> memref<80x128xf32, #tpu.memory_space<vmem_shared>>
        tpu.enqueue_dma source(%dma_start3A_264 : memref<80x128xf32, #tpu.memory_space<vmem_shared>>) target(%dma_start3A_262 : memref<80x128xf32, #tpu.memory_space<hbm>>) target_semaphore(%run_scoped3A : memref<!tpu.dma_semaphore, #tpu.memory_space<semaphore_mem>>)
        %dma_wait3A_265 = arith.constant 0 : i32
        %dma_wait3A_266 = tpu.memref_slice %arg5[%arg0, %mul3A_259, %dma_wait3A_265] : memref<2x10000x128xf32, #tpu.memory_space<hbm>> -> memref<1x80x128xf32, #tpu.memory_space<hbm>>
        %dma_wait3A_267 = tpu.memref_squeeze %dma_wait3A_266 : memref<1x80x128xf32, #tpu.memory_space<hbm>> -> memref<80x128xf32, #tpu.memory_space<hbm>>
        %dma_wait3A_268 = arith.constant 0 : i32
        %dma_wait3A_269 = tpu.memref_slice %arg20[%mul3A_259, %dma_wait3A_268] : memref<10000x128xf32, #tpu.memory_space<vmem_shared>> -> memref<80x128xf32, #tpu.memory_space<vmem_shared>>
        tpu.wait_dma2 semaphore(%run_scoped3A : memref<!tpu.dma_semaphore, #tpu.memory_space<semaphore_mem>>) src(%dma_wait3A_269 : memref<80x128xf32, #tpu.memory_space<vmem_shared>>) dst(%dma_wait3A_267 : memref<80x128xf32, #tpu.memory_space<hbm>>)
        tpu.yield
      }) : () -> ()
    } else {
    }
    return
  }
}

#map = affine_map<(d0, d1) -> (0, 0)>
#map1 = affine_map<(d0, d1) -> (0, 0, 0, 0)>
module attributes {stable_mosaic.version = 14 : i64} {
  func.func @_gather(%arg0: i32, %arg1: i32, %arg2: memref<10000x128xf32, #tpu.memory_space<hbm>>, %arg3: memref<32x125x1x80xi32, #tpu.memory_space<hbm>>, %arg4: memref<320000x128xf32, #tpu.memory_space<hbm>>, %arg5: memref<80xi32, #tpu.memory_space<vmem>>, %arg6: memref<80xi32, #tpu.memory_space<vmem>>, %arg7: memref<80xi32, #tpu.memory_space<vmem>>, %arg8: memref<80xi32, #tpu.memory_space<vmem>>, %arg9: memref<80x128xf32, #tpu.memory_space<vmem>>, %arg10: memref<80x128xf32, #tpu.memory_space<vmem>>, %arg11: memref<80x128xf32, #tpu.memory_space<vmem>>, %arg12: memref<80x128xf32, #tpu.memory_space<vmem>>, %arg13: memref<10000x128xf32, #tpu.memory_space<vmem_shared>>, %arg14: memref<!tpu.dma_semaphore, #tpu.memory_space<semaphore_mem>>, %arg15: memref<!tpu.dma_semaphore, #tpu.memory_space<semaphore_mem>>, %arg16: memref<!tpu.dma_semaphore, #tpu.memory_space<semaphore_mem>>, %arg17: memref<!tpu.dma_semaphore, #tpu.memory_space<semaphore_mem>>, %arg18: memref<!tpu.dma_semaphore, #tpu.memory_space<semaphore_mem>>, %arg19: memref<!tpu.dma_semaphore, #tpu.memory_space<semaphore_mem>>, %arg20: memref<!tpu.dma_semaphore, #tpu.memory_space<semaphore_mem>>, %arg21: memref<!tpu.dma_semaphore, #tpu.memory_space<semaphore_mem>>, %arg22: memref<!tpu.dma_semaphore, #tpu.memory_space<semaphore_mem>>, %arg23: memref<!tpu.dma_semaphore, #tpu.memory_space<semaphore_mem>>, %arg24: memref<!tpu.dma_semaphore, #tpu.memory_space<semaphore_mem>>, %arg25: memref<!tpu.dma_semaphore, #tpu.memory_space<semaphore_mem>>) attributes {dimension_semantics = [#tpu.dimension_semantics<core_parallel>, #tpu.dimension_semantics<subcore_parallel>], iteration_bounds = array<i64: 2, 16>, scalar_prefetch = 0 : i64, scratch_operands = 21 : i64, tpu.core_type = #tpu.core_type<sc_vector_subcore>, window_params = [{transform_indices = #map}, {transform_indices = #map1}, {transform_indices = #map}]} {
    %mul3A = arith.constant 2 : i32
    %mul3A_0 = arith.muli %arg1, %mul3A : i32
    %add3A = arith.addi %mul3A_0, %arg0 : i32
    %mul3A_1 = arith.constant 10000 : i32
    %mul3A_2 = arith.muli %add3A, %mul3A_1 : i32
    %add3A_3 = arith.constant 0 : i32
    %add3A_4 = arith.addi %arg1, %add3A_3 : i32
    %lt3A = arith.constant 125 : i32
    %lt3A_5 = arith.cmpi slt, %add3A_4, %lt3A : i32
    %convert_element_type3A = arith.extui %lt3A_5 : i1 to i32
    %cond3A = arith.constant 0 : i32
    %cond3A_6 = arith.cmpi ne, %convert_element_type3A, %cond3A : i32
    scf.if %cond3A_6 {
      %mul3A_131 = arith.constant 80 : i32
      %mul3A_132 = arith.muli %add3A_4, %mul3A_131 : i32
      %mul3A_133 = arith.constant 80 : i32
      %mul3A_134 = arith.muli %add3A_4, %mul3A_133 : i32
      "tpu.region"() ({
        %run_scoped3A = tpu.sem_alloc : memref<!tpu.dma_semaphore, #tpu.memory_space<semaphore_mem>>
        %dma_start3A_135 = arith.constant 0 : i32
        %dma_start3A_136 = tpu.memref_slice %arg13[%mul3A_134, %dma_start3A_135] : memref<10000x128xf32, #tpu.memory_space<vmem_shared>> -> memref<80x128xf32, #tpu.memory_space<vmem_shared>>
        %dma_start3A_137 = arith.constant 0 : i32
        %dma_start3A_138 = tpu.memref_slice %arg2[%mul3A_132, %dma_start3A_137] : memref<10000x128xf32, #tpu.memory_space<hbm>> -> memref<80x128xf32, #tpu.memory_space<hbm>>
        tpu.enqueue_dma source(%dma_start3A_138 : memref<80x128xf32, #tpu.memory_space<hbm>>) target(%dma_start3A_136 : memref<80x128xf32, #tpu.memory_space<vmem_shared>>) target_semaphore(%run_scoped3A : memref<!tpu.dma_semaphore, #tpu.memory_space<semaphore_mem>>)
        %dma_wait3A_139 = arith.constant 0 : i32
        %dma_wait3A_140 = tpu.memref_slice %arg13[%mul3A_134, %dma_wait3A_139] : memref<10000x128xf32, #tpu.memory_space<vmem_shared>> -> memref<80x128xf32, #tpu.memory_space<vmem_shared>>
        %dma_wait3A_141 = arith.constant 0 : i32
        %dma_wait3A_142 = tpu.memref_slice %arg2[%mul3A_132, %dma_wait3A_141] : memref<10000x128xf32, #tpu.memory_space<hbm>> -> memref<80x128xf32, #tpu.memory_space<hbm>>
        tpu.wait_dma2 semaphore(%run_scoped3A : memref<!tpu.dma_semaphore, #tpu.memory_space<semaphore_mem>>) src(%dma_wait3A_142 : memref<80x128xf32, #tpu.memory_space<hbm>>) dst(%dma_wait3A_140 : memref<80x128xf32, #tpu.memory_space<vmem_shared>>)
        tpu.yield
      }) : () -> ()
    } else {
    }
    %add3A_7 = arith.constant 16 : i32
    %add3A_8 = arith.addi %arg1, %add3A_7 : i32
    %lt3A_9 = arith.constant 125 : i32
    %lt3A_10 = arith.cmpi slt, %add3A_8, %lt3A_9 : i32
    %convert_element_type3A_11 = arith.extui %lt3A_10 : i1 to i32
    %cond3A_12 = arith.constant 0 : i32
    %cond3A_13 = arith.cmpi ne, %convert_element_type3A_11, %cond3A_12 : i32
    scf.if %cond3A_13 {
      %mul3A_131 = arith.constant 80 : i32
      %mul3A_132 = arith.muli %add3A_8, %mul3A_131 : i32
      %mul3A_133 = arith.constant 80 : i32
      %mul3A_134 = arith.muli %add3A_8, %mul3A_133 : i32
      "tpu.region"() ({
        %run_scoped3A = tpu.sem_alloc : memref<!tpu.dma_semaphore, #tpu.memory_space<semaphore_mem>>
        %dma_start3A_135 = arith.constant 0 : i32
        %dma_start3A_136 = tpu.memref_slice %arg13[%mul3A_134, %dma_start3A_135] : memref<10000x128xf32, #tpu.memory_space<vmem_shared>> -> memref<80x128xf32, #tpu.memory_space<vmem_shared>>
        %dma_start3A_137 = arith.constant 0 : i32
        %dma_start3A_138 = tpu.memref_slice %arg2[%mul3A_132, %dma_start3A_137] : memref<10000x128xf32, #tpu.memory_space<hbm>> -> memref<80x128xf32, #tpu.memory_space<hbm>>
        tpu.enqueue_dma source(%dma_start3A_138 : memref<80x128xf32, #tpu.memory_space<hbm>>) target(%dma_start3A_136 : memref<80x128xf32, #tpu.memory_space<vmem_shared>>) target_semaphore(%run_scoped3A : memref<!tpu.dma_semaphore, #tpu.memory_space<semaphore_mem>>)
        %dma_wait3A_139 = arith.constant 0 : i32
        %dma_wait3A_140 = tpu.memref_slice %arg13[%mul3A_134, %dma_wait3A_139] : memref<10000x128xf32, #tpu.memory_space<vmem_shared>> -> memref<80x128xf32, #tpu.memory_space<vmem_shared>>
        %dma_wait3A_141 = arith.constant 0 : i32
        %dma_wait3A_142 = tpu.memref_slice %arg2[%mul3A_132, %dma_wait3A_141] : memref<10000x128xf32, #tpu.memory_space<hbm>> -> memref<80x128xf32, #tpu.memory_space<hbm>>
        tpu.wait_dma2 semaphore(%run_scoped3A : memref<!tpu.dma_semaphore, #tpu.memory_space<semaphore_mem>>) src(%dma_wait3A_142 : memref<80x128xf32, #tpu.memory_space<hbm>>) dst(%dma_wait3A_140 : memref<80x128xf32, #tpu.memory_space<vmem_shared>>)
        tpu.yield
      }) : () -> ()
    } else {
    }
    %add3A_14 = arith.constant 32 : i32
    %add3A_15 = arith.addi %arg1, %add3A_14 : i32
    %lt3A_16 = arith.constant 125 : i32
    %lt3A_17 = arith.cmpi slt, %add3A_15, %lt3A_16 : i32
    %convert_element_type3A_18 = arith.extui %lt3A_17 : i1 to i32
    %cond3A_19 = arith.constant 0 : i32
    %cond3A_20 = arith.cmpi ne, %convert_element_type3A_18, %cond3A_19 : i32
    scf.if %cond3A_20 {
      %mul3A_131 = arith.constant 80 : i32
      %mul3A_132 = arith.muli %add3A_15, %mul3A_131 : i32
      %mul3A_133 = arith.constant 80 : i32
      %mul3A_134 = arith.muli %add3A_15, %mul3A_133 : i32
      "tpu.region"() ({
        %run_scoped3A = tpu.sem_alloc : memref<!tpu.dma_semaphore, #tpu.memory_space<semaphore_mem>>
        %dma_start3A_135 = arith.constant 0 : i32
        %dma_start3A_136 = tpu.memref_slice %arg13[%mul3A_134, %dma_start3A_135] : memref<10000x128xf32, #tpu.memory_space<vmem_shared>> -> memref<80x128xf32, #tpu.memory_space<vmem_shared>>
        %dma_start3A_137 = arith.constant 0 : i32
        %dma_start3A_138 = tpu.memref_slice %arg2[%mul3A_132, %dma_start3A_137] : memref<10000x128xf32, #tpu.memory_space<hbm>> -> memref<80x128xf32, #tpu.memory_space<hbm>>
        tpu.enqueue_dma source(%dma_start3A_138 : memref<80x128xf32, #tpu.memory_space<hbm>>) target(%dma_start3A_136 : memref<80x128xf32, #tpu.memory_space<vmem_shared>>) target_semaphore(%run_scoped3A : memref<!tpu.dma_semaphore, #tpu.memory_space<semaphore_mem>>)
        %dma_wait3A_139 = arith.constant 0 : i32
        %dma_wait3A_140 = tpu.memref_slice %arg13[%mul3A_134, %dma_wait3A_139] : memref<10000x128xf32, #tpu.memory_space<vmem_shared>> -> memref<80x128xf32, #tpu.memory_space<vmem_shared>>
        %dma_wait3A_141 = arith.constant 0 : i32
        %dma_wait3A_142 = tpu.memref_slice %arg2[%mul3A_132, %dma_wait3A_141] : memref<10000x128xf32, #tpu.memory_space<hbm>> -> memref<80x128xf32, #tpu.memory_space<hbm>>
        tpu.wait_dma2 semaphore(%run_scoped3A : memref<!tpu.dma_semaphore, #tpu.memory_space<semaphore_mem>>) src(%dma_wait3A_142 : memref<80x128xf32, #tpu.memory_space<hbm>>) dst(%dma_wait3A_140 : memref<80x128xf32, #tpu.memory_space<vmem_shared>>)
        tpu.yield
      }) : () -> ()
    } else {
    }
    %add3A_21 = arith.constant 48 : i32
    %add3A_22 = arith.addi %arg1, %add3A_21 : i32
    %lt3A_23 = arith.constant 125 : i32
    %lt3A_24 = arith.cmpi slt, %add3A_22, %lt3A_23 : i32
    %convert_element_type3A_25 = arith.extui %lt3A_24 : i1 to i32
    %cond3A_26 = arith.constant 0 : i32
    %cond3A_27 = arith.cmpi ne, %convert_element_type3A_25, %cond3A_26 : i32
    scf.if %cond3A_27 {
      %mul3A_131 = arith.constant 80 : i32
      %mul3A_132 = arith.muli %add3A_22, %mul3A_131 : i32
      %mul3A_133 = arith.constant 80 : i32
      %mul3A_134 = arith.muli %add3A_22, %mul3A_133 : i32
      "tpu.region"() ({
        %run_scoped3A = tpu.sem_alloc : memref<!tpu.dma_semaphore, #tpu.memory_space<semaphore_mem>>
        %dma_start3A_135 = arith.constant 0 : i32
        %dma_start3A_136 = tpu.memref_slice %arg13[%mul3A_134, %dma_start3A_135] : memref<10000x128xf32, #tpu.memory_space<vmem_shared>> -> memref<80x128xf32, #tpu.memory_space<vmem_shared>>
        %dma_start3A_137 = arith.constant 0 : i32
        %dma_start3A_138 = tpu.memref_slice %arg2[%mul3A_132, %dma_start3A_137] : memref<10000x128xf32, #tpu.memory_space<hbm>> -> memref<80x128xf32, #tpu.memory_space<hbm>>
        tpu.enqueue_dma source(%dma_start3A_138 : memref<80x128xf32, #tpu.memory_space<hbm>>) target(%dma_start3A_136 : memref<80x128xf32, #tpu.memory_space<vmem_shared>>) target_semaphore(%run_scoped3A : memref<!tpu.dma_semaphore, #tpu.memory_space<semaphore_mem>>)
        %dma_wait3A_139 = arith.constant 0 : i32
        %dma_wait3A_140 = tpu.memref_slice %arg13[%mul3A_134, %dma_wait3A_139] : memref<10000x128xf32, #tpu.memory_space<vmem_shared>> -> memref<80x128xf32, #tpu.memory_space<vmem_shared>>
        %dma_wait3A_141 = arith.constant 0 : i32
        %dma_wait3A_142 = tpu.memref_slice %arg2[%mul3A_132, %dma_wait3A_141] : memref<10000x128xf32, #tpu.memory_space<hbm>> -> memref<80x128xf32, #tpu.memory_space<hbm>>
        tpu.wait_dma2 semaphore(%run_scoped3A : memref<!tpu.dma_semaphore, #tpu.memory_space<semaphore_mem>>) src(%dma_wait3A_142 : memref<80x128xf32, #tpu.memory_space<hbm>>) dst(%dma_wait3A_140 : memref<80x128xf32, #tpu.memory_space<vmem_shared>>)
        tpu.yield
      }) : () -> ()
    } else {
    }
    %add3A_28 = arith.constant 64 : i32
    %add3A_29 = arith.addi %arg1, %add3A_28 : i32
    %lt3A_30 = arith.constant 125 : i32
    %lt3A_31 = arith.cmpi slt, %add3A_29, %lt3A_30 : i32
    %convert_element_type3A_32 = arith.extui %lt3A_31 : i1 to i32
    %cond3A_33 = arith.constant 0 : i32
    %cond3A_34 = arith.cmpi ne, %convert_element_type3A_32, %cond3A_33 : i32
    scf.if %cond3A_34 {
      %mul3A_131 = arith.constant 80 : i32
      %mul3A_132 = arith.muli %add3A_29, %mul3A_131 : i32
      %mul3A_133 = arith.constant 80 : i32
      %mul3A_134 = arith.muli %add3A_29, %mul3A_133 : i32
      "tpu.region"() ({
        %run_scoped3A = tpu.sem_alloc : memref<!tpu.dma_semaphore, #tpu.memory_space<semaphore_mem>>
        %dma_start3A_135 = arith.constant 0 : i32
        %dma_start3A_136 = tpu.memref_slice %arg13[%mul3A_134, %dma_start3A_135] : memref<10000x128xf32, #tpu.memory_space<vmem_shared>> -> memref<80x128xf32, #tpu.memory_space<vmem_shared>>
        %dma_start3A_137 = arith.constant 0 : i32
        %dma_start3A_138 = tpu.memref_slice %arg2[%mul3A_132, %dma_start3A_137] : memref<10000x128xf32, #tpu.memory_space<hbm>> -> memref<80x128xf32, #tpu.memory_space<hbm>>
        tpu.enqueue_dma source(%dma_start3A_138 : memref<80x128xf32, #tpu.memory_space<hbm>>) target(%dma_start3A_136 : memref<80x128xf32, #tpu.memory_space<vmem_shared>>) target_semaphore(%run_scoped3A : memref<!tpu.dma_semaphore, #tpu.memory_space<semaphore_mem>>)
        %dma_wait3A_139 = arith.constant 0 : i32
        %dma_wait3A_140 = tpu.memref_slice %arg13[%mul3A_134, %dma_wait3A_139] : memref<10000x128xf32, #tpu.memory_space<vmem_shared>> -> memref<80x128xf32, #tpu.memory_space<vmem_shared>>
        %dma_wait3A_141 = arith.constant 0 : i32
        %dma_wait3A_142 = tpu.memref_slice %arg2[%mul3A_132, %dma_wait3A_141] : memref<10000x128xf32, #tpu.memory_space<hbm>> -> memref<80x128xf32, #tpu.memory_space<hbm>>
        tpu.wait_dma2 semaphore(%run_scoped3A : memref<!tpu.dma_semaphore, #tpu.memory_space<semaphore_mem>>) src(%dma_wait3A_142 : memref<80x128xf32, #tpu.memory_space<hbm>>) dst(%dma_wait3A_140 : memref<80x128xf32, #tpu.memory_space<vmem_shared>>)
        tpu.yield
      }) : () -> ()
    } else {
    }
    %add3A_35 = arith.constant 80 : i32
    %add3A_36 = arith.addi %arg1, %add3A_35 : i32
    %lt3A_37 = arith.constant 125 : i32
    %lt3A_38 = arith.cmpi slt, %add3A_36, %lt3A_37 : i32
    %convert_element_type3A_39 = arith.extui %lt3A_38 : i1 to i32
    %cond3A_40 = arith.constant 0 : i32
    %cond3A_41 = arith.cmpi ne, %convert_element_type3A_39, %cond3A_40 : i32
    scf.if %cond3A_41 {
      %mul3A_131 = arith.constant 80 : i32
      %mul3A_132 = arith.muli %add3A_36, %mul3A_131 : i32
      %mul3A_133 = arith.constant 80 : i32
      %mul3A_134 = arith.muli %add3A_36, %mul3A_133 : i32
      "tpu.region"() ({
        %run_scoped3A = tpu.sem_alloc : memref<!tpu.dma_semaphore, #tpu.memory_space<semaphore_mem>>
        %dma_start3A_135 = arith.constant 0 : i32
        %dma_start3A_136 = tpu.memref_slice %arg13[%mul3A_134, %dma_start3A_135] : memref<10000x128xf32, #tpu.memory_space<vmem_shared>> -> memref<80x128xf32, #tpu.memory_space<vmem_shared>>
        %dma_start3A_137 = arith.constant 0 : i32
        %dma_start3A_138 = tpu.memref_slice %arg2[%mul3A_132, %dma_start3A_137] : memref<10000x128xf32, #tpu.memory_space<hbm>> -> memref<80x128xf32, #tpu.memory_space<hbm>>
        tpu.enqueue_dma source(%dma_start3A_138 : memref<80x128xf32, #tpu.memory_space<hbm>>) target(%dma_start3A_136 : memref<80x128xf32, #tpu.memory_space<vmem_shared>>) target_semaphore(%run_scoped3A : memref<!tpu.dma_semaphore, #tpu.memory_space<semaphore_mem>>)
        %dma_wait3A_139 = arith.constant 0 : i32
        %dma_wait3A_140 = tpu.memref_slice %arg13[%mul3A_134, %dma_wait3A_139] : memref<10000x128xf32, #tpu.memory_space<vmem_shared>> -> memref<80x128xf32, #tpu.memory_space<vmem_shared>>
        %dma_wait3A_141 = arith.constant 0 : i32
        %dma_wait3A_142 = tpu.memref_slice %arg2[%mul3A_132, %dma_wait3A_141] : memref<10000x128xf32, #tpu.memory_space<hbm>> -> memref<80x128xf32, #tpu.memory_space<hbm>>
        tpu.wait_dma2 semaphore(%run_scoped3A : memref<!tpu.dma_semaphore, #tpu.memory_space<semaphore_mem>>) src(%dma_wait3A_142 : memref<80x128xf32, #tpu.memory_space<hbm>>) dst(%dma_wait3A_140 : memref<80x128xf32, #tpu.memory_space<vmem_shared>>)
        tpu.yield
      }) : () -> ()
    } else {
    }
    %add3A_42 = arith.constant 96 : i32
    %add3A_43 = arith.addi %arg1, %add3A_42 : i32
    %lt3A_44 = arith.constant 125 : i32
    %lt3A_45 = arith.cmpi slt, %add3A_43, %lt3A_44 : i32
    %convert_element_type3A_46 = arith.extui %lt3A_45 : i1 to i32
    %cond3A_47 = arith.constant 0 : i32
    %cond3A_48 = arith.cmpi ne, %convert_element_type3A_46, %cond3A_47 : i32
    scf.if %cond3A_48 {
      %mul3A_131 = arith.constant 80 : i32
      %mul3A_132 = arith.muli %add3A_43, %mul3A_131 : i32
      %mul3A_133 = arith.constant 80 : i32
      %mul3A_134 = arith.muli %add3A_43, %mul3A_133 : i32
      "tpu.region"() ({
        %run_scoped3A = tpu.sem_alloc : memref<!tpu.dma_semaphore, #tpu.memory_space<semaphore_mem>>
        %dma_start3A_135 = arith.constant 0 : i32
        %dma_start3A_136 = tpu.memref_slice %arg13[%mul3A_134, %dma_start3A_135] : memref<10000x128xf32, #tpu.memory_space<vmem_shared>> -> memref<80x128xf32, #tpu.memory_space<vmem_shared>>
        %dma_start3A_137 = arith.constant 0 : i32
        %dma_start3A_138 = tpu.memref_slice %arg2[%mul3A_132, %dma_start3A_137] : memref<10000x128xf32, #tpu.memory_space<hbm>> -> memref<80x128xf32, #tpu.memory_space<hbm>>
        tpu.enqueue_dma source(%dma_start3A_138 : memref<80x128xf32, #tpu.memory_space<hbm>>) target(%dma_start3A_136 : memref<80x128xf32, #tpu.memory_space<vmem_shared>>) target_semaphore(%run_scoped3A : memref<!tpu.dma_semaphore, #tpu.memory_space<semaphore_mem>>)
        %dma_wait3A_139 = arith.constant 0 : i32
        %dma_wait3A_140 = tpu.memref_slice %arg13[%mul3A_134, %dma_wait3A_139] : memref<10000x128xf32, #tpu.memory_space<vmem_shared>> -> memref<80x128xf32, #tpu.memory_space<vmem_shared>>
        %dma_wait3A_141 = arith.constant 0 : i32
        %dma_wait3A_142 = tpu.memref_slice %arg2[%mul3A_132, %dma_wait3A_141] : memref<10000x128xf32, #tpu.memory_space<hbm>> -> memref<80x128xf32, #tpu.memory_space<hbm>>
        tpu.wait_dma2 semaphore(%run_scoped3A : memref<!tpu.dma_semaphore, #tpu.memory_space<semaphore_mem>>) src(%dma_wait3A_142 : memref<80x128xf32, #tpu.memory_space<hbm>>) dst(%dma_wait3A_140 : memref<80x128xf32, #tpu.memory_space<vmem_shared>>)
        tpu.yield
      }) : () -> ()
    } else {
    }
    %add3A_49 = arith.constant 112 : i32
    %add3A_50 = arith.addi %arg1, %add3A_49 : i32
    %lt3A_51 = arith.constant 125 : i32
    %lt3A_52 = arith.cmpi slt, %add3A_50, %lt3A_51 : i32
    %convert_element_type3A_53 = arith.extui %lt3A_52 : i1 to i32
    %cond3A_54 = arith.constant 0 : i32
    %cond3A_55 = arith.cmpi ne, %convert_element_type3A_53, %cond3A_54 : i32
    scf.if %cond3A_55 {
      %mul3A_131 = arith.constant 80 : i32
      %mul3A_132 = arith.muli %add3A_50, %mul3A_131 : i32
      %mul3A_133 = arith.constant 80 : i32
      %mul3A_134 = arith.muli %add3A_50, %mul3A_133 : i32
      "tpu.region"() ({
        %run_scoped3A = tpu.sem_alloc : memref<!tpu.dma_semaphore, #tpu.memory_space<semaphore_mem>>
        %dma_start3A_135 = arith.constant 0 : i32
        %dma_start3A_136 = tpu.memref_slice %arg13[%mul3A_134, %dma_start3A_135] : memref<10000x128xf32, #tpu.memory_space<vmem_shared>> -> memref<80x128xf32, #tpu.memory_space<vmem_shared>>
        %dma_start3A_137 = arith.constant 0 : i32
        %dma_start3A_138 = tpu.memref_slice %arg2[%mul3A_132, %dma_start3A_137] : memref<10000x128xf32, #tpu.memory_space<hbm>> -> memref<80x128xf32, #tpu.memory_space<hbm>>
        tpu.enqueue_dma source(%dma_start3A_138 : memref<80x128xf32, #tpu.memory_space<hbm>>) target(%dma_start3A_136 : memref<80x128xf32, #tpu.memory_space<vmem_shared>>) target_semaphore(%run_scoped3A : memref<!tpu.dma_semaphore, #tpu.memory_space<semaphore_mem>>)
        %dma_wait3A_139 = arith.constant 0 : i32
        %dma_wait3A_140 = tpu.memref_slice %arg13[%mul3A_134, %dma_wait3A_139] : memref<10000x128xf32, #tpu.memory_space<vmem_shared>> -> memref<80x128xf32, #tpu.memory_space<vmem_shared>>
        %dma_wait3A_141 = arith.constant 0 : i32
        %dma_wait3A_142 = tpu.memref_slice %arg2[%mul3A_132, %dma_wait3A_141] : memref<10000x128xf32, #tpu.memory_space<hbm>> -> memref<80x128xf32, #tpu.memory_space<hbm>>
        tpu.wait_dma2 semaphore(%run_scoped3A : memref<!tpu.dma_semaphore, #tpu.memory_space<semaphore_mem>>) src(%dma_wait3A_142 : memref<80x128xf32, #tpu.memory_space<hbm>>) dst(%dma_wait3A_140 : memref<80x128xf32, #tpu.memory_space<vmem_shared>>)
        tpu.yield
      }) : () -> ()
    } else {
    }
    %barrier3A = arith.constant 0 : index
    tpu.barrier barrier_id(%barrier3A)
    %dma_start3A = arith.constant 0 : i32
    %dma_start3A_56 = arith.constant 0 : i32
    %dma_start3A_57 = arith.constant 0 : i32
    %dma_start3A_58 = tpu.memref_slice %arg3[%add3A, %dma_start3A, %dma_start3A_56, %dma_start3A_57] : memref<32x125x1x80xi32, #tpu.memory_space<hbm>> -> memref<1x1x1x80xi32, #tpu.memory_space<hbm>>
    %dma_start3A_59 = tpu.memref_squeeze %dma_start3A_58 : memref<1x1x1x80xi32, #tpu.memory_space<hbm>> -> memref<80xi32, #tpu.memory_space<hbm>>
    %dma_start3A_60 = arith.constant 0 : i32
    %dma_start3A_61 = tpu.memref_slice %arg3[%add3A, %dma_start3A, %dma_start3A_56, %dma_start3A_60] : memref<32x125x1x80xi32, #tpu.memory_space<hbm>> -> memref<1x1x1x80xi32, #tpu.memory_space<hbm>>
    %dma_start3A_62 = tpu.memref_squeeze %dma_start3A_61 : memref<1x1x1x80xi32, #tpu.memory_space<hbm>> -> memref<80xi32, #tpu.memory_space<hbm>>
    tpu.enqueue_dma source(%dma_start3A_62 : memref<80xi32, #tpu.memory_space<hbm>>) target(%arg5 : memref<80xi32, #tpu.memory_space<vmem>>) target_semaphore(%arg14 : memref<!tpu.dma_semaphore, #tpu.memory_space<semaphore_mem>>)
    %dma_start3A_63 = arith.constant 1 : i32
    %dma_start3A_64 = arith.constant 0 : i32
    %dma_start3A_65 = arith.constant 0 : i32
    %dma_start3A_66 = tpu.memref_slice %arg3[%add3A, %dma_start3A_63, %dma_start3A_64, %dma_start3A_65] : memref<32x125x1x80xi32, #tpu.memory_space<hbm>> -> memref<1x1x1x80xi32, #tpu.memory_space<hbm>>
    %dma_start3A_67 = tpu.memref_squeeze %dma_start3A_66 : memref<1x1x1x80xi32, #tpu.memory_space<hbm>> -> memref<80xi32, #tpu.memory_space<hbm>>
    %dma_start3A_68 = arith.constant 0 : i32
    %dma_start3A_69 = tpu.memref_slice %arg3[%add3A, %dma_start3A_63, %dma_start3A_64, %dma_start3A_68] : memref<32x125x1x80xi32, #tpu.memory_space<hbm>> -> memref<1x1x1x80xi32, #tpu.memory_space<hbm>>
    %dma_start3A_70 = tpu.memref_squeeze %dma_start3A_69 : memref<1x1x1x80xi32, #tpu.memory_space<hbm>> -> memref<80xi32, #tpu.memory_space<hbm>>
    tpu.enqueue_dma source(%dma_start3A_70 : memref<80xi32, #tpu.memory_space<hbm>>) target(%arg6 : memref<80xi32, #tpu.memory_space<vmem>>) target_semaphore(%arg15 : memref<!tpu.dma_semaphore, #tpu.memory_space<semaphore_mem>>)
    %dma_start3A_71 = arith.constant 2 : i32
    %dma_start3A_72 = arith.constant 0 : i32
    %dma_start3A_73 = arith.constant 0 : i32
    %dma_start3A_74 = tpu.memref_slice %arg3[%add3A, %dma_start3A_71, %dma_start3A_72, %dma_start3A_73] : memref<32x125x1x80xi32, #tpu.memory_space<hbm>> -> memref<1x1x1x80xi32, #tpu.memory_space<hbm>>
    %dma_start3A_75 = tpu.memref_squeeze %dma_start3A_74 : memref<1x1x1x80xi32, #tpu.memory_space<hbm>> -> memref<80xi32, #tpu.memory_space<hbm>>
    %dma_start3A_76 = arith.constant 0 : i32
    %dma_start3A_77 = tpu.memref_slice %arg3[%add3A, %dma_start3A_71, %dma_start3A_72, %dma_start3A_76] : memref<32x125x1x80xi32, #tpu.memory_space<hbm>> -> memref<1x1x1x80xi32, #tpu.memory_space<hbm>>
    %dma_start3A_78 = tpu.memref_squeeze %dma_start3A_77 : memref<1x1x1x80xi32, #tpu.memory_space<hbm>> -> memref<80xi32, #tpu.memory_space<hbm>>
    tpu.enqueue_dma source(%dma_start3A_78 : memref<80xi32, #tpu.memory_space<hbm>>) target(%arg7 : memref<80xi32, #tpu.memory_space<vmem>>) target_semaphore(%arg16 : memref<!tpu.dma_semaphore, #tpu.memory_space<semaphore_mem>>)
    %dma_start3A_79 = arith.constant 3 : i32
    %dma_start3A_80 = arith.constant 0 : i32
    %dma_start3A_81 = arith.constant 0 : i32
    %dma_start3A_82 = tpu.memref_slice %arg3[%add3A, %dma_start3A_79, %dma_start3A_80, %dma_start3A_81] : memref<32x125x1x80xi32, #tpu.memory_space<hbm>> -> memref<1x1x1x80xi32, #tpu.memory_space<hbm>>
    %dma_start3A_83 = tpu.memref_squeeze %dma_start3A_82 : memref<1x1x1x80xi32, #tpu.memory_space<hbm>> -> memref<80xi32, #tpu.memory_space<hbm>>
    %dma_start3A_84 = arith.constant 0 : i32
    %dma_start3A_85 = tpu.memref_slice %arg3[%add3A, %dma_start3A_79, %dma_start3A_80, %dma_start3A_84] : memref<32x125x1x80xi32, #tpu.memory_space<hbm>> -> memref<1x1x1x80xi32, #tpu.memory_space<hbm>>
    %dma_start3A_86 = tpu.memref_squeeze %dma_start3A_85 : memref<1x1x1x80xi32, #tpu.memory_space<hbm>> -> memref<80xi32, #tpu.memory_space<hbm>>
    tpu.enqueue_dma source(%dma_start3A_86 : memref<80xi32, #tpu.memory_space<hbm>>) target(%arg8 : memref<80xi32, #tpu.memory_space<vmem>>) target_semaphore(%arg17 : memref<!tpu.dma_semaphore, #tpu.memory_space<semaphore_mem>>)
    %scan3A = arith.constant 0 : i32
    %scan3A_87 = arith.constant 0 : i32
    %scan3A_88 = arith.constant 31 : i32
    %scan3A_89 = arith.addi %scan3A_87, %scan3A_88 : i32
    %scan3A_90 = arith.constant 1 : i32
    scf.for %scan3A_131 = %scan3A_87 to %scan3A_89 step %scan3A_90  : i32 {
      %mul3A_132 = arith.constant 4 : i32
      %mul3A_133 = arith.muli %scan3A_131, %mul3A_132 : i32
      %add3A_134 = arith.constant 0 : i32
      %add3A_135 = arith.addi %mul3A_133, %add3A_134 : i32
      %ge3A = arith.constant 4 : i32
      %ge3A_136 = arith.cmpi sge, %add3A_135, %ge3A : i32
      %convert_element_type3A_137 = arith.extui %ge3A_136 : i1 to i32
      %cond3A_138 = arith.constant 0 : i32
      %cond3A_139 = arith.cmpi ne, %convert_element_type3A_137, %cond3A_138 : i32
      scf.if %cond3A_139 {
        %dma_wait3A_269 = arith.constant 0 : i32
        %dma_wait3A_270 = tpu.memref_slice %arg4[%mul3A_2, %dma_wait3A_269] : memref<320000x128xf32, #tpu.memory_space<hbm>> -> memref<80x128xf32, #tpu.memory_space<hbm>>
        %dma_wait3A_271 = arith.constant 0 : i32
        %dma_wait3A_272 = tpu.memref_slice %arg4[%mul3A_2, %dma_wait3A_271] : memref<320000x128xf32, #tpu.memory_space<hbm>> -> memref<80x128xf32, #tpu.memory_space<hbm>>
        tpu.wait_dma2 semaphore(%arg22 : memref<!tpu.dma_semaphore, #tpu.memory_space<semaphore_mem>>) src(%arg9 : memref<80x128xf32, #tpu.memory_space<vmem>>) dst(%dma_wait3A_272 : memref<80x128xf32, #tpu.memory_space<hbm>>)
      } else {
      }
      %dma_wait3A_140 = arith.constant 0 : i32
      %dma_wait3A_141 = arith.constant 0 : i32
      %dma_wait3A_142 = tpu.memref_slice %arg3[%add3A, %add3A_135, %dma_wait3A_140, %dma_wait3A_141] : memref<32x125x1x80xi32, #tpu.memory_space<hbm>> -> memref<1x1x1x80xi32, #tpu.memory_space<hbm>>
      %dma_wait3A_143 = tpu.memref_squeeze %dma_wait3A_142 : memref<1x1x1x80xi32, #tpu.memory_space<hbm>> -> memref<80xi32, #tpu.memory_space<hbm>>
      %dma_wait3A_144 = arith.constant 0 : i32
      %dma_wait3A_145 = tpu.memref_slice %arg3[%add3A, %add3A_135, %dma_wait3A_140, %dma_wait3A_144] : memref<32x125x1x80xi32, #tpu.memory_space<hbm>> -> memref<1x1x1x80xi32, #tpu.memory_space<hbm>>
      %dma_wait3A_146 = tpu.memref_squeeze %dma_wait3A_145 : memref<1x1x1x80xi32, #tpu.memory_space<hbm>> -> memref<80xi32, #tpu.memory_space<hbm>>
      tpu.wait_dma2 semaphore(%arg14 : memref<!tpu.dma_semaphore, #tpu.memory_space<semaphore_mem>>) src(%dma_wait3A_146 : memref<80xi32, #tpu.memory_space<hbm>>) dst(%arg5 : memref<80xi32, #tpu.memory_space<vmem>>)
      %dma_start3A_147 = arith.constant 0 : i32
      %dma_start3A_148 = arith.constant 0 : i32
      %dma_start3A_149 = tpu.memref_slice %arg13[%dma_start3A_147, %dma_start3A_148] : memref<10000x128xf32, #tpu.memory_space<vmem_shared>> -> memref<10000x128xf32, #tpu.memory_space<vmem_shared>>
      tpu.enqueue_indirect_dma source(%dma_start3A_149 : memref<10000x128xf32, #tpu.memory_space<vmem_shared>>) target(%arg9 : memref<80x128xf32, #tpu.memory_space<vmem>>) offsets(%arg5 : memref<80xi32, #tpu.memory_space<vmem>>) semaphore(%arg18 : memref<!tpu.dma_semaphore, #tpu.memory_space<semaphore_mem>>)
      %dma_wait3A_150 = arith.constant 0 : i32
      %dma_wait3A_151 = arith.constant 0 : i32
      %dma_wait3A_152 = tpu.memref_slice %arg13[%dma_wait3A_150, %dma_wait3A_151] : memref<10000x128xf32, #tpu.memory_space<vmem_shared>> -> memref<10000x128xf32, #tpu.memory_space<vmem_shared>>
      tpu.wait_indirect_dma semaphore(%arg18 : memref<!tpu.dma_semaphore, #tpu.memory_space<semaphore_mem>>) src(%dma_wait3A_152 : memref<10000x128xf32, #tpu.memory_space<vmem_shared>>) dst(%arg9 : memref<80x128xf32, #tpu.memory_space<vmem>>)
      %mul3A_153 = arith.constant 80 : i32
      %mul3A_154 = arith.muli %add3A_135, %mul3A_153 : i32
      %add3A_155 = arith.addi %mul3A_2, %mul3A_154 : i32
      %dma_start3A_156 = arith.constant 0 : i32
      %dma_start3A_157 = tpu.memref_slice %arg4[%add3A_155, %dma_start3A_156] : memref<320000x128xf32, #tpu.memory_space<hbm>> -> memref<80x128xf32, #tpu.memory_space<hbm>>
      %dma_start3A_158 = arith.constant 0 : i32
      %dma_start3A_159 = tpu.memref_slice %arg4[%add3A_155, %dma_start3A_158] : memref<320000x128xf32, #tpu.memory_space<hbm>> -> memref<80x128xf32, #tpu.memory_space<hbm>>
      tpu.enqueue_dma source(%arg9 : memref<80x128xf32, #tpu.memory_space<vmem>>) target(%dma_start3A_159 : memref<80x128xf32, #tpu.memory_space<hbm>>) target_semaphore(%arg22 : memref<!tpu.dma_semaphore, #tpu.memory_space<semaphore_mem>>)
      %add3A_160 = arith.constant 4 : i32
      %add3A_161 = arith.addi %add3A_135, %add3A_160 : i32
      %lt3A_162 = arith.constant 125 : i32
      %lt3A_163 = arith.cmpi slt, %add3A_161, %lt3A_162 : i32
      %convert_element_type3A_164 = arith.extui %lt3A_163 : i1 to i32
      %cond3A_165 = arith.constant 0 : i32
      %cond3A_166 = arith.cmpi ne, %convert_element_type3A_164, %cond3A_165 : i32
      scf.if %cond3A_166 {
        %add3A_269 = arith.constant 4 : i32
        %add3A_270 = arith.addi %add3A_135, %add3A_269 : i32
        %dma_start3A_271 = arith.constant 0 : i32
        %dma_start3A_272 = arith.constant 0 : i32
        %dma_start3A_273 = tpu.memref_slice %arg3[%add3A, %add3A_270, %dma_start3A_271, %dma_start3A_272] : memref<32x125x1x80xi32, #tpu.memory_space<hbm>> -> memref<1x1x1x80xi32, #tpu.memory_space<hbm>>
        %dma_start3A_274 = tpu.memref_squeeze %dma_start3A_273 : memref<1x1x1x80xi32, #tpu.memory_space<hbm>> -> memref<80xi32, #tpu.memory_space<hbm>>
        %dma_start3A_275 = arith.constant 0 : i32
        %dma_start3A_276 = tpu.memref_slice %arg3[%add3A, %add3A_270, %dma_start3A_271, %dma_start3A_275] : memref<32x125x1x80xi32, #tpu.memory_space<hbm>> -> memref<1x1x1x80xi32, #tpu.memory_space<hbm>>
        %dma_start3A_277 = tpu.memref_squeeze %dma_start3A_276 : memref<1x1x1x80xi32, #tpu.memory_space<hbm>> -> memref<80xi32, #tpu.memory_space<hbm>>
        tpu.enqueue_dma source(%dma_start3A_277 : memref<80xi32, #tpu.memory_space<hbm>>) target(%arg5 : memref<80xi32, #tpu.memory_space<vmem>>) target_semaphore(%arg14 : memref<!tpu.dma_semaphore, #tpu.memory_space<semaphore_mem>>)
      } else {
      }
      %add3A_167 = arith.constant 1 : i32
      %add3A_168 = arith.addi %mul3A_133, %add3A_167 : i32
      %ge3A_169 = arith.constant 4 : i32
      %ge3A_170 = arith.cmpi sge, %add3A_168, %ge3A_169 : i32
      %convert_element_type3A_171 = arith.extui %ge3A_170 : i1 to i32
      %cond3A_172 = arith.constant 0 : i32
      %cond3A_173 = arith.cmpi ne, %convert_element_type3A_171, %cond3A_172 : i32
      scf.if %cond3A_173 {
        %dma_wait3A_269 = arith.constant 0 : i32
        %dma_wait3A_270 = tpu.memref_slice %arg4[%mul3A_2, %dma_wait3A_269] : memref<320000x128xf32, #tpu.memory_space<hbm>> -> memref<80x128xf32, #tpu.memory_space<hbm>>
        %dma_wait3A_271 = arith.constant 0 : i32
        %dma_wait3A_272 = tpu.memref_slice %arg4[%mul3A_2, %dma_wait3A_271] : memref<320000x128xf32, #tpu.memory_space<hbm>> -> memref<80x128xf32, #tpu.memory_space<hbm>>
        tpu.wait_dma2 semaphore(%arg23 : memref<!tpu.dma_semaphore, #tpu.memory_space<semaphore_mem>>) src(%arg10 : memref<80x128xf32, #tpu.memory_space<vmem>>) dst(%dma_wait3A_272 : memref<80x128xf32, #tpu.memory_space<hbm>>)
      } else {
      }
      %dma_wait3A_174 = arith.constant 0 : i32
      %dma_wait3A_175 = arith.constant 0 : i32
      %dma_wait3A_176 = tpu.memref_slice %arg3[%add3A, %add3A_168, %dma_wait3A_174, %dma_wait3A_175] : memref<32x125x1x80xi32, #tpu.memory_space<hbm>> -> memref<1x1x1x80xi32, #tpu.memory_space<hbm>>
      %dma_wait3A_177 = tpu.memref_squeeze %dma_wait3A_176 : memref<1x1x1x80xi32, #tpu.memory_space<hbm>> -> memref<80xi32, #tpu.memory_space<hbm>>
      %dma_wait3A_178 = arith.constant 0 : i32
      %dma_wait3A_179 = tpu.memref_slice %arg3[%add3A, %add3A_168, %dma_wait3A_174, %dma_wait3A_178] : memref<32x125x1x80xi32, #tpu.memory_space<hbm>> -> memref<1x1x1x80xi32, #tpu.memory_space<hbm>>
      %dma_wait3A_180 = tpu.memref_squeeze %dma_wait3A_179 : memref<1x1x1x80xi32, #tpu.memory_space<hbm>> -> memref<80xi32, #tpu.memory_space<hbm>>
      tpu.wait_dma2 semaphore(%arg15 : memref<!tpu.dma_semaphore, #tpu.memory_space<semaphore_mem>>) src(%dma_wait3A_180 : memref<80xi32, #tpu.memory_space<hbm>>) dst(%arg6 : memref<80xi32, #tpu.memory_space<vmem>>)
      %dma_start3A_181 = arith.constant 0 : i32
      %dma_start3A_182 = arith.constant 0 : i32
      %dma_start3A_183 = tpu.memref_slice %arg13[%dma_start3A_181, %dma_start3A_182] : memref<10000x128xf32, #tpu.memory_space<vmem_shared>> -> memref<10000x128xf32, #tpu.memory_space<vmem_shared>>
      tpu.enqueue_indirect_dma source(%dma_start3A_183 : memref<10000x128xf32, #tpu.memory_space<vmem_shared>>) target(%arg10 : memref<80x128xf32, #tpu.memory_space<vmem>>) offsets(%arg6 : memref<80xi32, #tpu.memory_space<vmem>>) semaphore(%arg19 : memref<!tpu.dma_semaphore, #tpu.memory_space<semaphore_mem>>)
      %dma_wait3A_184 = arith.constant 0 : i32
      %dma_wait3A_185 = arith.constant 0 : i32
      %dma_wait3A_186 = tpu.memref_slice %arg13[%dma_wait3A_184, %dma_wait3A_185] : memref<10000x128xf32, #tpu.memory_space<vmem_shared>> -> memref<10000x128xf32, #tpu.memory_space<vmem_shared>>
      tpu.wait_indirect_dma semaphore(%arg19 : memref<!tpu.dma_semaphore, #tpu.memory_space<semaphore_mem>>) src(%dma_wait3A_186 : memref<10000x128xf32, #tpu.memory_space<vmem_shared>>) dst(%arg10 : memref<80x128xf32, #tpu.memory_space<vmem>>)
      %mul3A_187 = arith.constant 80 : i32
      %mul3A_188 = arith.muli %add3A_168, %mul3A_187 : i32
      %add3A_189 = arith.addi %mul3A_2, %mul3A_188 : i32
      %dma_start3A_190 = arith.constant 0 : i32
      %dma_start3A_191 = tpu.memref_slice %arg4[%add3A_189, %dma_start3A_190] : memref<320000x128xf32, #tpu.memory_space<hbm>> -> memref<80x128xf32, #tpu.memory_space<hbm>>
      %dma_start3A_192 = arith.constant 0 : i32
      %dma_start3A_193 = tpu.memref_slice %arg4[%add3A_189, %dma_start3A_192] : memref<320000x128xf32, #tpu.memory_space<hbm>> -> memref<80x128xf32, #tpu.memory_space<hbm>>
      tpu.enqueue_dma source(%arg10 : memref<80x128xf32, #tpu.memory_space<vmem>>) target(%dma_start3A_193 : memref<80x128xf32, #tpu.memory_space<hbm>>) target_semaphore(%arg23 : memref<!tpu.dma_semaphore, #tpu.memory_space<semaphore_mem>>)
      %add3A_194 = arith.constant 4 : i32
      %add3A_195 = arith.addi %add3A_168, %add3A_194 : i32
      %lt3A_196 = arith.constant 125 : i32
      %lt3A_197 = arith.cmpi slt, %add3A_195, %lt3A_196 : i32
      %convert_element_type3A_198 = arith.extui %lt3A_197 : i1 to i32
      %cond3A_199 = arith.constant 0 : i32
      %cond3A_200 = arith.cmpi ne, %convert_element_type3A_198, %cond3A_199 : i32
      scf.if %cond3A_200 {
        %add3A_269 = arith.constant 4 : i32
        %add3A_270 = arith.addi %add3A_168, %add3A_269 : i32
        %dma_start3A_271 = arith.constant 0 : i32
        %dma_start3A_272 = arith.constant 0 : i32
        %dma_start3A_273 = tpu.memref_slice %arg3[%add3A, %add3A_270, %dma_start3A_271, %dma_start3A_272] : memref<32x125x1x80xi32, #tpu.memory_space<hbm>> -> memref<1x1x1x80xi32, #tpu.memory_space<hbm>>
        %dma_start3A_274 = tpu.memref_squeeze %dma_start3A_273 : memref<1x1x1x80xi32, #tpu.memory_space<hbm>> -> memref<80xi32, #tpu.memory_space<hbm>>
        %dma_start3A_275 = arith.constant 0 : i32
        %dma_start3A_276 = tpu.memref_slice %arg3[%add3A, %add3A_270, %dma_start3A_271, %dma_start3A_275] : memref<32x125x1x80xi32, #tpu.memory_space<hbm>> -> memref<1x1x1x80xi32, #tpu.memory_space<hbm>>
        %dma_start3A_277 = tpu.memref_squeeze %dma_start3A_276 : memref<1x1x1x80xi32, #tpu.memory_space<hbm>> -> memref<80xi32, #tpu.memory_space<hbm>>
        tpu.enqueue_dma source(%dma_start3A_277 : memref<80xi32, #tpu.memory_space<hbm>>) target(%arg6 : memref<80xi32, #tpu.memory_space<vmem>>) target_semaphore(%arg15 : memref<!tpu.dma_semaphore, #tpu.memory_space<semaphore_mem>>)
      } else {
      }
      %add3A_201 = arith.constant 2 : i32
      %add3A_202 = arith.addi %mul3A_133, %add3A_201 : i32
      %ge3A_203 = arith.constant 4 : i32
      %ge3A_204 = arith.cmpi sge, %add3A_202, %ge3A_203 : i32
      %convert_element_type3A_205 = arith.extui %ge3A_204 : i1 to i32
      %cond3A_206 = arith.constant 0 : i32
      %cond3A_207 = arith.cmpi ne, %convert_element_type3A_205, %cond3A_206 : i32
      scf.if %cond3A_207 {
        %dma_wait3A_269 = arith.constant 0 : i32
        %dma_wait3A_270 = tpu.memref_slice %arg4[%mul3A_2, %dma_wait3A_269] : memref<320000x128xf32, #tpu.memory_space<hbm>> -> memref<80x128xf32, #tpu.memory_space<hbm>>
        %dma_wait3A_271 = arith.constant 0 : i32
        %dma_wait3A_272 = tpu.memref_slice %arg4[%mul3A_2, %dma_wait3A_271] : memref<320000x128xf32, #tpu.memory_space<hbm>> -> memref<80x128xf32, #tpu.memory_space<hbm>>
        tpu.wait_dma2 semaphore(%arg24 : memref<!tpu.dma_semaphore, #tpu.memory_space<semaphore_mem>>) src(%arg11 : memref<80x128xf32, #tpu.memory_space<vmem>>) dst(%dma_wait3A_272 : memref<80x128xf32, #tpu.memory_space<hbm>>)
      } else {
      }
      %dma_wait3A_208 = arith.constant 0 : i32
      %dma_wait3A_209 = arith.constant 0 : i32
      %dma_wait3A_210 = tpu.memref_slice %arg3[%add3A, %add3A_202, %dma_wait3A_208, %dma_wait3A_209] : memref<32x125x1x80xi32, #tpu.memory_space<hbm>> -> memref<1x1x1x80xi32, #tpu.memory_space<hbm>>
      %dma_wait3A_211 = tpu.memref_squeeze %dma_wait3A_210 : memref<1x1x1x80xi32, #tpu.memory_space<hbm>> -> memref<80xi32, #tpu.memory_space<hbm>>
      %dma_wait3A_212 = arith.constant 0 : i32
      %dma_wait3A_213 = tpu.memref_slice %arg3[%add3A, %add3A_202, %dma_wait3A_208, %dma_wait3A_212] : memref<32x125x1x80xi32, #tpu.memory_space<hbm>> -> memref<1x1x1x80xi32, #tpu.memory_space<hbm>>
      %dma_wait3A_214 = tpu.memref_squeeze %dma_wait3A_213 : memref<1x1x1x80xi32, #tpu.memory_space<hbm>> -> memref<80xi32, #tpu.memory_space<hbm>>
      tpu.wait_dma2 semaphore(%arg16 : memref<!tpu.dma_semaphore, #tpu.memory_space<semaphore_mem>>) src(%dma_wait3A_214 : memref<80xi32, #tpu.memory_space<hbm>>) dst(%arg7 : memref<80xi32, #tpu.memory_space<vmem>>)
      %dma_start3A_215 = arith.constant 0 : i32
      %dma_start3A_216 = arith.constant 0 : i32
      %dma_start3A_217 = tpu.memref_slice %arg13[%dma_start3A_215, %dma_start3A_216] : memref<10000x128xf32, #tpu.memory_space<vmem_shared>> -> memref<10000x128xf32, #tpu.memory_space<vmem_shared>>
      tpu.enqueue_indirect_dma source(%dma_start3A_217 : memref<10000x128xf32, #tpu.memory_space<vmem_shared>>) target(%arg11 : memref<80x128xf32, #tpu.memory_space<vmem>>) offsets(%arg7 : memref<80xi32, #tpu.memory_space<vmem>>) semaphore(%arg20 : memref<!tpu.dma_semaphore, #tpu.memory_space<semaphore_mem>>)
      %dma_wait3A_218 = arith.constant 0 : i32
      %dma_wait3A_219 = arith.constant 0 : i32
      %dma_wait3A_220 = tpu.memref_slice %arg13[%dma_wait3A_218, %dma_wait3A_219] : memref<10000x128xf32, #tpu.memory_space<vmem_shared>> -> memref<10000x128xf32, #tpu.memory_space<vmem_shared>>
      tpu.wait_indirect_dma semaphore(%arg20 : memref<!tpu.dma_semaphore, #tpu.memory_space<semaphore_mem>>) src(%dma_wait3A_220 : memref<10000x128xf32, #tpu.memory_space<vmem_shared>>) dst(%arg11 : memref<80x128xf32, #tpu.memory_space<vmem>>)
      %mul3A_221 = arith.constant 80 : i32
      %mul3A_222 = arith.muli %add3A_202, %mul3A_221 : i32
      %add3A_223 = arith.addi %mul3A_2, %mul3A_222 : i32
      %dma_start3A_224 = arith.constant 0 : i32
      %dma_start3A_225 = tpu.memref_slice %arg4[%add3A_223, %dma_start3A_224] : memref<320000x128xf32, #tpu.memory_space<hbm>> -> memref<80x128xf32, #tpu.memory_space<hbm>>
      %dma_start3A_226 = arith.constant 0 : i32
      %dma_start3A_227 = tpu.memref_slice %arg4[%add3A_223, %dma_start3A_226] : memref<320000x128xf32, #tpu.memory_space<hbm>> -> memref<80x128xf32, #tpu.memory_space<hbm>>
      tpu.enqueue_dma source(%arg11 : memref<80x128xf32, #tpu.memory_space<vmem>>) target(%dma_start3A_227 : memref<80x128xf32, #tpu.memory_space<hbm>>) target_semaphore(%arg24 : memref<!tpu.dma_semaphore, #tpu.memory_space<semaphore_mem>>)
      %add3A_228 = arith.constant 4 : i32
      %add3A_229 = arith.addi %add3A_202, %add3A_228 : i32
      %lt3A_230 = arith.constant 125 : i32
      %lt3A_231 = arith.cmpi slt, %add3A_229, %lt3A_230 : i32
      %convert_element_type3A_232 = arith.extui %lt3A_231 : i1 to i32
      %cond3A_233 = arith.constant 0 : i32
      %cond3A_234 = arith.cmpi ne, %convert_element_type3A_232, %cond3A_233 : i32
      scf.if %cond3A_234 {
        %add3A_269 = arith.constant 4 : i32
        %add3A_270 = arith.addi %add3A_202, %add3A_269 : i32
        %dma_start3A_271 = arith.constant 0 : i32
        %dma_start3A_272 = arith.constant 0 : i32
        %dma_start3A_273 = tpu.memref_slice %arg3[%add3A, %add3A_270, %dma_start3A_271, %dma_start3A_272] : memref<32x125x1x80xi32, #tpu.memory_space<hbm>> -> memref<1x1x1x80xi32, #tpu.memory_space<hbm>>
        %dma_start3A_274 = tpu.memref_squeeze %dma_start3A_273 : memref<1x1x1x80xi32, #tpu.memory_space<hbm>> -> memref<80xi32, #tpu.memory_space<hbm>>
        %dma_start3A_275 = arith.constant 0 : i32
        %dma_start3A_276 = tpu.memref_slice %arg3[%add3A, %add3A_270, %dma_start3A_271, %dma_start3A_275] : memref<32x125x1x80xi32, #tpu.memory_space<hbm>> -> memref<1x1x1x80xi32, #tpu.memory_space<hbm>>
        %dma_start3A_277 = tpu.memref_squeeze %dma_start3A_276 : memref<1x1x1x80xi32, #tpu.memory_space<hbm>> -> memref<80xi32, #tpu.memory_space<hbm>>
        tpu.enqueue_dma source(%dma_start3A_277 : memref<80xi32, #tpu.memory_space<hbm>>) target(%arg7 : memref<80xi32, #tpu.memory_space<vmem>>) target_semaphore(%arg16 : memref<!tpu.dma_semaphore, #tpu.memory_space<semaphore_mem>>)
      } else {
      }
      %add3A_235 = arith.constant 3 : i32
      %add3A_236 = arith.addi %mul3A_133, %add3A_235 : i32
      %ge3A_237 = arith.constant 4 : i32
      %ge3A_238 = arith.cmpi sge, %add3A_236, %ge3A_237 : i32
      %convert_element_type3A_239 = arith.extui %ge3A_238 : i1 to i32
      %cond3A_240 = arith.constant 0 : i32
      %cond3A_241 = arith.cmpi ne, %convert_element_type3A_239, %cond3A_240 : i32
      scf.if %cond3A_241 {
        %dma_wait3A_269 = arith.constant 0 : i32
        %dma_wait3A_270 = tpu.memref_slice %arg4[%mul3A_2, %dma_wait3A_269] : memref<320000x128xf32, #tpu.memory_space<hbm>> -> memref<80x128xf32, #tpu.memory_space<hbm>>
        %dma_wait3A_271 = arith.constant 0 : i32
        %dma_wait3A_272 = tpu.memref_slice %arg4[%mul3A_2, %dma_wait3A_271] : memref<320000x128xf32, #tpu.memory_space<hbm>> -> memref<80x128xf32, #tpu.memory_space<hbm>>
        tpu.wait_dma2 semaphore(%arg25 : memref<!tpu.dma_semaphore, #tpu.memory_space<semaphore_mem>>) src(%arg12 : memref<80x128xf32, #tpu.memory_space<vmem>>) dst(%dma_wait3A_272 : memref<80x128xf32, #tpu.memory_space<hbm>>)
      } else {
      }
      %dma_wait3A_242 = arith.constant 0 : i32
      %dma_wait3A_243 = arith.constant 0 : i32
      %dma_wait3A_244 = tpu.memref_slice %arg3[%add3A, %add3A_236, %dma_wait3A_242, %dma_wait3A_243] : memref<32x125x1x80xi32, #tpu.memory_space<hbm>> -> memref<1x1x1x80xi32, #tpu.memory_space<hbm>>
      %dma_wait3A_245 = tpu.memref_squeeze %dma_wait3A_244 : memref<1x1x1x80xi32, #tpu.memory_space<hbm>> -> memref<80xi32, #tpu.memory_space<hbm>>
      %dma_wait3A_246 = arith.constant 0 : i32
      %dma_wait3A_247 = tpu.memref_slice %arg3[%add3A, %add3A_236, %dma_wait3A_242, %dma_wait3A_246] : memref<32x125x1x80xi32, #tpu.memory_space<hbm>> -> memref<1x1x1x80xi32, #tpu.memory_space<hbm>>
      %dma_wait3A_248 = tpu.memref_squeeze %dma_wait3A_247 : memref<1x1x1x80xi32, #tpu.memory_space<hbm>> -> memref<80xi32, #tpu.memory_space<hbm>>
      tpu.wait_dma2 semaphore(%arg17 : memref<!tpu.dma_semaphore, #tpu.memory_space<semaphore_mem>>) src(%dma_wait3A_248 : memref<80xi32, #tpu.memory_space<hbm>>) dst(%arg8 : memref<80xi32, #tpu.memory_space<vmem>>)
      %dma_start3A_249 = arith.constant 0 : i32
      %dma_start3A_250 = arith.constant 0 : i32
      %dma_start3A_251 = tpu.memref_slice %arg13[%dma_start3A_249, %dma_start3A_250] : memref<10000x128xf32, #tpu.memory_space<vmem_shared>> -> memref<10000x128xf32, #tpu.memory_space<vmem_shared>>
      tpu.enqueue_indirect_dma source(%dma_start3A_251 : memref<10000x128xf32, #tpu.memory_space<vmem_shared>>) target(%arg12 : memref<80x128xf32, #tpu.memory_space<vmem>>) offsets(%arg8 : memref<80xi32, #tpu.memory_space<vmem>>) semaphore(%arg21 : memref<!tpu.dma_semaphore, #tpu.memory_space<semaphore_mem>>)
      %dma_wait3A_252 = arith.constant 0 : i32
      %dma_wait3A_253 = arith.constant 0 : i32
      %dma_wait3A_254 = tpu.memref_slice %arg13[%dma_wait3A_252, %dma_wait3A_253] : memref<10000x128xf32, #tpu.memory_space<vmem_shared>> -> memref<10000x128xf32, #tpu.memory_space<vmem_shared>>
      tpu.wait_indirect_dma semaphore(%arg21 : memref<!tpu.dma_semaphore, #tpu.memory_space<semaphore_mem>>) src(%dma_wait3A_254 : memref<10000x128xf32, #tpu.memory_space<vmem_shared>>) dst(%arg12 : memref<80x128xf32, #tpu.memory_space<vmem>>)
      %mul3A_255 = arith.constant 80 : i32
      %mul3A_256 = arith.muli %add3A_236, %mul3A_255 : i32
      %add3A_257 = arith.addi %mul3A_2, %mul3A_256 : i32
      %dma_start3A_258 = arith.constant 0 : i32
      %dma_start3A_259 = tpu.memref_slice %arg4[%add3A_257, %dma_start3A_258] : memref<320000x128xf32, #tpu.memory_space<hbm>> -> memref<80x128xf32, #tpu.memory_space<hbm>>
      %dma_start3A_260 = arith.constant 0 : i32
      %dma_start3A_261 = tpu.memref_slice %arg4[%add3A_257, %dma_start3A_260] : memref<320000x128xf32, #tpu.memory_space<hbm>> -> memref<80x128xf32, #tpu.memory_space<hbm>>
      tpu.enqueue_dma source(%arg12 : memref<80x128xf32, #tpu.memory_space<vmem>>) target(%dma_start3A_261 : memref<80x128xf32, #tpu.memory_space<hbm>>) target_semaphore(%arg25 : memref<!tpu.dma_semaphore, #tpu.memory_space<semaphore_mem>>)
      %add3A_262 = arith.constant 4 : i32
      %add3A_263 = arith.addi %add3A_236, %add3A_262 : i32
      %lt3A_264 = arith.constant 125 : i32
      %lt3A_265 = arith.cmpi slt, %add3A_263, %lt3A_264 : i32
      %convert_element_type3A_266 = arith.extui %lt3A_265 : i1 to i32
      %cond3A_267 = arith.constant 0 : i32
      %cond3A_268 = arith.cmpi ne, %convert_element_type3A_266, %cond3A_267 : i32
      scf.if %cond3A_268 {
        %add3A_269 = arith.constant 4 : i32
        %add3A_270 = arith.addi %add3A_236, %add3A_269 : i32
        %dma_start3A_271 = arith.constant 0 : i32
        %dma_start3A_272 = arith.constant 0 : i32
        %dma_start3A_273 = tpu.memref_slice %arg3[%add3A, %add3A_270, %dma_start3A_271, %dma_start3A_272] : memref<32x125x1x80xi32, #tpu.memory_space<hbm>> -> memref<1x1x1x80xi32, #tpu.memory_space<hbm>>
        %dma_start3A_274 = tpu.memref_squeeze %dma_start3A_273 : memref<1x1x1x80xi32, #tpu.memory_space<hbm>> -> memref<80xi32, #tpu.memory_space<hbm>>
        %dma_start3A_275 = arith.constant 0 : i32
        %dma_start3A_276 = tpu.memref_slice %arg3[%add3A, %add3A_270, %dma_start3A_271, %dma_start3A_275] : memref<32x125x1x80xi32, #tpu.memory_space<hbm>> -> memref<1x1x1x80xi32, #tpu.memory_space<hbm>>
        %dma_start3A_277 = tpu.memref_squeeze %dma_start3A_276 : memref<1x1x1x80xi32, #tpu.memory_space<hbm>> -> memref<80xi32, #tpu.memory_space<hbm>>
        tpu.enqueue_dma source(%dma_start3A_277 : memref<80xi32, #tpu.memory_space<hbm>>) target(%arg8 : memref<80xi32, #tpu.memory_space<vmem>>) target_semaphore(%arg17 : memref<!tpu.dma_semaphore, #tpu.memory_space<semaphore_mem>>)
      } else {
      }
    }
    %scan3A_91 = arith.constant 31 : i32
    %dma_wait3A = arith.constant 0 : i32
    %dma_wait3A_92 = tpu.memref_slice %arg4[%mul3A_2, %dma_wait3A] : memref<320000x128xf32, #tpu.memory_space<hbm>> -> memref<80x128xf32, #tpu.memory_space<hbm>>
    %dma_wait3A_93 = arith.constant 0 : i32
    %dma_wait3A_94 = tpu.memref_slice %arg4[%mul3A_2, %dma_wait3A_93] : memref<320000x128xf32, #tpu.memory_space<hbm>> -> memref<80x128xf32, #tpu.memory_space<hbm>>
    tpu.wait_dma2 semaphore(%arg22 : memref<!tpu.dma_semaphore, #tpu.memory_space<semaphore_mem>>) src(%arg9 : memref<80x128xf32, #tpu.memory_space<vmem>>) dst(%dma_wait3A_94 : memref<80x128xf32, #tpu.memory_space<hbm>>)
    %dma_wait3A_95 = arith.constant 124 : i32
    %dma_wait3A_96 = arith.constant 0 : i32
    %dma_wait3A_97 = arith.constant 0 : i32
    %dma_wait3A_98 = tpu.memref_slice %arg3[%add3A, %dma_wait3A_95, %dma_wait3A_96, %dma_wait3A_97] : memref<32x125x1x80xi32, #tpu.memory_space<hbm>> -> memref<1x1x1x80xi32, #tpu.memory_space<hbm>>
    %dma_wait3A_99 = tpu.memref_squeeze %dma_wait3A_98 : memref<1x1x1x80xi32, #tpu.memory_space<hbm>> -> memref<80xi32, #tpu.memory_space<hbm>>
    %dma_wait3A_100 = arith.constant 0 : i32
    %dma_wait3A_101 = tpu.memref_slice %arg3[%add3A, %dma_wait3A_95, %dma_wait3A_96, %dma_wait3A_100] : memref<32x125x1x80xi32, #tpu.memory_space<hbm>> -> memref<1x1x1x80xi32, #tpu.memory_space<hbm>>
    %dma_wait3A_102 = tpu.memref_squeeze %dma_wait3A_101 : memref<1x1x1x80xi32, #tpu.memory_space<hbm>> -> memref<80xi32, #tpu.memory_space<hbm>>
    tpu.wait_dma2 semaphore(%arg14 : memref<!tpu.dma_semaphore, #tpu.memory_space<semaphore_mem>>) src(%dma_wait3A_102 : memref<80xi32, #tpu.memory_space<hbm>>) dst(%arg5 : memref<80xi32, #tpu.memory_space<vmem>>)
    %dma_start3A_103 = arith.constant 0 : i32
    %dma_start3A_104 = arith.constant 0 : i32
    %dma_start3A_105 = tpu.memref_slice %arg13[%dma_start3A_103, %dma_start3A_104] : memref<10000x128xf32, #tpu.memory_space<vmem_shared>> -> memref<10000x128xf32, #tpu.memory_space<vmem_shared>>
    tpu.enqueue_indirect_dma source(%dma_start3A_105 : memref<10000x128xf32, #tpu.memory_space<vmem_shared>>) target(%arg9 : memref<80x128xf32, #tpu.memory_space<vmem>>) offsets(%arg5 : memref<80xi32, #tpu.memory_space<vmem>>) semaphore(%arg18 : memref<!tpu.dma_semaphore, #tpu.memory_space<semaphore_mem>>)
    %dma_wait3A_106 = arith.constant 0 : i32
    %dma_wait3A_107 = arith.constant 0 : i32
    %dma_wait3A_108 = tpu.memref_slice %arg13[%dma_wait3A_106, %dma_wait3A_107] : memref<10000x128xf32, #tpu.memory_space<vmem_shared>> -> memref<10000x128xf32, #tpu.memory_space<vmem_shared>>
    tpu.wait_indirect_dma semaphore(%arg18 : memref<!tpu.dma_semaphore, #tpu.memory_space<semaphore_mem>>) src(%dma_wait3A_108 : memref<10000x128xf32, #tpu.memory_space<vmem_shared>>) dst(%arg9 : memref<80x128xf32, #tpu.memory_space<vmem>>)
    %add3A_109 = arith.constant 9920 : i32
    %add3A_110 = arith.addi %mul3A_2, %add3A_109 : i32
    %dma_start3A_111 = arith.constant 0 : i32
    %dma_start3A_112 = tpu.memref_slice %arg4[%add3A_110, %dma_start3A_111] : memref<320000x128xf32, #tpu.memory_space<hbm>> -> memref<80x128xf32, #tpu.memory_space<hbm>>
    %dma_start3A_113 = arith.constant 0 : i32
    %dma_start3A_114 = tpu.memref_slice %arg4[%add3A_110, %dma_start3A_113] : memref<320000x128xf32, #tpu.memory_space<hbm>> -> memref<80x128xf32, #tpu.memory_space<hbm>>
    tpu.enqueue_dma source(%arg9 : memref<80x128xf32, #tpu.memory_space<vmem>>) target(%dma_start3A_114 : memref<80x128xf32, #tpu.memory_space<hbm>>) target_semaphore(%arg22 : memref<!tpu.dma_semaphore, #tpu.memory_space<semaphore_mem>>)
    %dma_wait3A_115 = arith.constant 0 : i32
    %dma_wait3A_116 = tpu.memref_slice %arg4[%mul3A_2, %dma_wait3A_115] : memref<320000x128xf32, #tpu.memory_space<hbm>> -> memref<80x128xf32, #tpu.memory_space<hbm>>
    %dma_wait3A_117 = arith.constant 0 : i32
    %dma_wait3A_118 = tpu.memref_slice %arg4[%mul3A_2, %dma_wait3A_117] : memref<320000x128xf32, #tpu.memory_space<hbm>> -> memref<80x128xf32, #tpu.memory_space<hbm>>
    tpu.wait_dma2 semaphore(%arg22 : memref<!tpu.dma_semaphore, #tpu.memory_space<semaphore_mem>>) src(%arg9 : memref<80x128xf32, #tpu.memory_space<vmem>>) dst(%dma_wait3A_118 : memref<80x128xf32, #tpu.memory_space<hbm>>)
    %dma_wait3A_119 = arith.constant 0 : i32
    %dma_wait3A_120 = tpu.memref_slice %arg4[%mul3A_2, %dma_wait3A_119] : memref<320000x128xf32, #tpu.memory_space<hbm>> -> memref<80x128xf32, #tpu.memory_space<hbm>>
    %dma_wait3A_121 = arith.constant 0 : i32
    %dma_wait3A_122 = tpu.memref_slice %arg4[%mul3A_2, %dma_wait3A_121] : memref<320000x128xf32, #tpu.memory_space<hbm>> -> memref<80x128xf32, #tpu.memory_space<hbm>>
    tpu.wait_dma2 semaphore(%arg23 : memref<!tpu.dma_semaphore, #tpu.memory_space<semaphore_mem>>) src(%arg10 : memref<80x128xf32, #tpu.memory_space<vmem>>) dst(%dma_wait3A_122 : memref<80x128xf32, #tpu.memory_space<hbm>>)
    %dma_wait3A_123 = arith.constant 0 : i32
    %dma_wait3A_124 = tpu.memref_slice %arg4[%mul3A_2, %dma_wait3A_123] : memref<320000x128xf32, #tpu.memory_space<hbm>> -> memref<80x128xf32, #tpu.memory_space<hbm>>
    %dma_wait3A_125 = arith.constant 0 : i32
    %dma_wait3A_126 = tpu.memref_slice %arg4[%mul3A_2, %dma_wait3A_125] : memref<320000x128xf32, #tpu.memory_space<hbm>> -> memref<80x128xf32, #tpu.memory_space<hbm>>
    tpu.wait_dma2 semaphore(%arg24 : memref<!tpu.dma_semaphore, #tpu.memory_space<semaphore_mem>>) src(%arg11 : memref<80x128xf32, #tpu.memory_space<vmem>>) dst(%dma_wait3A_126 : memref<80x128xf32, #tpu.memory_space<hbm>>)
    %dma_wait3A_127 = arith.constant 0 : i32
    %dma_wait3A_128 = tpu.memref_slice %arg4[%mul3A_2, %dma_wait3A_127] : memref<320000x128xf32, #tpu.memory_space<hbm>> -> memref<80x128xf32, #tpu.memory_space<hbm>>
    %dma_wait3A_129 = arith.constant 0 : i32
    %dma_wait3A_130 = tpu.memref_slice %arg4[%mul3A_2, %dma_wait3A_129] : memref<320000x128xf32, #tpu.memory_space<hbm>> -> memref<80x128xf32, #tpu.memory_space<hbm>>
    tpu.wait_dma2 semaphore(%arg25 : memref<!tpu.dma_semaphore, #tpu.memory_space<semaphore_mem>>) src(%arg12 : memref<80x128xf32, #tpu.memory_space<vmem>>) dst(%dma_wait3A_130 : memref<80x128xf32, #tpu.memory_space<hbm>>)
    return
  }
}

module attributes {stable_mosaic.version = 14 : i64} {
  func.func @_mlp_body(%arg0: i32, %arg1: memref<8000x16xf32, #tpu.memory_space<vmem>>, %arg2: memref<8000x128xf32, #tpu.memory_space<vmem>>, %arg3: memref<16x128xf32, #tpu.memory_space<vmem>>, %arg4: memref<1x128xf32, #tpu.memory_space<vmem>>, %arg5: memref<128x128xf32, #tpu.memory_space<vmem>>, %arg6: memref<1x128xf32, #tpu.memory_space<vmem>>, %arg7: memref<1x128xf32, #tpu.memory_space<vmem>>, %arg8: memref<8000x128xf32, #tpu.memory_space<vmem>>, %arg9: memref<8000x1xf32, #tpu.memory_space<vmem>>) attributes {dimension_semantics = [#tpu.dimension_semantics<arbitrary>], iteration_bounds = array<i64: 40>, scalar_prefetch = 0 : i64, scratch_operands = 0 : i64, tpu.core_type = #tpu.core_type<tc>, window_params = [{transform_indices = @transform_0, window_bounds = array<i64: 8000, 16>}, {transform_indices = @transform_1, window_bounds = array<i64: 8000, 128>}, {pipeline_mode = #tpu.pipeline_mode<synchronous>, transform_indices = @transform_2, window_bounds = array<i64: 16, 128>}, {pipeline_mode = #tpu.pipeline_mode<synchronous>, transform_indices = @transform_3, window_bounds = array<i64: 1, 128>}, {pipeline_mode = #tpu.pipeline_mode<synchronous>, transform_indices = @transform_4, window_bounds = array<i64: 128, 128>}, {pipeline_mode = #tpu.pipeline_mode<synchronous>, transform_indices = @transform_5, window_bounds = array<i64: 1, 128>}, {pipeline_mode = #tpu.pipeline_mode<synchronous>, transform_indices = @transform_6, window_bounds = array<i64: 1, 128>}, {transform_indices = @transform_7, window_bounds = array<i64: 8000, 128>}, {transform_indices = @transform_8, window_bounds = array<i64: 8000, 1>}]} {
    %get3A = arith.constant 0 : index
    %get3A_0 = arith.constant 0 : index
    %get3A_1 = vector.load %arg1[%get3A, %get3A_0] : memref<8000x16xf32, #tpu.memory_space<vmem>>, vector<8000x16xf32>
    %get3A_2 = arith.constant 0 : index
    %get3A_3 = arith.constant 0 : index
    %get3A_4 = vector.load %arg3[%get3A_2, %get3A_3] : memref<16x128xf32, #tpu.memory_space<vmem>>, vector<16x128xf32>
    %dot_general3A = arith.constant dense<0.000000e+00> : vector<8000x128xf32>
    %dot_general3A_5 = tpu.matmul %get3A_1, %get3A_4, %dot_general3A {dimension_numbers = #tpu.dot_dimension_numbers<[1], [0], [0], [1], [0, 0, 1, 1], [], []>, transpose_lhs_hint = false} : vector<8000x16xf32>, vector<16x128xf32>, vector<8000x128xf32> -> vector<8000x128xf32>
    %get3A_6 = arith.constant 0 : index
    %get3A_7 = arith.constant 0 : index
    %get3A_8 = vector.load %arg4[%get3A_6, %get3A_7] : memref<1x128xf32, #tpu.memory_space<vmem>>, vector<1x128xf32>
    %add3A = vector.broadcast %get3A_8 : vector<1x128xf32> to vector<8000x128xf32>
    %add3A_9 = arith.addf %dot_general3A_5, %add3A : vector<8000x128xf32>
    %tanh3A = math.tanh %add3A_9 : vector<8000x128xf32>
    %get3A_10 = arith.constant 0 : index
    %get3A_11 = arith.constant 0 : index
    %get3A_12 = vector.load %arg5[%get3A_10, %get3A_11] : memref<128x128xf32, #tpu.memory_space<vmem>>, vector<128x128xf32>
    %dot_general3A_13 = arith.constant dense<0.000000e+00> : vector<8000x128xf32>
    %dot_general3A_14 = tpu.matmul %tanh3A, %get3A_12, %dot_general3A_13 {dimension_numbers = #tpu.dot_dimension_numbers<[1], [0], [0], [1], [0, 0, 1, 1], [], []>, transpose_lhs_hint = false} : vector<8000x128xf32>, vector<128x128xf32>, vector<8000x128xf32> -> vector<8000x128xf32>
    %get3A_15 = arith.constant 0 : index
    %get3A_16 = arith.constant 0 : index
    %get3A_17 = vector.load %arg6[%get3A_15, %get3A_16] : memref<1x128xf32, #tpu.memory_space<vmem>>, vector<1x128xf32>
    %add3A_18 = vector.broadcast %get3A_17 : vector<1x128xf32> to vector<8000x128xf32>
    %add3A_19 = arith.addf %dot_general3A_14, %add3A_18 : vector<8000x128xf32>
    %get3A_20 = arith.constant 0 : index
    %get3A_21 = arith.constant 0 : index
    %get3A_22 = vector.load %arg2[%get3A_20, %get3A_21] : memref<8000x128xf32, #tpu.memory_space<vmem>>, vector<8000x128xf32>
    %mul3A = arith.mulf %get3A_22, %add3A_19 : vector<8000x128xf32>
    %get3A_23 = arith.constant 0 : index
    %get3A_24 = arith.constant 0 : index
    %get3A_25 = vector.load %arg7[%get3A_23, %get3A_24] : memref<1x128xf32, #tpu.memory_space<vmem>>, vector<1x128xf32>
    %mul3A_26 = vector.broadcast %get3A_25 : vector<1x128xf32> to vector<8000x128xf32>
    %mul3A_27 = arith.mulf %mul3A, %mul3A_26 : vector<8000x128xf32>
    %reduce_sum3A = arith.constant dense<0.000000e+00> : vector<8000xf32>
    %reduce_sum3A_28 = vector.multi_reduction <add>, %mul3A_27, %reduce_sum3A [1] : vector<8000x128xf32> to vector<8000xf32>
    %broadcast_in_dim3A = vector.shape_cast %reduce_sum3A_28 : vector<8000xf32> to vector<8000x1xf32>
    %exp3A = math.exp %broadcast_in_dim3A : vector<8000x1xf32>
    %mul3A_29 = vector.broadcast %exp3A : vector<8000x1xf32> to vector<8000x128xf32>
    %mul3A_30 = arith.mulf %mul3A, %mul3A_29 : vector<8000x128xf32>
    %swap3A = arith.constant 0 : index
    %swap3A_31 = arith.constant 0 : index
    %swap3A_32 = vector.load %arg8[%swap3A, %swap3A_31] : memref<8000x128xf32, #tpu.memory_space<vmem>>, vector<8000x128xf32>
    tpu.vector_store %arg8[%swap3A, %swap3A_31], %mul3A_30 {strides = array<i32>} : memref<8000x128xf32, #tpu.memory_space<vmem>>, vector<8000x128xf32>,
    %swap3A_33 = arith.constant 0 : index
    %swap3A_34 = arith.constant 0 : index
    %swap3A_35 = vector.load %arg9[%swap3A_33, %swap3A_34] : memref<8000x1xf32, #tpu.memory_space<vmem>>, vector<8000x1xf32>
    tpu.vector_store %arg9[%swap3A_33, %swap3A_34], %exp3A {strides = array<i32>} : memref<8000x1xf32, #tpu.memory_space<vmem>>, vector<8000x1xf32>,
    return
  }
  func.func @transform_0(%arg0: i32) -> (i32, i32) {
    %c0_i32 = arith.constant 0 : i32
    %c0_i32_0 = arith.constant 0 : i32
    return %arg0, %c0_i32 : i32, i32
  }
  func.func @transform_1(%arg0: i32) -> (i32, i32) {
    %c0_i32 = arith.constant 0 : i32
    %c0_i32_0 = arith.constant 0 : i32
    return %arg0, %c0_i32 : i32, i32
  }
  func.func @transform_2(%arg0: i32) -> (i32, i32) {
    %c0_i32 = arith.constant 0 : i32
    %c0_i32_0 = arith.constant 0 : i32
    %c0_i32_1 = arith.constant 0 : i32
    return %c0_i32, %c0_i32_0 : i32, i32
  }
  func.func @transform_3(%arg0: i32) -> (i32, i32) {
    %c0_i32 = arith.constant 0 : i32
    %c0_i32_0 = arith.constant 0 : i32
    %c0_i32_1 = arith.constant 0 : i32
    return %c0_i32, %c0_i32_0 : i32, i32
  }
  func.func @transform_4(%arg0: i32) -> (i32, i32) {
    %c0_i32 = arith.constant 0 : i32
    %c0_i32_0 = arith.constant 0 : i32
    %c0_i32_1 = arith.constant 0 : i32
    return %c0_i32, %c0_i32_0 : i32, i32
  }
  func.func @transform_5(%arg0: i32) -> (i32, i32) {
    %c0_i32 = arith.constant 0 : i32
    %c0_i32_0 = arith.constant 0 : i32
    %c0_i32_1 = arith.constant 0 : i32
    return %c0_i32, %c0_i32_0 : i32, i32
  }
  func.func @transform_6(%arg0: i32) -> (i32, i32) {
    %c0_i32 = arith.constant 0 : i32
    %c0_i32_0 = arith.constant 0 : i32
    %c0_i32_1 = arith.constant 0 : i32
    return %c0_i32, %c0_i32_0 : i32, i32
  }
  func.func @transform_7(%arg0: i32) -> (i32, i32) {
    %c0_i32 = arith.constant 0 : i32
    %c0_i32_0 = arith.constant 0 : i32
    return %arg0, %c0_i32 : i32, i32
  }
  func.func @transform_8(%arg0: i32) -> (i32, i32) {
    %c0_i32 = arith.constant 0 : i32
    %c0_i32_0 = arith.constant 0 : i32
    return %arg0, %c0_i32 : i32, i32
  }
}

module attributes {stable_mosaic.version = 14 : i64} {
  func.func @_norm_body(%arg0: i32, %arg1: memref<2x1000x128xf32, #tpu.memory_space<vmem>>, %arg2: memref<2x1000x1xf32, #tpu.memory_space<vmem>>, %arg3: memref<1000x128xf32, #tpu.memory_space<vmem>>) attributes {dimension_semantics = [#tpu.dimension_semantics<arbitrary>], iteration_bounds = array<i64: 10>, scalar_prefetch = 0 : i64, scratch_operands = 0 : i64, tpu.core_type = #tpu.core_type<tc>, window_params = [{transform_indices = @transform_0, window_bounds = array<i64: 2, 1000, 128>}, {transform_indices = @transform_1, window_bounds = array<i64: 2, 1000, 1>}, {transform_indices = @transform_2, window_bounds = array<i64: 1000, 128>}]} {
    %get3A = arith.constant 0 : index
    %get3A_0 = arith.constant 0 : index
    %get3A_1 = arith.constant 0 : index
    %get3A_2 = vector.load %arg1[%get3A, %get3A_0, %get3A_1] : memref<2x1000x128xf32, #tpu.memory_space<vmem>>, vector<1x1000x128xf32>
    %get3A_3 = vector.shape_cast %get3A_2 : vector<1x1000x128xf32> to vector<1000x128xf32>
    %get3A_4 = arith.constant 1 : index
    %get3A_5 = arith.constant 0 : index
    %get3A_6 = arith.constant 0 : index
    %get3A_7 = vector.load %arg1[%get3A_4, %get3A_5, %get3A_6] : memref<2x1000x128xf32, #tpu.memory_space<vmem>>, vector<1x1000x128xf32>
    %get3A_8 = vector.shape_cast %get3A_7 : vector<1x1000x128xf32> to vector<1000x128xf32>
    %add3A = arith.addf %get3A_3, %get3A_8 : vector<1000x128xf32>
    %get3A_9 = arith.constant 0 : index
    %get3A_10 = arith.constant 0 : index
    %get3A_11 = arith.constant 0 : index
    %get3A_12 = vector.load %arg2[%get3A_9, %get3A_10, %get3A_11] : memref<2x1000x1xf32, #tpu.memory_space<vmem>>, vector<2x1000x1xf32>
    %reduce_sum3A = arith.constant dense<0.000000e+00> : vector<1000x1xf32>
    %reduce_sum3A_13 = vector.multi_reduction <add>, %get3A_12, %reduce_sum3A [0] : vector<2x1000x1xf32> to vector<1000x1xf32>
    %gt3A = arith.constant 0.000000e+00 : f32
    %gt3A_14 = vector.broadcast %gt3A : f32 to vector<1000x1xf32>
    %gt3A_15 = arith.cmpf ogt, %reduce_sum3A_13, %gt3A_14 : vector<1000x1xf32>
    %jit3A = arith.constant 1.000000e+00 : f32
    %broadcast_in_dim3A = vector.broadcast %jit3A : f32 to vector<1000x1xf32>
    %select_n3A = arith.select %gt3A_15, %reduce_sum3A_13, %broadcast_in_dim3A : vector<1000x1xi1>, vector<1000x1xf32>
    %gt3A_16 = arith.constant 0.000000e+00 : f32
    %gt3A_17 = vector.broadcast %gt3A_16 : f32 to vector<1000x1xf32>
    %gt3A_18 = arith.cmpf ogt, %reduce_sum3A_13, %gt3A_17 : vector<1000x1xf32>
    %div3A = vector.broadcast %select_n3A : vector<1000x1xf32> to vector<1000x128xf32>
    %div3A_19 = arith.divf %add3A, %div3A : vector<1000x128xf32>
    %broadcast_in_dim3A_20 = vector.shape_cast %gt3A_18 : vector<1000x1xi1> to vector<1000x1xi1>
    %broadcast_in_dim3A_21 = vector.broadcast %broadcast_in_dim3A_20 : vector<1000x1xi1> to vector<1000x128xi1>
    %select_n3A_22 = arith.select %broadcast_in_dim3A_21, %div3A_19, %add3A : vector<1000x128xi1>, vector<1000x128xf32>
    %swap3A = arith.constant 0 : index
    %swap3A_23 = arith.constant 0 : index
    %swap3A_24 = vector.load %arg3[%swap3A, %swap3A_23] : memref<1000x128xf32, #tpu.memory_space<vmem>>, vector<1000x128xf32>
    tpu.vector_store %arg3[%swap3A, %swap3A_23], %select_n3A_22 {strides = array<i32>} : memref<1000x128xf32, #tpu.memory_space<vmem>>, vector<1000x128xf32>,
    return
  }
  func.func @transform_0(%arg0: i32) -> (i32, i32, i32) {
    %c0_i32 = arith.constant 0 : i32
    %c0_i32_0 = arith.constant 0 : i32
    %c0_i32_1 = arith.constant 0 : i32
    return %c0_i32, %arg0, %c0_i32_0 : i32, i32, i32
  }
  func.func @transform_1(%arg0: i32) -> (i32, i32, i32) {
    %c0_i32 = arith.constant 0 : i32
    %c0_i32_0 = arith.constant 0 : i32
    %c0_i32_1 = arith.constant 0 : i32
    return %c0_i32, %arg0, %c0_i32_0 : i32, i32, i32
  }
  func.func @transform_2(%arg0: i32) -> (i32, i32) {
    %c0_i32 = arith.constant 0 : i32
    %c0_i32_0 = arith.constant 0 : i32
    return %arg0, %c0_i32 : i32, i32
  }
}

</mosaic_0001>

<sc_bundles>
// kernel: kernel.6.cloned.1.call-start
scs
__scs_entry_jumppad:
0x0: {  	(pc) =	sbr.rel $0x88, $3  }
0x1: {  	(tag) =	ssettag $0x0;
	lr =	simm.s32 $0x1  }
0x2: {  	[smem:$0x3F99] =	sst lr;
	_ =	strace $0xD0000000  }
0x3: {  	_ = 	snop  }
0x4: {  	_ = 	snop  }
0x5: {  	_ = 	snop  }
0x6: {  	_ = 	snop  }
0x7: {  	_ = 	snop  }
__scs_overlays_trampoline_lowered:
0x8: {  	[smem:$0x3FA8] =	sst s0  }
0x9: {  	[smem:$0x3FA9] =	sst s1  }
0xa: {  	[smem:$0x3FAA] =	sst s2  }
0xb: {  	[smem:$0x3FAB] =	sst s3  }
0xc: {  	[smem:$0x3FAC] =	sst s4  }
0xd: {  	[smem:$0x3FAD] =	sst s5  }
0xe: {  	[smem:$0x3FAE] =	sst s6  }
0xf: {  	[smem:$0x3FAF] =	sst s7  }
0x10: {  	[smem:$0x3FB0] =	sst s8  }
0x11: {  	[smem:$0x3FB1] =	sst s9;
	s0 =	simm.s32 @!p0 $0x0  }
0x12: {  	s1 =	sld [smem:$0x3F97];
	s0 =	simm.s32 @p0 $0x1  }
0x13: {  	[smem:$0x3FB2] =	sst s0;
	s0 =	simm.s32 @!p1 $0x0  }
0x14: {  	s2 =	sld [smem:$0x3F96];
	s0 =	simm.s32 @p1 $0x1  }
0x15: {  	[smem:$0x3FB3] =	sst s0;
	s0 =	simm.s32 @!p2 $0x0  }
0x16: {  	s3 =	sld [smem:$0x3FDB];
	s0 =	simm.s32 @p2 $0x1  }
0x17: {  	s4 =	simm.s32 $0x1BF5;
	[smem:$0x3FB5] =	sst s0  }
0x18: {  	s0 =	sld [smem:$0x3F98];
	_ =	swait.ge [sflag:s4], $0x0  }
0x19: {  	s7 =	sld [smem:$0x3F99]  }
0x1a: {  	s8 =	sadd.s32 $0xFFFFE003, lr  }
0x1b: {  	s9 =	sadd.s32 $0xFFFFFEF7, lr;
	s5 =	simm.s32 $0xFFFFFFFF;
	p2 =	slt.u32 s8, $0xFFFFF086  }
0x1c: {  	p1 =	slt.u32 s9, $0xF7A;
	s5 =	simm.s32 @!p2 $0x0  }
0x1d: {  	s5 =	simm.s32 @p1 $0x1;
	p0 =	seq.s32 s7, s2  }
0x1e: {  	s7 =	smul.u32 @!p0 $0xF7A, s2;
	p2 =	seq.s32 @!p0 s5, $0x0  }
0x1f: {  	s9 =	smul.u32 $0xF7A, s1;
	s8 =	simm.s32 @!p0 $0x1BF5;
	p2 =	por !p2, p0  }
0x20: {  	[sflag:s8] =	ssyncset.s32 @!p0 $0xFFFFF086;
	s6 =	sadd.s32 @!p0 s3, s7;
	s7 =	simm.s32 @!p0 $0x108  }
0x21: {  	s3 =	sadd.s32 s3, s9;
	s6 =	sadd.s32 @!p0 $0x88, s6;
	s7 =	simm.s32 @p2 $0x1082  }
0x22: {  	[simem:s7], [sflag:s8] =	dma.local @!p0 [hbm:s6], $0xF7A  }
0x23: {  	s9 =	sor.u32 $0xD0000000, s2;
	s6 =	simm.s32 $0x108;
	_ =	swait.ge @!p0 [sflag:s8], $0x0  }
0x24: {  	s3 =	sadd.s32 $0x88, s3;
	s6 =	simm.s32 @!p1 $0x1082;
	[sflag:s4] =	ssyncset.s32 $0xFFFFF086  }
0x25: {  	[simem:s6], [sflag:s4] =	dma.local [hbm:s3], $0xF7A  }
0x26: {  	[smem:$0x3F99] =	sst s1;
	(tag) =	ssettag s2;
	_ =	strace s9  }
0x27: {  	s1 =	sld [smem:$0x3FA9]  }
0x28: {  	s2 =	sld [smem:$0x3FAA]  }
0x29: {  	s4 =	sld [smem:$0x3FAC]  }
0x2a: {  	p0 =	seq.s32 s5, $0x0;
	s5 =	sld [smem:$0x3FAD]  }
0x2b: {  	s6 =	sld [smem:$0x3FAE]  }
0x2c: {  	s7 =	sld [smem:$0x3FAF]  }
0x2d: {  	s3 =	simm.s32 $0x108;
	s8 =	sld [smem:$0x3FB0]  }
0x2e: {  	s3 =	simm.s32 @!p0 $0x1082;
	s9 =	sld [smem:$0x3FB1]  }
0x2f: {  	lr =	sadd.s32 s0, s3;
	s0 =	sld [smem:$0x3FA8]  }
0x30: {  	s3 =	sld [smem:$0x3FAB]  }
0x31: {  	[smem:$0x3FB4] =	sst s10  }
0x32: {  	s10 =	sld [smem:$0x3FB2];
	_ =	sdelay $0x3  }
0x33: {  	p0 =	seq.s32 s10, $0x1;
	s10 =	sld [smem:$0x3FB4];
	_ =	sdelay $0x3  }
0x34: {  	[smem:$0x3FB4] =	sst s10  }
0x35: {  	s10 =	sld [smem:$0x3FB3];
	_ =	sdelay $0x3  }
0x36: {  	p1 =	seq.s32 s10, $0x1;
	s10 =	sld [smem:$0x3FB4];
	_ =	sdelay $0x3  }
0x37: {  	[smem:$0x3FB4] =	sst s10  }
0x38: {  	s10 =	sld [smem:$0x3FB5]  }
0x39: {  	_ = 	snop;
	(pc) =	sbr.ind lr, $3  }
0x3a: {  	_ = 	snop  }
0x3b: {  	_ = 	snop  }
0x3c: {  	p2 =	seq.s32 s10, $0x1;
	s10 =	sld [smem:$0x3FB4]  }
0x3d: {  	_ =	shalt  }
0x3e: {  	_ =	shalt  }
0x3f: {  	_ =	shalt  }
0x40: {  	_ =	shalt  }
0x41: {  	_ =	shalt  }
0x42: {  	_ =	shalt  }
0x43: {  	_ =	shalt  }
0x44: {  	_ =	shalt  }
0x45: {  	_ =	shalt  }
0x46: {  	_ =	shalt  }
0x47: {  	_ =	shalt  }
0x48: {  	_ =	shalt  }
0x49: {  	_ =	shalt  }
0x4a: {  	_ =	shalt  }
0x4b: {  	_ =	shalt  }
0x4c: {  	_ =	shalt  }
0x4d: {  	_ =	shalt  }
0x4e: {  	_ =	shalt  }
0x4f: {  	_ =	shalt  }
0x50: {  	_ =	shalt  }
0x51: {  	_ =	shalt  }
0x52: {  	_ =	shalt  }
0x53: {  	_ =	shalt  }
0x54: {  	_ =	shalt  }
0x55: {  	_ =	shalt  }
0x56: {  	_ =	shalt  }
0x57: {  	_ =	shalt  }
0x58: {  	_ =	shalt  }
0x59: {  	_ =	shalt  }
0x5a: {  	_ =	shalt  }
0x5b: {  	_ =	shalt  }
0x5c: {  	_ =	shalt  }
0x5d: {  	_ =	shalt  }
0x5e: {  	_ =	shalt  }
0x5f: {  	_ =	shalt  }
0x60: {  	_ =	shalt  }
0x61: {  	_ =	shalt  }
0x62: {  	_ =	shalt  }
0x63: {  	_ =	shalt  }
0x64: {  	_ =	shalt  }
0x65: {  	_ =	shalt  }
0x66: {  	_ =	shalt  }
0x67: {  	_ =	shalt  }
0x68: {  	_ =	shalt  }
0x69: {  	_ =	shalt  }
0x6a: {  	_ =	shalt  }
0x6b: {  	_ =	shalt  }
0x6c: {  	_ =	shalt  }
0x6d: {  	_ =	shalt  }
0x6e: {  	_ =	shalt  }
0x6f: {  	_ =	shalt  }
0x70: {  	_ =	shalt  }
0x71: {  	_ =	shalt  }
0x72: {  	_ =	shalt  }
0x73: {  	_ =	shalt  }
0x74: {  	_ =	shalt  }
0x75: {  	_ =	shalt  }
0x76: {  	_ =	shalt  }
0x77: {  	_ =	shalt  }
0x78: {  	_ =	shalt  }
0x79: {  	_ =	shalt  }
0x7a: {  	_ =	shalt  }
0x7b: {  	_ =	shalt  }
0x7c: {  	_ =	shalt  }
0x7d: {  	_ =	shalt  }
0x7e: {  	_ =	shalt  }
0x7f: {  	_ =	shalt  }
0x80: {  	_ =	shalt  }
0x81: {  	_ =	shalt  }
0x82: {  	_ =	shalt  }
0x83: {  	_ =	shalt  }
0x84: {  	_ =	shalt  }
0x85: {  	_ =	shalt  }
0x86: {  	_ =	shalt  }
0x87: {  	_ =	shalt  }
.Lfunc_end0:
.L_simem_size_0:
called_computation_lowered:
.L_overlay_start_0:
0x88: {  	s2 =	sld [smem:$0x3FD9]  }
0x89: {  	s3 =	sld [smem:$0x3FFE];
	_ =	sdelay $0x1  }
0x8a: {  	s1 =	srdreg.scid  }
0x8b: {  	s0 =	sand.u32 $0x1, s1  }
0x8c: {  	s17 =	sshll.u32 s0, $0xA;
	s2 =	sadd.s32 s3, s2  }
0x8d: {  	s2 =	sadd.s32 s2, s17  }
0x8e: {  	[smem:$0x3FC0] =	sst s2  }
0x8f: {  	_ = 	snop  }
0x90: {  	s2 =	sld [smem:$0x3FC9]  }
0x91: {  	s18 =	sld [smem:$0x3FD0];
	(tm) =	ssettm $0x1  }
0x92: {  	s4 =	sld [smem:$0x3FFB];
	_ =	sdelay $0x3  }
0x93: {  	_ =	strace s4  }
0x94: {  	s4 =	sld [smem:$0x3FFC];
	_ =	sdelay $0x3  }
0x95: {  	_ =	strace s4  }
0x96: {  	s4 =	sld [smem:$0x3FFD];
	_ =	sdelay $0x3  }
0x97: {  	_ =	strace s4  }
0x98: {  	_ =	strace $0x8FFFFFFF  }
0x99: {  	s19 =	sld [smem:$0x3FDB];
	_ =	sdelay $0x1  }
0x9a: {  	s5 =	simm.s32 $_scs_section_size  }
0x9b: {  	s6 =	simm.s32 $_size__tile_overlayer_lowered;
	s7 =	simm.s32 $_tile_overlayer_lowered  }
0x9c: {  	s22 =	simm.s32 $0x1BFF;
	s21 =	sshll.u32 s7, $0x1;
	s4 =	sadd.s32 s5, s19  }
0x9d: {  	s8 =	simm.s32 $0x0;
	s20 =	sshll.u32 s6, $0x1;
	s6 =	sadd.s32 s21, s4  }
0x9e: {  	[timem:s8], [sflag:s22] =	dma.local [hbm:s6], s20  }
0x9f: {  	_ =	swait.ge [sflag:s22], s20  }
0xa0: {  	s5 =	ssub.s32 $0x0, s20;
	[sflag:s22] =	ssyncset.done $0x0  }
0xa1: {  	[sflag:s22] =	ssyncadd.s32 s5;
	_ =	sdelay $0x1  }
0xa2: {  	s23 =	simm.s32 $0x1B8B  }
0xa3: {  	_ =	swait.ge [sflag:s23], $0x1  }
0xa4: {  	[sflag:s23] =	ssyncset.done $0x0  }
0xa5: {  	s25 =	simm.s32 $0x1B8E;
	s24 =	sld [smem:$0x3FFE];
	[sflag:s23] =	ssyncadd.s32 $0xFFFFFFFF  }
0xa6: {  	s26 =	simm.s32 $execute0_lowered;
	[smem:$0x3FD2] =	sst s25  }
0xa7: {  	s6 =	sshll.u32 s26, $0x1;
	_ =	strace $0x80000046;
	[dreg:$0x1] =	wrdreg $0xFFFFFFFF  }
0xa8: {  	s28 =	simm.s32 $_size_execute0_lowered;
	s4 =	sadd.s32 s4, s6;
	[dreg:$0x0] =	wrdreg $0x0  }
0xa9: {  	s6 =	sshll.u32 s28, $0x1;
	[dreg:$0x2] =	wrdreg s4  }
0xaa: {  	[dreg:$0x3] =	wrdreg s6  }
0xab: {  	[dreg:$0x4] =	wrdreg $0xC0  }
0xac: {  	_ =	task [dreg:s8], $0x5FFFF  }
0xad: {  	[dreg:$0x1] =	wrdreg $0xFFFFFFFF  }
0xae: {  	[dreg:$0x0] =	wrdreg $0x60  }
0xaf: {  	[dreg:$0x2] =	wrdreg s2  }
0xb0: {  	[dreg:$0x3] =	wrdreg s18  }
0xb1: {  	[dreg:$0x4] =	wrdreg s24  }
0xb2: {  	[dreg:$0x5] =	wrdreg $0xA2000  }
0xb3: {  	[dreg:$0x6] =	wrdreg $0x9  }
0xb4: {  	_ =	task.clear_ibuf [dreg:s8], $0x7FFFF;
	_ =	strace $0x90000046  }
0xb5: {  	s29 =	simm.s32 $0x9;
	_ =	strace $0x80000048  }
0xb6: {  	_ =	swait.ge [sflag:s29], $0x1  }
0xb7: {  	[sflag:s29] =	ssyncadd.s32 $0xFFFFFFFF  }
0xb8: {  	_ =	strace $0x90000048  }
0xb9: {  	_ =	sfence  }
0xba: {  	s30 =	sld [smem:$0x0];
	_ =	sdelay $0x2  }
0xbb: {  	s31 =	sshll.u32 s1, $0xD;
	s1 =	sshrl.u32 s1, $0x2  }
0xbc: {  	s3 =	sand.u32 $0x4000, s31;
	s1 =	sadd.s32 s1, s30  }
0xbd: {  	s0 =	sor.u32 s3, s0;
	s1 =	sshll.u32 s1, $0x11  }
0xbe: {  	s0 =	sor.u32 s1, s0  }
0xbf: {  	s0 =	sadd.s32 $0x8F2B, s0  }
0xc0: {  	[sflag:s0] =	ssyncadd.remote.s32 $0x1  }
0xc1: {  	_ =	sfence.sel $0xFFFF  }
0xc2: {  	[dreg:$0x0] =	wrdreg $0xFFFFFFFF;
	(pc) =	sbr.abs _section_cstart, $3  }
0xc3: {  	[dreg:$0x1] =	wrdreg $0xFFFFFFFF  }
0xc4: {  	_ =	task.clear_ibuf [dreg:s8], $0x2FFFF;
	_ =	strace $0x9FFFFFFF  }
0xc5: {  	(tm) =	ssettm $0x7FFFFFFF  }
tec
execute0_lowered:
.L_overlay_start_1:
0x0: {  	(tag) =	ssettag $0x1  }
0x1: {  	s21 =	stileid.u32  }
0x2: {  	s0 =	rddreg [dreg:$0x0];
	s4 =	smul.u32 $0x500, s21  }
0x3: {  	s1 =	rddreg [dreg:$0x1];
	s5 =	sor.u32 $0x10, s21;
	s24 =	smul.u32 $0x4E200, s21  }
0x4: {  	s3 =	rddreg [dreg:$0x2];
	s8 =	sor.u32 $0x20, s21;
	s7 =	smul.u32 $0x500, s5  }
0x5: {  	s2 =	rddreg [dreg:$0x3];
	s10 =	sor.u32 $0x30, s21;
	s9 =	smul.u32 $0x500, s8  }
0x6: {  	s6 =	srdreg.scid;
	s14 =	sor.u32 $0x40, s21;
	s12 =	smul.u32 $0x500, s10  }
0x7: {  	s28 =	simm.s32 $0xC;
	s16 =	sor.u32 $0x50, s21;
	s15 =	smul.u32 $0x500, s14  }
0x8: {  	s3 =	sadd.s32 $0xA600, s3;
	s17 =	sor.u32 $0x60, s21;
	s29 =	smul.u32 $0x500, s16  }
0x9: {  	s6 =	sand.u32 $0x1, s6;
	s18 =	sshll.u32 s21, $0x1;
	s19 =	smul.u32 $0x500, s17  }
0xa: {  	s20 =	sor.u32 $0x70, s21;
	p0 =	sgt.u32 s21, $0xC;
	s5 =	smul.u32 $0xA000, s5  }
0xb: {  	s11 =	ssub.s32 $0x2, s6;
	s18 =	sor.u32 s6, s18;
	s8 =	smul.u32 $0xA000, s8  }
0xc: {  	s10 =	smul.u32 $0xA000, s10;
	s13 =	sshrl.u32 s11, $0x1;
	s4 =	sadd.s32 s0, s4  }
0xd: {  	s31 =	smul.u32 $0x138800, s18;
	s11 =	ssub.s32 s11, s13;
	[dreg:$0x5] =	wrdreg s4  }
0xe: {  	s4 =	smul.u32 $0x500, s20;
	s7 =	sadd.s32 s0, s7;
	s30 =	sadd.s32 s0, s9  }
0xf: {  	s22 =	sadd.s32 s0, s12;
	s23 =	sadd.s32 s0, s15;
	[dreg:$0x6] =	wrdreg s7  }
0x10: {  	s25 =	sadd.s32 s0, s29;
	s29 =	smul.u32 $0x27100, s6;
	[dreg:$0x7] =	wrdreg s30  }
0x11: {  	s26 =	sadd.s32 s0, s19;
	s6 =	smul.u32 $0x3E80, s6;
	[dreg:$0x8] =	wrdreg s22  }
0x12: {  	s13 =	simm.s32 $0x0;
	s15 =	smul.u32 $0xA000, s14;
	[dreg:$0x9] =	wrdreg s23  }
0x13: {  	[dreg:$0xa] =	wrdreg s25;
	s30 =	sshrl.u32 s31, $0x3;
	s31 =	smul.u32 $0x7D00, s21  }
0x14: {  	s5 =	sshrl.u32 s5, $0x2;
	[dreg:$0xb] =	wrdreg s26;
	s7 =	smul.u32 $0xA000, s21  }
0x15: {  	s19 =	sshll.u32 s21, $0x6;
	[smem:$0x7FF] =	sst s13;
	s22 =	smul.u32 $0xA000, s16  }
0x16: {  	s9 =	sor.u32 $0x1C0D, s19;
	s5 =	sadd.s32 s5, s2;
	s23 =	smul.u32 $0xA000, s17  }
0x17: {  	s25 =	smul.u32 $0x3E80, s18;
	s26 =	smax.u32 s11, $0x1;
	s0 =	sadd.s32 s0, s4  }
0x18: {  	s21 =	sshrl.u32 s5, $0x3;
	s5 =	simm.s32 $0x100;
	[dreg:$0xc] =	wrdreg s0  }
0x19: {  	s0 =	sadd.s32 s3, s30;
	s3 =	sadd.s32 s24, s3;
	s4 =	sadd.s32 s6, s31  }
0x1a: {  	s6 =	sshrl.u32 s8, $0x2;
	s24 =	smul.u32 $0xA000, s20;
	s8 =	sshrl.u32 s15, $0x2  }
0x1b: {  	s15 =	sshrl.u32 s25, $0x3;
	s12 =	sadd.s32 s29, s3;
	s3 =	sshrl.u32 s7, $0x2  }
0x1c: {  	_ =	strace $0x80000047;
	[dreg:$0xd] =	wrdreg s9;
	s7 =	sshrl.u32 s10, $0x2  }
0x1d: {  	s6 =	sadd.s32 s6, s2;
	s9 =	sshrl.u32 s22, $0x2;
	s8 =	sadd.s32 s8, s2  }
0x1e: {  	s10 =	sshrl.u32 s23, $0x2;
	s16 =	sadd.s32 s1, s15;
	s0 =	sadd.s32 $0x26C00, s0  }
0x1f: {  	[dreg:$0x10] =	wrdreg s26;
	s29 =	sadd.s32 $0x380, s4;
	s30 =	sadd.s32 $0x300, s4  }
0x20: {  	s31 =	sadd.s32 $0x280, s4;
	s19 =	sadd.s32 $0x200, s4;
	[dreg:$0x16] =	wrdreg s21  }
0x21: {  	s4 =	simm.s32 $0x80;
	s21 =	simm.s32 $0x4;
	s15 =	simm.s32 $0xB  }
0x22: {  	s3 =	sadd.s32 s3, s2;
	s7 =	sadd.s32 s7, s2;
	s9 =	sadd.s32 s9, s2  }
0x23: {  	s10 =	sadd.s32 s10, s2;
	s14 =	sshrl.u32 s24, $0x2;
	[dreg:$0xf] =	wrdreg s0  }
0x24: {  	s0 =	sshrl.u32 s29, $0x3;
	s11 =	sshrl.u32 s30, $0x3;
	s18 =	sshrl.u32 s31, $0x3  }
0x25: {  	[dreg:$0x14] =	wrdreg s19;
	s22 =	sshrl.u32 s6, $0x3;
	s24 =	sshrl.u32 s8, $0x3  }
0x26: {  	s29 =	sadd.s32 $0x10, s16;
	s30 =	sadd.s32 $0x20, s16;
	[dreg:$0xe] =	wrdreg s16  }
0x27: {  	s31 =	sadd.s32 $0x30, s16;
	s6 =	simm.s32 $0x180;
	[dreg:$0x17] =	wrdreg s22  }
0x28: {  	s8 =	simm.s32 $0x50;
	s16 =	simm.s32 $0x2;
	[dreg:$0x19] =	wrdreg s24  }
0x29: {  	s19 =	simm.s32 $0x3;
	s14 =	sadd.s32 s14, s2;
	[dreg:$0x1d] =	wrdreg s29  }
0x2a: {  	s0 =	sadd.s32 s0, s1;
	s17 =	sadd.s32 s11, s1;
	[dreg:$0x1e] =	wrdreg s30  }
0x2b: {  	s20 =	sshrl.u32 s3, $0x3;
	s23 =	sshrl.u32 s7, $0x3;
	[dreg:$0x1f] =	wrdreg s31  }
0x2c: {  	s25 =	sshrl.u32 s9, $0x3;
	s26 =	sshrl.u32 s10, $0x3;
	[dreg:$0x11] =	wrdreg s0  }
0x2d: {  	s3 =	simm.s32 $0xD;
	s7 =	simm.s32 $0x1;
	[dreg:$0x12] =	wrdreg s17  }
0x2e: {  	s9 =	simm.s32 $0x200;
	s11 =	simm.s32 $0x5;
	[dreg:$0x15] =	wrdreg s20  }
.Ltmp0:
0x2f: {  	s22 =	simm.s32 $0x7;
	[dreg:$0x18] =	wrdreg s23;
	(pc) =	sbr.rel .LBB2_1-.Ltmp0, $4  }
0x30: {  	s24 =	simm.s32 $0x8;
	s10 =	simm.s32 $0x0;
	[dreg:$0x1a] =	wrdreg s25  }
0x31: {  	s0 =	sadd.s32 s18, s1;
	[dreg:$0x1b] =	wrdreg s26;
	s17 =	simm.s32 $0x2A00  }
0x32: {  	s18 =	simm.s32 $0x6;
	[dreg:$0x13] =	wrdreg s0;
	s0 =	sshrl.u32 @!p0 s14, $0x3  }
0x33: {  	s20 =	simm.s32 $0x5200;
	s23 =	simm.s32 $0x7A00;
	[dreg:$0x1c] =	wrdreg s0  }
.LBB2_4:
0x34: {  	s10 =	simm.s32 $0x9  }
0x35: {  	_ =	swait.ge [sflag:s10], $0x2800  }
0x36: {  	[sflag:s10] =	ssyncset.done $0x0  }
0x37: {  	[sflag:s10] =	ssyncadd.s32 $0xFFFFD800  }
0x38: {  	_ =	swait.ge [sflag:s7], $0x80  }
0x39: {  	[sflag:s7] =	ssyncset.done $0x0  }
0x3a: {  	[sflag:s7] =	ssyncadd.s32 $0xFFFFFF80  }
0x3b: {  	[tilespmem:s9], [sflag:$0x5] =	stream.indirect.gather [spmem:s2], $0x80, s13, s8, $0xb8;
	[tilespmem:$0x1DA80] =	vst v63  }
0x3c: {  	_ =	swait.ge [sflag:s11], $0x2800  }
0x3d: {  	[sflag:s11] =	ssyncset.done $0x0  }
0x3e: {  	s0 =	rddreg [dreg:$0xf];
	[sflag:s11] =	ssyncadd.s32 $0xFFFFD800  }
0x3f: {  	[hbm4b:s0+s13] =	stream.linear.scatter [tilespmem:s9], [sflag:$0x9], $0x2800, $0x38;
	[tilespmem:$0x1DA80] =	vst v63  }
0x40: {  	_ =	swait.ge [sflag:s10], $0x2800  }
0x41: {  	[sflag:s10] =	ssyncset.done $0x0  }
0x42: {  	s29 =	simm.s32 $0xA;
	[sflag:s10] =	ssyncadd.s32 $0xFFFFD800  }
0x43: {  	_ =	swait.ge [sflag:s29], $0x2800  }
0x44: {  	[sflag:s29] =	ssyncset.done $0x0  }
0x45: {  	[sflag:s29] =	ssyncadd.s32 $0xFFFFD800  }
0x46: {  	_ =	swait.ge [sflag:s15], $0x2800  }
0x47: {  	[sflag:s15] =	ssyncset.done $0x0  }
0x48: {  	[sflag:s15] =	ssyncadd.s32 $0xFFFFD800  }
0x49: {  	_ =	swait.ge [sflag:s28], $0x2800  }
0x4a: {  	s30 =	sld [smem:$0x7FD];
	_ =	sdelay $0x2  }
0x4b: {  	s31 =	rddreg [dreg:$0x10];
	s10 =	sadd.s32 $0x1, s30  }
0x4c: {  	p1 =	sne.s32 s10, s31  }
.Ltmp1:
0x4d: {  	_ = 	snop;
	(pc) =	sbr.rel @!p1 .LBB2_5-.Ltmp1, $3  }
0x4e: {  	_ =	sdelay $0x1  }
0x4f: {  	[sflag:s28] =	ssyncset.done $0x0  }
0x50: {  	[sflag:s28] =	ssyncadd.s32 $0xFFFFD800  }
.LBB2_1:
0x51: {  	[smem:$0x7FD] =	sst s10  }
0x52: {  	s0 =	rddreg [dreg:$0x5]  }
0x53: {  	s10 =	rddreg [dreg:$0xd]  }
0x54: {  	s14 =	rddreg [dreg:$0x15]  }
0x55: {  	[spmem:s14], [sflag:s10] =	dma.local [hbm:s0], $0x500  }
0x56: {  	_ =	swait.ge [sflag:s3], $0x500  }
0x57: {  	[sflag:s3] =	ssyncset.done $0x0;
	s14 =	rddreg [dreg:$0x6]  }
0x58: {  	s25 =	rddreg [dreg:$0x16];
	[sflag:s3] =	ssyncadd.s32 $0xFFFFFB00  }
0x59: {  	[spmem:s25], [sflag:s10] =	dma.local [hbm:s14], $0x500  }
0x5a: {  	_ =	swait.ge [sflag:s3], $0x500  }
0x5b: {  	[sflag:s3] =	ssyncset.done $0x0;
	s26 =	rddreg [dreg:$0x7]  }
0x5c: {  	s29 =	rddreg [dreg:$0x17];
	[sflag:s3] =	ssyncadd.s32 $0xFFFFFB00  }
0x5d: {  	[spmem:s29], [sflag:s10] =	dma.local [hbm:s26], $0x500  }
0x5e: {  	_ =	swait.ge [sflag:s3], $0x500  }
0x5f: {  	[sflag:s3] =	ssyncset.done $0x0;
	s14 =	rddreg [dreg:$0x8]  }
0x60: {  	s25 =	rddreg [dreg:$0x18];
	[sflag:s3] =	ssyncadd.s32 $0xFFFFFB00  }
0x61: {  	[spmem:s25], [sflag:s10] =	dma.local [hbm:s14], $0x500  }
0x62: {  	_ =	swait.ge [sflag:s3], $0x500  }
0x63: {  	[sflag:s3] =	ssyncset.done $0x0;
	s26 =	rddreg [dreg:$0x9]  }
0x64: {  	s29 =	rddreg [dreg:$0x19];
	[sflag:s3] =	ssyncadd.s32 $0xFFFFFB00  }
0x65: {  	[spmem:s29], [sflag:s10] =	dma.local [hbm:s26], $0x500  }
0x66: {  	_ =	swait.ge [sflag:s3], $0x500  }
0x67: {  	[sflag:s3] =	ssyncset.done $0x0;
	s14 =	rddreg [dreg:$0xa]  }
0x68: {  	s25 =	rddreg [dreg:$0x1a];
	[sflag:s3] =	ssyncadd.s32 $0xFFFFFB00  }
0x69: {  	[spmem:s25], [sflag:s10] =	dma.local [hbm:s14], $0x500  }
0x6a: {  	_ =	swait.ge [sflag:s3], $0x500  }
0x6b: {  	[sflag:s3] =	ssyncset.done $0x0;
	s26 =	rddreg [dreg:$0xb]  }
0x6c: {  	s29 =	rddreg [dreg:$0x1b];
	[sflag:s3] =	ssyncadd.s32 $0xFFFFFB00  }
0x6d: {  	[spmem:s29], [sflag:s10] =	dma.local [hbm:s26], $0x500  }
0x6e: {  	_ =	swait.ge [sflag:s3], $0x500  }
0x6f: {  	[sflag:s3] =	ssyncset.done $0x0;
	s0 =	rddreg [dreg:$0xc]  }
0x70: {  	s14 =	rddreg [dreg:$0x1c];
	[sflag:s3] =	ssyncadd.s32 $0xFFFFFB00  }
0x71: {  	[spmem:s14], [sflag:s10] =	dma.local @!p0 [hbm:s0], $0x500  }
0x72: {  	s0 =	simm.s32 @!p0 $0xD  }
0x73: {  	_ =	swait.ge @!p0 [sflag:s0], $0x500  }
0x74: {  	[sflag:s0] =	ssyncset.done @!p0 $0x0  }
0x75: {  	[sflag:s0] =	ssyncadd.s32 @!p0 $0xFFFFFB00  }
0x76: {  	[bflag:$0x0] =	sbarrier.arrive $0xFFFF  }
0x77: {  	s14 =	rddreg [dreg:$0xe]  }
0x78: {  	s25 =	rddreg [dreg:$0x1d]  }
0x79: {  	s26 =	rddreg [dreg:$0x1e]  }
0x7a: {  	s29 =	rddreg [dreg:$0x1f]  }
0x7b: {  	s30 =	rddreg [dreg:$0x14]  }
0x7c: {  	[tilespmem:s13], [sflag:$0x1] =	stream.linear.gather [hbm4b:s14+s13], $0x80, $0x38;
	[tilespmem:$0x1DA80] =	vst v63  }
0x7d: {  	s31 =	rddreg [dreg:$0x13]  }
0x7e: {  	[tilespmem:s4], [sflag:$0x2] =	stream.linear.gather [hbm4b:s25+s13], $0x80, $0x38;
	[tilespmem:$0x1DA80] =	vst v63  }
0x7f: {  	s10 =	rddreg [dreg:$0x12]  }
0x80: {  	[tilespmem:s5], [sflag:$0x3] =	stream.linear.gather [hbm4b:s26+s13], $0x80, $0x38;
	[tilespmem:$0x1DA80] =	vst v63  }
0x81: {  	s0 =	rddreg [dreg:$0x11];
	s26 =	simm.s32 $0x0  }
0x82: {  	[tilespmem:s6], [sflag:$0x4] =	stream.linear.gather [hbm4b:s29+s13], $0x80, $0x38;
	[tilespmem:$0x1DA80] =	vst v63  }
.LBB2_2:
0x83: {  	p1 =	seq.s32 s26, $0x0  }
0x84: {  	s14 =	simm.s32 @!p1 $0x9  }
0x85: {  	_ =	swait.ge @!p1 [sflag:s14], $0x2800  }
0x86: {  	[sflag:s14] =	ssyncset.done @!p1 $0x0  }
0x87: {  	[sflag:s14] =	ssyncadd.s32 @!p1 $0xFFFFD800  }
0x88: {  	_ =	swait.ge [sflag:s7], $0x80  }
0x89: {  	[sflag:s7] =	ssyncset.done $0x0  }
0x8a: {  	[sflag:s7] =	ssyncadd.s32 $0xFFFFFF80  }
0x8b: {  	[tilespmem:s9], [sflag:$0x5] =	stream.indirect.gather [spmem:s2], $0x80, s13, s8, $0xb8;
	[tilespmem:$0x1DA80] =	vst v63  }
0x8c: {  	_ =	swait.ge [sflag:s11], $0x2800  }
0x8d: {  	[sflag:s11] =	ssyncset.done $0x0  }
0x8e: {  	s25 =	sadd.s32 s26, s12;
	s29 =	sshrl.u32 s30, $0x3;
	[sflag:s11] =	ssyncadd.s32 $0xFFFFD800  }
0x8f: {  	[hbm4b:s25+s13] =	stream.linear.scatter [tilespmem:s9], [sflag:$0x9], $0x2800, $0x38;
	[tilespmem:$0x1DA80] =	vst v63  }
0x90: {  	s14 =	sadd.s32 s1, s29  }
0x91: {  	[tilespmem:s13], [sflag:$0x1] =	stream.linear.gather [hbm4b:s14+s13], $0x80, $0x38;
	[tilespmem:$0x1DA80] =	vst v63  }
0x92: {  	s14 =	simm.s32 @!p1 $0xA  }
0x93: {  	_ =	swait.ge @!p1 [sflag:s14], $0x2800  }
0x94: {  	[sflag:s14] =	ssyncset.done @!p1 $0x0  }
0x95: {  	[sflag:s14] =	ssyncadd.s32 @!p1 $0xFFFFD800  }
0x96: {  	_ =	swait.ge [sflag:s16], $0x80  }
0x97: {  	[sflag:s16] =	ssyncset.done $0x0  }
0x98: {  	[sflag:s16] =	ssyncadd.s32 $0xFFFFFF80  }
0x99: {  	[tilespmem:s17], [sflag:$0x6] =	stream.indirect.gather [spmem:s2], $0x80, s4, s8, $0xb8;
	[tilespmem:$0x1DA80] =	vst v63  }
0x9a: {  	_ =	swait.ge [sflag:s18], $0x2800  }
0x9b: {  	p1 =	seq.s32 s26, $0x25800;
	[sflag:s18] =	ssyncset.done $0x0  }
0x9c: {  	s29 =	sadd.s32 $0x500, s25;
	p2 =	seq.s32 @!p1 s26, $0x0;
	[sflag:s18] =	ssyncadd.s32 $0xFFFFD800  }
0x9d: {  	[hbm4b:s29+s13] =	stream.linear.scatter [tilespmem:s17], [sflag:$0xA], $0x2800, $0x38;
	[tilespmem:$0x1DA80] =	vst v63  }
0x9e: {  	s14 =	simm.s32 @!p1 $0x0;
	p2 =	por p1, !p2;
	s29 =	simm.s32 @!p1 $0x80  }
0x9f: {  	[tilespmem:s29], [sflag:$0x2] =	stream.linear.gather @!p1 [hbm4b:s31+s14], $0x80, $0x38;
	[tilespmem:$0x1DA80] =	vst v63  }
0xa0: {  	_ =	swait.ge @p2 [sflag:s15], $0x2800  }
0xa1: {  	[sflag:s15] =	ssyncset.done @p2 $0x0  }
0xa2: {  	[sflag:s15] =	ssyncadd.s32 @p2 $0xFFFFD800  }
0xa3: {  	_ =	swait.ge [sflag:s19], $0x80  }
0xa4: {  	[sflag:s19] =	ssyncset.done $0x0  }
0xa5: {  	[sflag:s19] =	ssyncadd.s32 $0xFFFFFF80  }
0xa6: {  	[tilespmem:s20], [sflag:$0x7] =	stream.indirect.gather [spmem:s2], $0x80, s5, s8, $0xb8;
	[tilespmem:$0x1DA80] =	vst v63  }
0xa7: {  	_ =	swait.ge [sflag:s22], $0x2800  }
0xa8: {  	[sflag:s22] =	ssyncset.done $0x0  }
0xa9: {  	s29 =	sadd.s32 $0xA00, s25;
	[sflag:s22] =	ssyncadd.s32 $0xFFFFD800  }
0xaa: {  	[hbm4b:s29+s13] =	stream.linear.scatter [tilespmem:s20], [sflag:$0xB], $0x2800, $0x38;
	[tilespmem:$0x1DA80] =	vst v63  }
0xab: {  	s29 =	simm.s32 @!p1 $0x100  }
0xac: {  	[tilespmem:s29], [sflag:$0x3] =	stream.linear.gather @!p1 [hbm4b:s10+s14], $0x80, $0x38;
	[tilespmem:$0x1DA80] =	vst v63  }
0xad: {  	_ =	swait.ge @p2 [sflag:s28], $0x2800  }
0xae: {  	[sflag:s28] =	ssyncset.done @p2 $0x0  }
0xaf: {  	[sflag:s28] =	ssyncadd.s32 @p2 $0xFFFFD800  }
0xb0: {  	_ =	swait.ge [sflag:s21], $0x80  }
0xb1: {  	[sflag:s21] =	ssyncset.done $0x0  }
0xb2: {  	[sflag:s21] =	ssyncadd.s32 $0xFFFFFF80  }
0xb3: {  	[tilespmem:s23], [sflag:$0x8] =	stream.indirect.gather [spmem:s2], $0x80, s6, s8, $0xb8;
	[tilespmem:$0x1DA80] =	vst v63  }
.Ltmp2:
0xb4: {  	_ = 	snop;
	(pc) =	sbr.rel @p1 .LBB2_4-.Ltmp2, $4  }
0xb5: {  	_ =	swait.ge [sflag:s24], $0x2800  }
0xb6: {  	[sflag:s24] =	ssyncset.done $0x0  }
0xb7: {  	s29 =	sadd.s32 $0xF00, s25;
	[sflag:s24] =	ssyncadd.s32 $0xFFFFD800  }
0xb8: {  	[hbm4b:s29+s13] =	stream.linear.scatter [tilespmem:s23], [sflag:$0xC], $0x2800, $0x38;
	[tilespmem:$0x1DA80] =	vst v63  }
.Ltmp3:
0xb9: {  	(pc) =	sbr.rel .LBB2_2-.Ltmp3, $4  }
0xba: {  	_ = 	snop  }
0xbb: {  	[tilespmem:s6], [sflag:$0x4] =	stream.linear.gather [hbm4b:s0+s13], $0x80, $0x38;
	[tilespmem:$0x1DA80] =	vst v63  }
0xbc: {  	s26 =	sadd.s32 $0x1400, s26;
	s0 =	sadd.s32 $0x40, s0  }
0xbd: {  	s10 =	sadd.s32 $0x40, s10;
	s31 =	sadd.s32 $0x40, s31;
	s30 =	sadd.s32 $0x200, s30  }
.LBB2_5:
0xbe: {  	_ =	sfence.sel $0x180000  }
0xbf: {  	[bflag:$0x0] =	sbarrier.arrive $0xFFFF  }
0xc0: {  	_ =	strace $0x90000047  }
0xc1: {  	s0 =	stileid.u32;
	[bflag:$0x2] =	sbarrier.arrive $0xFFFF  }
0xc2: {  	p0 =	sne.s32 s0, $0x0;
	s0 =	rddreg [dreg:$0x4]  }
0xc3: {  	s0 =	sadd.s32 @!p0 $0x100000, s0  }
0xc4: {  	[sflag:s0] =	ssyncadd.tile.s32 @!p0 $0x1;
	_ =	shalt  }
.Lfunc_end2:
_tile_overlayer_lowered:
.L_overlay_start_2:
0xc5: {  	(tag) =	ssettag $0x2  }
0xc6: {  	s0 =	rddreg [dreg:$0x0];
	s2 =	stileid.u32  }
0xc7: {  	s1 =	rddreg [dreg:$0x1];
	p0 =	sne.s32 s2, $0x0  }
0xc8: {  	s3 =	rddreg [dreg:$0x2];
	[bflag:$0x3] =	sbarrier.arrive $0xFFFF;
	s2 =	simm.s32 @!p0 $0x1C0D  }
0xc9: {  	[timem:s3], [sflag:s2] =	dma.local @!p0 [hbm:s0], s1  }
0xca: {  	s0 =	simm.s32 @!p0 $0xD  }
0xcb: {  	_ =	swait.ge @!p0 [sflag:s0], s1  }
0xcc: {  	s1 =	ssub.s32 @!p0 $0x0, s1;
	[sflag:s0] =	ssyncset.done @!p0 $0x0  }
0xcd: {  	[sflag:s0] =	ssyncadd.s32 @!p0 s1  }
0xce: {  	[bflag:$0x3] =	sbarrier.arrive $0xFFFF  }
0xcf: {  	_ =	shalt  }

// kernel: kernel.9.cloned.1.call-start
scs
__scs_entry_jumppad:
0x0: {  	(pc) =	sbr.rel $0x88, $3  }
0x1: {  	(tag) =	ssettag $0x0;
	lr =	simm.s32 $0x1  }
0x2: {  	[smem:$0x3F99] =	sst lr;
	_ =	strace $0xD0000000  }
0x3: {  	_ = 	snop  }
0x4: {  	_ = 	snop  }
0x5: {  	_ = 	snop  }
0x6: {  	_ = 	snop  }
0x7: {  	_ = 	snop  }
__scs_overlays_trampoline_lowered:
0x8: {  	[smem:$0x3FA8] =	sst s0  }
0x9: {  	[smem:$0x3FA9] =	sst s1  }
0xa: {  	[smem:$0x3FAA] =	sst s2  }
0xb: {  	[smem:$0x3FAB] =	sst s3  }
0xc: {  	[smem:$0x3FAC] =	sst s4  }
0xd: {  	[smem:$0x3FAD] =	sst s5  }
0xe: {  	[smem:$0x3FAE] =	sst s6  }
0xf: {  	[smem:$0x3FAF] =	sst s7  }
0x10: {  	[smem:$0x3FB0] =	sst s8  }
0x11: {  	[smem:$0x3FB1] =	sst s9;
	s0 =	simm.s32 @!p0 $0x0  }
0x12: {  	s1 =	sld [smem:$0x3F97];
	s0 =	simm.s32 @p0 $0x1  }
0x13: {  	[smem:$0x3FB2] =	sst s0;
	s0 =	simm.s32 @!p1 $0x0  }
0x14: {  	s2 =	sld [smem:$0x3F96];
	s0 =	simm.s32 @p1 $0x1  }
0x15: {  	[smem:$0x3FB3] =	sst s0;
	s0 =	simm.s32 @!p2 $0x0  }
0x16: {  	s3 =	sld [smem:$0x3FDB];
	s0 =	simm.s32 @p2 $0x1  }
0x17: {  	s4 =	simm.s32 $0x1BF5;
	[smem:$0x3FB5] =	sst s0  }
0x18: {  	s0 =	sld [smem:$0x3F98];
	_ =	swait.ge [sflag:s4], $0x0  }
0x19: {  	s7 =	sld [smem:$0x3F99]  }
0x1a: {  	s8 =	sadd.s32 $0xFFFFE003, lr  }
0x1b: {  	s9 =	sadd.s32 $0xFFFFFEF7, lr;
	s5 =	simm.s32 $0xFFFFFFFF;
	p2 =	slt.u32 s8, $0xFFFFF086  }
0x1c: {  	p1 =	slt.u32 s9, $0xF7A;
	s5 =	simm.s32 @!p2 $0x0  }
0x1d: {  	s5 =	simm.s32 @p1 $0x1;
	p0 =	seq.s32 s7, s2  }
0x1e: {  	s7 =	smul.u32 @!p0 $0xF7A, s2;
	p2 =	seq.s32 @!p0 s5, $0x0  }
0x1f: {  	s9 =	smul.u32 $0xF7A, s1;
	s8 =	simm.s32 @!p0 $0x1BF5;
	p2 =	por !p2, p0  }
0x20: {  	[sflag:s8] =	ssyncset.s32 @!p0 $0xFFFFF086;
	s6 =	sadd.s32 @!p0 s3, s7;
	s7 =	simm.s32 @!p0 $0x108  }
0x21: {  	s3 =	sadd.s32 s3, s9;
	s6 =	sadd.s32 @!p0 $0x88, s6;
	s7 =	simm.s32 @p2 $0x1082  }
0x22: {  	[simem:s7], [sflag:s8] =	dma.local @!p0 [hbm:s6], $0xF7A  }
0x23: {  	s9 =	sor.u32 $0xD0000000, s2;
	s6 =	simm.s32 $0x108;
	_ =	swait.ge @!p0 [sflag:s8], $0x0  }
0x24: {  	s3 =	sadd.s32 $0x88, s3;
	s6 =	simm.s32 @!p1 $0x1082;
	[sflag:s4] =	ssyncset.s32 $0xFFFFF086  }
0x25: {  	[simem:s6], [sflag:s4] =	dma.local [hbm:s3], $0xF7A  }
0x26: {  	[smem:$0x3F99] =	sst s1;
	(tag) =	ssettag s2;
	_ =	strace s9  }
0x27: {  	s1 =	sld [smem:$0x3FA9]  }
0x28: {  	s2 =	sld [smem:$0x3FAA]  }
0x29: {  	s4 =	sld [smem:$0x3FAC]  }
0x2a: {  	p0 =	seq.s32 s5, $0x0;
	s5 =	sld [smem:$0x3FAD]  }
0x2b: {  	s6 =	sld [smem:$0x3FAE]  }
0x2c: {  	s7 =	sld [smem:$0x3FAF]  }
0x2d: {  	s3 =	simm.s32 $0x108;
	s8 =	sld [smem:$0x3FB0]  }
0x2e: {  	s3 =	simm.s32 @!p0 $0x1082;
	s9 =	sld [smem:$0x3FB1]  }
0x2f: {  	lr =	sadd.s32 s0, s3;
	s0 =	sld [smem:$0x3FA8]  }
0x30: {  	s3 =	sld [smem:$0x3FAB]  }
0x31: {  	[smem:$0x3FB4] =	sst s10  }
0x32: {  	s10 =	sld [smem:$0x3FB2];
	_ =	sdelay $0x3  }
0x33: {  	p0 =	seq.s32 s10, $0x1;
	s10 =	sld [smem:$0x3FB4];
	_ =	sdelay $0x3  }
0x34: {  	[smem:$0x3FB4] =	sst s10  }
0x35: {  	s10 =	sld [smem:$0x3FB3];
	_ =	sdelay $0x3  }
0x36: {  	p1 =	seq.s32 s10, $0x1;
	s10 =	sld [smem:$0x3FB4];
	_ =	sdelay $0x3  }
0x37: {  	[smem:$0x3FB4] =	sst s10  }
0x38: {  	s10 =	sld [smem:$0x3FB5]  }
0x39: {  	_ = 	snop;
	(pc) =	sbr.ind lr, $3  }
0x3a: {  	_ = 	snop  }
0x3b: {  	_ = 	snop  }
0x3c: {  	p2 =	seq.s32 s10, $0x1;
	s10 =	sld [smem:$0x3FB4]  }
0x3d: {  	_ =	shalt  }
0x3e: {  	_ =	shalt  }
0x3f: {  	_ =	shalt  }
0x40: {  	_ =	shalt  }
0x41: {  	_ =	shalt  }
0x42: {  	_ =	shalt  }
0x43: {  	_ =	shalt  }
0x44: {  	_ =	shalt  }
0x45: {  	_ =	shalt  }
0x46: {  	_ =	shalt  }
0x47: {  	_ =	shalt  }
0x48: {  	_ =	shalt  }
0x49: {  	_ =	shalt  }
0x4a: {  	_ =	shalt  }
0x4b: {  	_ =	shalt  }
0x4c: {  	_ =	shalt  }
0x4d: {  	_ =	shalt  }
0x4e: {  	_ =	shalt  }
0x4f: {  	_ =	shalt  }
0x50: {  	_ =	shalt  }
0x51: {  	_ =	shalt  }
0x52: {  	_ =	shalt  }
0x53: {  	_ =	shalt  }
0x54: {  	_ =	shalt  }
0x55: {  	_ =	shalt  }
0x56: {  	_ =	shalt  }
0x57: {  	_ =	shalt  }
0x58: {  	_ =	shalt  }
0x59: {  	_ =	shalt  }
0x5a: {  	_ =	shalt  }
0x5b: {  	_ =	shalt  }
0x5c: {  	_ =	shalt  }
0x5d: {  	_ =	shalt  }
0x5e: {  	_ =	shalt  }
0x5f: {  	_ =	shalt  }
0x60: {  	_ =	shalt  }
0x61: {  	_ =	shalt  }
0x62: {  	_ =	shalt  }
0x63: {  	_ =	shalt  }
0x64: {  	_ =	shalt  }
0x65: {  	_ =	shalt  }
0x66: {  	_ =	shalt  }
0x67: {  	_ =	shalt  }
0x68: {  	_ =	shalt  }
0x69: {  	_ =	shalt  }
0x6a: {  	_ =	shalt  }
0x6b: {  	_ =	shalt  }
0x6c: {  	_ =	shalt  }
0x6d: {  	_ =	shalt  }
0x6e: {  	_ =	shalt  }
0x6f: {  	_ =	shalt  }
0x70: {  	_ =	shalt  }
0x71: {  	_ =	shalt  }
0x72: {  	_ =	shalt  }
0x73: {  	_ =	shalt  }
0x74: {  	_ =	shalt  }
0x75: {  	_ =	shalt  }
0x76: {  	_ =	shalt  }
0x77: {  	_ =	shalt  }
0x78: {  	_ =	shalt  }
0x79: {  	_ =	shalt  }
0x7a: {  	_ =	shalt  }
0x7b: {  	_ =	shalt  }
0x7c: {  	_ =	shalt  }
0x7d: {  	_ =	shalt  }
0x7e: {  	_ =	shalt  }
0x7f: {  	_ =	shalt  }
0x80: {  	_ =	shalt  }
0x81: {  	_ =	shalt  }
0x82: {  	_ =	shalt  }
0x83: {  	_ =	shalt  }
0x84: {  	_ =	shalt  }
0x85: {  	_ =	shalt  }
0x86: {  	_ =	shalt  }
0x87: {  	_ =	shalt  }
.Lfunc_end0:
.L_simem_size_0:
called_computation.1_lowered:
.L_overlay_start_0:
0x88: {  	s2 =	sld [smem:$0x3FD9]  }
0x89: {  	s3 =	sld [smem:$0x3FFE];
	_ =	sdelay $0x1  }
0x8a: {  	s1 =	srdreg.scid  }
0x8b: {  	s0 =	sand.u32 $0x1, s1  }
0x8c: {  	s17 =	sshll.u32 s0, $0xA;
	s2 =	sadd.s32 s3, s2  }
0x8d: {  	s2 =	sadd.s32 s2, s17  }
0x8e: {  	[smem:$0x3FC0] =	sst s2  }
0x8f: {  	_ = 	snop  }
0x90: {  	s2 =	sld [smem:$0x3FD0];
	(tm) =	ssettm $0x1  }
0x91: {  	s18 =	sld [smem:$0x3FFB];
	_ =	sdelay $0x3  }
0x92: {  	_ =	strace s18  }
0x93: {  	s3 =	sld [smem:$0x3FFC];
	_ =	sdelay $0x3  }
0x94: {  	_ =	strace s3  }
0x95: {  	s3 =	sld [smem:$0x3FFD];
	_ =	sdelay $0x3  }
0x96: {  	_ =	strace s3  }
0x97: {  	_ =	strace $0x8FFFFFFF  }
0x98: {  	s19 =	sld [smem:$0x3FDB];
	_ =	sdelay $0x1  }
0x99: {  	s4 =	simm.s32 $_scs_section_size  }
0x9a: {  	s5 =	simm.s32 $_size__tile_overlayer_lowered;
	s6 =	simm.s32 $_tile_overlayer_lowered  }
0x9b: {  	s22 =	simm.s32 $0x1BFF;
	s21 =	sshll.u32 s6, $0x1;
	s3 =	sadd.s32 s4, s19  }
0x9c: {  	s7 =	simm.s32 $0x0;
	s20 =	sshll.u32 s5, $0x1;
	s5 =	sadd.s32 s21, s3  }
0x9d: {  	[timem:s7], [sflag:s22] =	dma.local [hbm:s5], s20  }
0x9e: {  	_ =	swait.ge [sflag:s22], s20  }
0x9f: {  	s4 =	ssub.s32 $0x0, s20;
	[sflag:s22] =	ssyncset.done $0x0  }
0xa0: {  	[sflag:s22] =	ssyncadd.s32 s4;
	_ =	sdelay $0x1  }
0xa1: {  	s23 =	simm.s32 $0x1B8B  }
0xa2: {  	_ =	swait.ge [sflag:s23], $0x1  }
0xa3: {  	[sflag:s23] =	ssyncset.done $0x0  }
0xa4: {  	s25 =	simm.s32 $0x1B8E;
	s24 =	sld [smem:$0x3FFE];
	[sflag:s23] =	ssyncadd.s32 $0xFFFFFFFF  }
0xa5: {  	s26 =	simm.s32 $execute0_lowered;
	[smem:$0x3FD2] =	sst s25  }
0xa6: {  	s5 =	sshll.u32 s26, $0x1;
	_ =	strace $0x80000049;
	[dreg:$0x1] =	wrdreg $0xFFFFFFFF  }
0xa7: {  	s28 =	simm.s32 $_size_execute0_lowered;
	s3 =	sadd.s32 s3, s5;
	[dreg:$0x0] =	wrdreg $0x0  }
0xa8: {  	s5 =	sshll.u32 s28, $0x1;
	[dreg:$0x2] =	wrdreg s3  }
0xa9: {  	[dreg:$0x3] =	wrdreg s5  }
0xaa: {  	[dreg:$0x4] =	wrdreg $0xC0  }
0xab: {  	_ =	task [dreg:s7], $0x5FFFF  }
0xac: {  	[dreg:$0x1] =	wrdreg $0xFFFFFFFF  }
0xad: {  	[dreg:$0x0] =	wrdreg $0x60  }
0xae: {  	[dreg:$0x2] =	wrdreg s24  }
0xaf: {  	[dreg:$0x3] =	wrdreg s2  }
0xb0: {  	[dreg:$0x4] =	wrdreg $0xAC000  }
0xb1: {  	[dreg:$0x5] =	wrdreg $0x1E4800  }
0xb2: {  	[dreg:$0x6] =	wrdreg $0x9  }
0xb3: {  	_ =	task.clear_ibuf [dreg:s7], $0x7FFFF;
	_ =	strace $0x90000049  }
0xb4: {  	s29 =	simm.s32 $0x9;
	_ =	strace $0x8000004B  }
0xb5: {  	_ =	swait.ge [sflag:s29], $0x1  }
0xb6: {  	[sflag:s29] =	ssyncadd.s32 $0xFFFFFFFF  }
0xb7: {  	_ =	strace $0x9000004B  }
0xb8: {  	_ =	sfence  }
0xb9: {  	s30 =	sld [smem:$0x0];
	_ =	sdelay $0x2  }
0xba: {  	s31 =	sshll.u32 s1, $0xD;
	s1 =	sshrl.u32 s1, $0x2  }
0xbb: {  	s3 =	sand.u32 $0x4000, s31;
	s1 =	sadd.s32 s1, s30  }
0xbc: {  	s0 =	sor.u32 s3, s0;
	s1 =	sshll.u32 s1, $0x11  }
0xbd: {  	s0 =	sor.u32 s1, s0  }
0xbe: {  	s0 =	sadd.s32 $0x8F2B, s0  }
0xbf: {  	[sflag:s0] =	ssyncadd.remote.s32 $0x1  }
0xc0: {  	_ =	sfence.sel $0xFFFF  }
0xc1: {  	[dreg:$0x0] =	wrdreg $0xFFFFFFFF;
	(pc) =	sbr.abs _section_cstart, $3  }
0xc2: {  	[dreg:$0x1] =	wrdreg $0xFFFFFFFF  }
0xc3: {  	_ =	task.clear_ibuf [dreg:s7], $0x2FFFF;
	_ =	strace $0x9FFFFFFF  }
0xc4: {  	(tm) =	ssettm $0x7FFFFFFF  }
0xc5: {  	_ =	shalt  }
tec
execute0_lowered:
.L_overlay_start_1:
0x0: {  	(tag) =	ssettag $0x1  }
0x1: {  	s3 =	rddreg [dreg:$0x0];
	s0 =	srdreg.scid  }
0x2: {  	s21 =	rddreg [dreg:$0x1];
	s20 =	stileid.u32;
	s2 =	simm.s32 $0x0  }
0x3: {  	s28 =	simm.s32 $0xF;
	s5 =	sor.u32 $0x10, s20;
	s7 =	smul.u32 $0x2800, s20  }
0x4: {  	s29 =	simm.s32 $0x400;
	s8 =	sand.u32 $0x1, s0;
	s4 =	smul.u32 $0xA000, s5  }
0x5: {  	s31 =	simm.s32 $0x80;
	s10 =	sadd.s32 $0x9DEA00, s3;
	s11 =	smul.u32 $0x138800, s8  }
0x6: {  	s22 =	sshll.u32 s20, $0x1;
	s13 =	sor.u32 $0x20, s20;
	s5 =	smul.u32 $0x2800, s5  }
0x7: {  	s15 =	sor.u32 $0x30, s20;
	s16 =	sor.u32 $0x40, s20;
	s14 =	smul.u32 $0x2800, s13  }
0x8: {  	s9 =	sor.u32 $0x50, s20;
	s6 =	sor.u32 $0x60, s20;
	s24 =	smul.u32 $0x2800, s15  }
0x9: {  	[smem:$0x7FF] =	sst s2;
	p0 =	sgt.u32 s20, $0xC;
	s26 =	smul.u32 $0x2800, s16  }
0xa: {  	s0 =	ssub.s32 $0x2, s8;
	s19 =	smul.u32 $0x2800, s9;
	p2 =	sne.s32 @!p0 s20, $0x0  }
0xb: {  	s13 =	smul.u32 $0xA000, s13;
	s1 =	sshrl.u32 s0, $0x1;
	p1 =	por p2, p0  }
0xc: {  	p2 =	por !p2, p0;
	s0 =	ssub.s32 s0, s1;
	s1 =	sor.u32 s8, s22  }
0xd: {  	s12 =	sadd.s32 s7, s11;
	s7 =	sor.u32 $0x70, s20;
	s5 =	sadd.s32 s11, s5  }
0xe: {  	s23 =	sadd.s32 s11, s14;
	s18 =	sadd.s32 s11, s24;
	s14 =	sadd.s32 s11, s19  }
0xf: {  	s4 =	sshrl.u32 s4, $0x2;
	s12 =	sshrl.u32 s12, $0x3;
	s17 =	smul.u32 $0x27100, s1  }
0x10: {  	s5 =	sshrl.u32 s5, $0x3;
	s25 =	sshrl.u32 s23, $0x3;
	s19 =	smul.u32 $0x2800, s7  }
0x11: {  	s23 =	sshrl.u32 s14, $0x3;
	s14 =	rddreg [dreg:$0x3];
	s12 =	sadd.s32 s10, s12  }
0x12: {  	s0 =	smax.u32 s0, $0x1;
	s5 =	sadd.s32 s10, s5;
	[dreg:$0x5] =	wrdreg s12  }
0x13: {  	[dreg:$0x6] =	wrdreg s5;
	s5 =	sadd.s32 s10, s25;
	s12 =	sadd.s32 s11, s26  }
0x14: {  	s25 =	smul.u32 $0x7D00, s20;
	[dreg:$0x7] =	wrdreg s5;
	s5 =	sshrl.u32 s18, $0x3  }
0x15: {  	s26 =	smul.u32 $0x3E80, s8;
	s12 =	sshrl.u32 s12, $0x3;
	s5 =	sadd.s32 s10, s5  }
0x16: {  	s18 =	smul.u32 $0x2800, s6;
	s22 =	sadd.s32 s10, s12;
	[dreg:$0x8] =	wrdreg s5  }
0x17: {  	[dreg:$0x9] =	wrdreg s22;
	s5 =	sadd.s32 s10, s23;
	s23 =	smul.u32 $0x138800, s1  }
0x18: {  	s24 =	sadd.s32 s11, s18;
	s11 =	sadd.s32 s11, s19;
	s1 =	smul.u32 $0x3E80, s1  }
0x19: {  	[dreg:$0xa] =	wrdreg s5;
	s5 =	sadd.s32 s26, s25;
	s25 =	smul.u32 $0x4F0, s8  }
0x1a: {  	s22 =	sadd.s32 $0xEC0000, s3;
	s12 =	sshrl.u32 s24, $0x3;
	s26 =	smul.u32 $0x4E200, s20  }
0x1b: {  	s11 =	sshrl.u32 s11, $0x3;
	s24 =	sadd.s32 s22, s17;
	s8 =	smul.u32 $0x27100, s8  }
0x1c: {  	s12 =	sadd.s32 s10, s12;
	s19 =	sadd.s32 s10, s11;
	[dreg:$0xd] =	wrdreg s24  }
0x1d: {  	s11 =	sshrl.u32 s23, $0x3;
	s23 =	smul.u32 $0xA000, s16;
	[dreg:$0xb] =	wrdreg s12  }
0x1e: {  	s18 =	sadd.s32 $0x9CE600, s3;
	s24 =	smul.u32 $0xA000, s9;
	[dreg:$0xc] =	wrdreg s19  }
0x1f: {  	s1 =	sshrl.u32 s1, $0x3;
	s12 =	rddreg [dreg:$0x2];
	s11 =	sadd.s32 s22, s11  }
0x20: {  	s10 =	sadd.s32 s26, s22;
	s19 =	smul.u32 $0xA000, s20;
	s17 =	sadd.s32 s25, s3  }
0x21: {  	s22 =	smul.u32 $0xA000, s15;
	_ =	strace $0x8000004A;
	[smem:$0x7F1] =	sst s0  }
0x22: {  	s25 =	sshrl.u32 s13, $0x2;
	s4 =	sadd.s32 s4, s12;
	[dreg:$0xe] =	wrdreg s18  }
0x23: {  	s13 =	sadd.s32 $0x10, s1;
	s9 =	sadd.s32 s25, s12;
	[dreg:$0x10] =	wrdreg s4  }
0x24: {  	s15 =	sadd.s32 $0x20, s1;
	s16 =	sadd.s32 s18, s13;
	[dreg:$0x11] =	wrdreg s9  }
0x25: {  	s8 =	sadd.s32 s8, s10;
	s25 =	sadd.s32 $0x500, s11;
	[dreg:$0x17] =	wrdreg s16  }
0x26: {  	s10 =	sshrl.u32 s19, $0x2;
	s19 =	sadd.s32 s18, s15;
	[dreg:$0x1d] =	wrdreg s25  }
0x27: {  	s3 =	sshrl.u32 s22, $0x2;
	s22 =	sadd.s32 s21, s15;
	[dreg:$0x19] =	wrdreg s19  }
0x28: {  	s9 =	sshrl.u32 s23, $0x2;
	s23 =	sadd.s32 s18, s1;
	[dreg:$0x1a] =	wrdreg s22  }
0x29: {  	s4 =	sshrl.u32 s24, $0x2;
	s24 =	sadd.s32 s21, s1;
	[dreg:$0x1b] =	wrdreg s23  }
0x2a: {  	s6 =	smul.u32 $0xA000, s6;
	s16 =	sadd.s32 $0x200, s5;
	[dreg:$0x1c] =	wrdreg s24  }
0x2b: {  	s26 =	smul.u32 $0xA000, s7;
	s25 =	sadd.s32 $0x1770, s14;
	[smem:$0x7F5] =	sst s16  }
0x2c: {  	s20 =	simm.s32 $0xD;
	s3 =	sadd.s32 s3, s12;
	[smem:$0x7FC] =	sst s25  }
0x2d: {  	s1 =	sadd.s32 $0x30, s1;
	s7 =	sadd.s32 s9, s12;
	[dreg:$0x12] =	wrdreg s3  }
0x2e: {  	s30 =	sadd.s32 s10, s12;
	s4 =	sadd.s32 s4, s12;
	[dreg:$0x13] =	wrdreg s7  }
0x2f: {  	s10 =	sshrl.u32 s6, $0x2;
	s6 =	sadd.s32 s18, s1;
	[dreg:$0x14] =	wrdreg s4  }
0x30: {  	s1 =	sadd.s32 s21, s1;
	s9 =	sadd.s32 $0x280, s5;
	[smem:$0x7EE] =	sst s6  }
0x31: {  	s23 =	sadd.s32 $0x7D0, s14;
	s24 =	sadd.s32 $0xFA0, s14;
	[smem:$0x7EF] =	sst s1  }
0x32: {  	s16 =	simm.s32 $0x1;
	s25 =	simm.s32 $0xC;
	[smem:$0x7FA] =	sst s23  }
0x33: {  	s4 =	sadd.s32 s10, s12;
	s3 =	sshrl.u32 s26, $0x2;
	[smem:$0x7FB] =	sst s24  }
0x34: {  	s26 =	sadd.s32 $0xA00, s11;
	s7 =	sadd.s32 $0x9DE000, s17;
	[dreg:$0xf] =	wrdreg s30  }
0x35: {  	s10 =	sadd.s32 $0x1400, s8;
	s0 =	sshrl.u32 s9, $0x3;
	[dreg:$0x15] =	wrdreg s4  }
0x36: {  	s17 =	sadd.s32 $0x380, s5;
	s23 =	simm.s32 $0xA;
	[dreg:$0x1e] =	wrdreg s26  }
0x37: {  	s6 =	simm.s32 $0x3;
	s8 =	simm.s32 $0x0;
	[smem:$0x7F0] =	sst s7  }
0x38: {  	s3 =	sadd.s32 s3, s12;
	s4 =	sadd.s32 $0xF00, s11;
	[smem:$0x7F2] =	sst s10  }
0x39: {  	s11 =	sadd.s32 $0x300, s5;
	s22 =	sshrl.u32 s17, $0x3;
	s26 =	sadd.s32 $0x1F40, s14  }
0x3a: {  	s17 =	simm.s32 $0x5;
	s7 =	simm.s32 $0x7;
	[dreg:$0x16] =	wrdreg s3  }
0x3b: {  	s3 =	sadd.s32 s21, s13;
	[dreg:$0x1f] =	wrdreg s4;
	s13 =	sadd.s32 s0, s21  }
0x3c: {  	s0 =	sadd.s32 s0, s18;
	s15 =	sshrl.u32 s11, $0x3;
	[smem:$0x7FD] =	sst s26  }
0x3d: {  	s1 =	sadd.s32 s22, s21;
	s4 =	simm.s32 $0x100;
	[dreg:$0x18] =	wrdreg s3  }
0x3e: {  	s11 =	simm.s32 $0xB;
	s26 =	simm.s32 $0x10;
	[smem:$0x7F3] =	sst s13  }
.Ltmp0:
0x3f: {  	[smem:$0x7F4] =	sst s0;
	s19 =	sadd.s32 s15, s21;
	(pc) =	sbr.rel .LBB2_1-.Ltmp0, $4  }
0x40: {  	s0 =	sadd.s32 s15, s18;
	[smem:$0x7F8] =	sst s1;
	s13 =	simm.s32 $0x200  }
0x41: {  	s1 =	simm.s32 $0xE;
	s3 =	simm.s32 $0x4;
	[smem:$0x7F6] =	sst s19  }
0x42: {  	s15 =	simm.s32 $0x8;
	[smem:$0x7F7] =	sst s0;
	s0 =	sadd.s32 s22, s18  }
0x43: {  	v0 =	vimm.f32 $0.0e+00;
	s18 =	simm.s32 $0x9;
	s19 =	simm.s32 $0x50;
	[smem:$0x7F9] =	sst s0  }
.LBB2_8:
0x44: {  	_ =	swait.ge [sflag:s16], $0x80  }
0x45: {  	[sflag:s16] =	ssyncset.done $0x0  }
0x46: {  	[sflag:s16] =	ssyncadd.s32 $0xFFFFFF80  }
0x47: {  	_ =	swait.ge [sflag:s17], $0x2800  }
0x48: {  	[sflag:s17] =	ssyncset.done $0x0  }
0x49: {  	[sflag:s17] =	ssyncadd.s32 $0xFFFFD800  }
0x4a: {  	_ =	swait.ge [sflag:s18], $0x80  }
0x4b: {  	[sflag:s18] =	ssyncset.done $0x0  }
0x4c: {  	[sflag:s18] =	ssyncadd.s32 $0xFFFFFF80  }
0x4d: {  	[spmem:s12] =	stream.indirect.scatter.add.f32 [tilespmem:s29], [sflag:$0xD], $0x80, s2, s19, $0xb8;
	[tilespmem:$0x1E6F8] =	vst v63  }
0x4e: {  	_ = 	snop  }
0x4f: {  	[spmem:s14] =	stream.indirect.scatter.add.f32 [tilespmem:s13], [sflag:$0xD], $0x1, s2, s19, $0xb8;
	[tilespmem:$0x1E6F8] =	vst v63  }
0x50: {  	_ =	swait.ge [sflag:s20], $0x2800  }
0x51: {  	[sflag:s20] =	ssyncset.done $0x0  }
0x52: {  	[sflag:s20] =	ssyncadd.s32 $0xFFFFD800  }
0x53: {  	_ =	swait.ge [sflag:s20], $0x50  }
0x54: {  	[sflag:s20] =	ssyncset.done $0x0  }
0x55: {  	[sflag:s20] =	ssyncadd.s32 $0xFFFFFFB0  }
0x56: {  	[bflag:$0x0] =	sbarrier.arrive $0xFFFF  }
0x57: {  	s10 =	stileid.u32;
	s9 =	sld [smem:$0x7F0]  }
0x58: {  	s0 =	sshll.u32 @p3 s10, $0x6  }
0x59: {  	s5 =	sshrl.u32 @p3 s14, $0x3;
	s0 =	sor.u32 @p3 $0x1C11, s0  }
0x5a: {  	[hbm:s9], [sflag:s0] =	dma.local @p3 [spmem:s5], $0x4F0  }
0x5b: {  	s0 =	simm.s32 @p3 $0x11  }
0x5c: {  	_ =	swait.ge @p3 [sflag:s0], $0x4F0  }
0x5d: {  	s24 =	simm.s32 $0x11;
	s30 =	rddreg [dreg:$0xf]  }
0x5e: {  	s8 =	sshll.u32 s10, $0x6;
	[sflag:s0] =	ssyncset.done @p3 $0x0;
	s21 =	rddreg [dreg:$0x5]  }
0x5f: {  	[sflag:s0] =	ssyncadd.s32 @p3 $0xFFFFFB10;
	s0 =	sor.u32 $0x1C11, s8;
	s10 =	sshrl.u32 s30, $0x3  }
0x60: {  	[hbm:s21], [sflag:s0] =	dma.local [spmem:s10], $0x500  }
0x61: {  	_ =	swait.ge [sflag:s24], $0x500  }
0x62: {  	[sflag:s24] =	ssyncset.done $0x0;
	s22 =	rddreg [dreg:$0x10]  }
0x63: {  	s8 =	rddreg [dreg:$0x6];
	[sflag:s24] =	ssyncadd.s32 $0xFFFFFB00;
	s5 =	sshrl.u32 s22, $0x3  }
0x64: {  	[hbm:s8], [sflag:s0] =	dma.local [spmem:s5], $0x500  }
0x65: {  	_ =	swait.ge [sflag:s24], $0x500  }
0x66: {  	[sflag:s24] =	ssyncset.done $0x0;
	s10 =	rddreg [dreg:$0x11]  }
0x67: {  	s21 =	rddreg [dreg:$0x7];
	[sflag:s24] =	ssyncadd.s32 $0xFFFFFB00;
	s5 =	sshrl.u32 s10, $0x3  }
0x68: {  	[hbm:s21], [sflag:s0] =	dma.local [spmem:s5], $0x500  }
0x69: {  	_ =	swait.ge [sflag:s24], $0x500  }
0x6a: {  	[sflag:s24] =	ssyncset.done $0x0;
	s22 =	rddreg [dreg:$0x12]  }
0x6b: {  	s8 =	rddreg [dreg:$0x8];
	[sflag:s24] =	ssyncadd.s32 $0xFFFFFB00;
	s5 =	sshrl.u32 s22, $0x3  }
0x6c: {  	[hbm:s8], [sflag:s0] =	dma.local [spmem:s5], $0x500  }
0x6d: {  	_ =	swait.ge [sflag:s24], $0x500  }
0x6e: {  	[sflag:s24] =	ssyncset.done $0x0;
	s10 =	rddreg [dreg:$0x13]  }
0x6f: {  	s21 =	rddreg [dreg:$0x9];
	[sflag:s24] =	ssyncadd.s32 $0xFFFFFB00;
	s5 =	sshrl.u32 s10, $0x3  }
0x70: {  	[hbm:s21], [sflag:s0] =	dma.local [spmem:s5], $0x500  }
0x71: {  	_ =	swait.ge [sflag:s24], $0x500  }
0x72: {  	[sflag:s24] =	ssyncset.done $0x0;
	s22 =	rddreg [dreg:$0x14]  }
0x73: {  	s8 =	rddreg [dreg:$0xa];
	[sflag:s24] =	ssyncadd.s32 $0xFFFFFB00;
	s5 =	sshrl.u32 s22, $0x3  }
0x74: {  	[hbm:s8], [sflag:s0] =	dma.local [spmem:s5], $0x500  }
0x75: {  	_ =	swait.ge [sflag:s24], $0x500  }
0x76: {  	[sflag:s24] =	ssyncset.done $0x0;
	s21 =	rddreg [dreg:$0x15]  }
0x77: {  	s22 =	rddreg [dreg:$0xb];
	[sflag:s24] =	ssyncadd.s32 $0xFFFFFB00;
	s5 =	sshrl.u32 s21, $0x3  }
0x78: {  	[hbm:s22], [sflag:s0] =	dma.local [spmem:s5], $0x500  }
0x79: {  	_ =	swait.ge [sflag:s24], $0x500  }
0x7a: {  	[sflag:s24] =	ssyncset.done $0x0;
	s5 =	rddreg [dreg:$0x16]  }
0x7b: {  	s10 =	rddreg [dreg:$0xc];
	[sflag:s24] =	ssyncadd.s32 $0xFFFFFB00;
	s5 =	sshrl.u32 @!p0 s5, $0x3  }
0x7c: {  	[hbm:s10], [sflag:s0] =	dma.local @!p0 [spmem:s5], $0x500  }
0x7d: {  	s0 =	simm.s32 @!p0 $0x11  }
0x7e: {  	_ =	swait.ge @!p0 [sflag:s0], $0x500  }
0x7f: {  	s8 =	sld [smem:$0x7ED]  }
0x80: {  	s24 =	sld [smem:$0x7F1];
	_ =	sdelay $0x1  }
0x81: {  	s8 =	sadd.s32 $0x1, s8  }
0x82: {  	p3 =	sne.s32 s8, s24  }
.Ltmp1:
0x83: {  	_ = 	snop;
	(pc) =	sbr.rel @!p3 .LBB2_9-.Ltmp1, $3  }
0x84: {  	_ =	sdelay $0x1  }
0x85: {  	[sflag:s0] =	ssyncset.done @!p0 $0x0  }
0x86: {  	s9 =	stileid.u32;
	[sflag:s0] =	ssyncadd.s32 @!p0 $0xFFFFFB00  }
.LBB2_1:
0x87: {  	s0 =	simm.s32 $0x0;
	s9 =	simm.s32 $0x0  }
.LBB2_2:
0x88: {  	p3 =	sne.s32 s9, $0x9FC0  }
.Ltmp2:
0x89: {  	_ = 	snop;
	(pc) =	sbr.rel @p3 .LBB2_2-.Ltmp2, $4  }
0x8a: {  	s10 =	sand.u32 $0xFE00, s9  }
0x8b: {  	s24 =	sand.u32 $0x70, s0;
	s10 =	sshrl.u32 s10, $0x2  }
0x8c: {  	s10 =	sor.u32 s24, s10  }
0x8d: {  	s0 =	sadd.s32 $0x10, s0;
	s9 =	sadd.s32 $0x40, s9;
	[tilespmem:s10+$0x400] =	vst v0  }
0x8e: {  	[smem:$0x7ED] =	sst s8;
	s0 =	simm.s32 $0x40;
	s9 =	simm.s32 $0x0  }
.LBB2_4:
0x8f: {  	p3 =	sne.s32 s0, $0x1F00;
	[tilespmem:s9+$0xA400] =	vst v0;
	s9 =	smov.u32 s0;
	s0 =	sadd.s32 $0x40, s0  }
.Ltmp3:
0x90: {  	(pc) =	sbr.rel @p3 .LBB2_4-.Ltmp3, $2  }
0x91: {  	_ =	sdelay $0x2  }
0x92: {  	s9 =	sshra.s32 s9, $0x2  }
0x93: {  	[tilespmem:s9+$0xA400] =	vst v0;
	s8 =	simm.s32 $0x400;
	s5 =	simm.s32 $0x11  }
0x94: {  	[spmem:s30] =	stream.linear.scatter [tilespmem:s8], [sflag:$0x11], $0x2800, $0x38;
	[tilespmem:$0x1E6F8] =	vst v63  }
0x95: {  	_ =	swait.ge [sflag:s5], $0x2800  }
0x96: {  	[sflag:s5] =	ssyncset.done $0x0  }
0x97: {  	s0 =	rddreg [dreg:$0x10];
	[sflag:s5] =	ssyncadd.s32 $0xFFFFD800  }
0x98: {  	[spmem:s0] =	stream.linear.scatter [tilespmem:s8], [sflag:$0x11], $0x2800, $0x38;
	[tilespmem:$0x1E6F8] =	vst v63  }
0x99: {  	_ =	swait.ge [sflag:s5], $0x2800  }
0x9a: {  	[sflag:s5] =	ssyncset.done $0x0  }
0x9b: {  	s9 =	rddreg [dreg:$0x11];
	[sflag:s5] =	ssyncadd.s32 $0xFFFFD800  }
0x9c: {  	[spmem:s9] =	stream.linear.scatter [tilespmem:s8], [sflag:$0x11], $0x2800, $0x38;
	[tilespmem:$0x1E6F8] =	vst v63  }
0x9d: {  	_ =	swait.ge [sflag:s5], $0x2800  }
0x9e: {  	[sflag:s5] =	ssyncset.done $0x0  }
0x9f: {  	s10 =	rddreg [dreg:$0x12];
	[sflag:s5] =	ssyncadd.s32 $0xFFFFD800  }
0xa0: {  	[spmem:s10] =	stream.linear.scatter [tilespmem:s8], [sflag:$0x11], $0x2800, $0x38;
	[tilespmem:$0x1E6F8] =	vst v63  }
0xa1: {  	_ =	swait.ge [sflag:s5], $0x2800  }
0xa2: {  	[sflag:s5] =	ssyncset.done $0x0  }
0xa3: {  	s21 =	rddreg [dreg:$0x13];
	[sflag:s5] =	ssyncadd.s32 $0xFFFFD800  }
0xa4: {  	[spmem:s21] =	stream.linear.scatter [tilespmem:s8], [sflag:$0x11], $0x2800, $0x38;
	[tilespmem:$0x1E6F8] =	vst v63  }
0xa5: {  	_ =	swait.ge [sflag:s5], $0x2800  }
0xa6: {  	[sflag:s5] =	ssyncset.done $0x0  }
0xa7: {  	s22 =	rddreg [dreg:$0x14];
	[sflag:s5] =	ssyncadd.s32 $0xFFFFD800  }
0xa8: {  	[spmem:s22] =	stream.linear.scatter [tilespmem:s8], [sflag:$0x11], $0x2800, $0x38;
	[tilespmem:$0x1E6F8] =	vst v63  }
0xa9: {  	_ =	swait.ge [sflag:s5], $0x2800  }
0xaa: {  	[sflag:s5] =	ssyncset.done $0x0  }
0xab: {  	s24 =	rddreg [dreg:$0x15];
	[sflag:s5] =	ssyncadd.s32 $0xFFFFD800  }
0xac: {  	[spmem:s24] =	stream.linear.scatter [tilespmem:s8], [sflag:$0x11], $0x2800, $0x38;
	[tilespmem:$0x1E6F8] =	vst v63  }
0xad: {  	_ =	swait.ge [sflag:s5], $0x2800  }
0xae: {  	[sflag:s5] =	ssyncset.done $0x0  }
0xaf: {  	s0 =	simm.s32 @!p0 $0x400;
	[sflag:s5] =	ssyncadd.s32 $0xFFFFD800;
	s5 =	rddreg [dreg:$0x16]  }
0xb0: {  	[spmem:s5] =	stream.linear.scatter @!p0 [tilespmem:s0], [sflag:$0x11], $0x2800, $0x38;
	[tilespmem:$0x1E6F8] =	vst v63  }
0xb1: {  	s0 =	simm.s32 @!p0 $0x11  }
0xb2: {  	_ =	swait.ge @!p0 [sflag:s0], $0x2800  }
0xb3: {  	[sflag:s0] =	ssyncset.done @!p0 $0x0  }
0xb4: {  	s9 =	simm.s32 @!p1 $0x11;
	[sflag:s0] =	ssyncadd.s32 @!p0 $0xFFFFD800;
	s0 =	simm.s32 @!p1 $0xA400  }
0xb5: {  	[spmem:s14] =	stream.linear.scatter @!p1 [tilespmem:s0], [sflag:$0x11], $0x7D0, $0x38;
	[tilespmem:$0x1E6F8] =	vst v63  }
0xb6: {  	_ =	swait.ge @!p1 [sflag:s9], $0x7D0  }
0xb7: {  	s5 =	sld [smem:$0x7FA]  }
0xb8: {  	[sflag:s9] =	ssyncset.done @!p1 $0x0  }
0xb9: {  	[sflag:s9] =	ssyncadd.s32 @!p1 $0xFFFFF830  }
0xba: {  	[spmem:s5] =	stream.linear.scatter @!p1 [tilespmem:s0], [sflag:$0x11], $0x7D0, $0x38;
	[tilespmem:$0x1E6F8] =	vst v63  }
0xbb: {  	_ =	swait.ge @!p1 [sflag:s9], $0x7D0  }
0xbc: {  	s5 =	sld [smem:$0x7FB]  }
0xbd: {  	[sflag:s9] =	ssyncset.done @!p1 $0x0  }
0xbe: {  	[sflag:s9] =	ssyncadd.s32 @!p1 $0xFFFFF830  }
0xbf: {  	[spmem:s5] =	stream.linear.scatter @!p1 [tilespmem:s0], [sflag:$0x11], $0x7D0, $0x38;
	[tilespmem:$0x1E6F8] =	vst v63  }
0xc0: {  	_ =	swait.ge @!p1 [sflag:s9], $0x7D0  }
0xc1: {  	s5 =	sld [smem:$0x7FC]  }
0xc2: {  	[sflag:s9] =	ssyncset.done @!p1 $0x0  }
0xc3: {  	[sflag:s9] =	ssyncadd.s32 @!p1 $0xFFFFF830  }
0xc4: {  	[spmem:s5] =	stream.linear.scatter @!p1 [tilespmem:s0], [sflag:$0x11], $0x7D0, $0x38;
	[tilespmem:$0x1E6F8] =	vst v63  }
0xc5: {  	_ =	swait.ge @!p1 [sflag:s9], $0x7D0  }
0xc6: {  	s5 =	sld [smem:$0x7FD]  }
0xc7: {  	[sflag:s9] =	ssyncset.done @!p1 $0x0  }
0xc8: {  	[sflag:s9] =	ssyncadd.s32 @!p1 $0xFFFFF830  }
0xc9: {  	[spmem:s5] =	stream.linear.scatter @!p1 [tilespmem:s0], [sflag:$0x11], $0x7D0, $0x38;
	[tilespmem:$0x1E6F8] =	vst v63  }
0xca: {  	_ =	swait.ge @!p1 [sflag:s9], $0x7D0  }
0xcb: {  	[sflag:s9] =	ssyncset.done @!p1 $0x0  }
0xcc: {  	[sflag:s9] =	ssyncadd.s32 @!p1 $0xFFFFF830  }
0xcd: {  	[bflag:$0x0] =	sbarrier.arrive $0xFFFF  }
0xce: {  	s30 =	rddreg [dreg:$0x1b]  }
0xcf: {  	s5 =	rddreg [dreg:$0xd]  }
0xd0: {  	s9 =	simm.s32 $0x0;
	s10 =	rddreg [dreg:$0x1c]  }
0xd1: {  	[tilespmem:s9], [sflag:$0x1] =	stream.linear.gather [hbm4b:s30+s9], $0x80, $0x38;
	[tilespmem:$0x1E6F8] =	vst v63  }
0xd2: {  	s21 =	rddreg [dreg:$0x17]  }
0xd3: {  	[tilespmem:s8], [sflag:$0x5] =	stream.linear.gather [hbm4b:s5+s9], $0x2800, $0x38;
	[tilespmem:$0x1E6F8] =	vst v63  }
0xd4: {  	s22 =	rddreg [dreg:$0x1d]  }
0xd5: {  	[tilespmem:s13], [sflag:$0x9] =	stream.linear.gather [hbm4b:s10+s9], $0x80, $0x38;
	[tilespmem:$0x1E6F8] =	vst v63  }
0xd6: {  	s0 =	sld [smem:$0x7F5]  }
0xd7: {  	[tilespmem:s31], [sflag:$0x2] =	stream.linear.gather [hbm4b:s21+s9], $0x80, $0x38;
	[tilespmem:$0x1E6F8] =	vst v63  }
0xd8: {  	s24 =	simm.s32 $0x2C00;
	s30 =	rddreg [dreg:$0x18]  }
0xd9: {  	[tilespmem:s24], [sflag:$0x6] =	stream.linear.gather [hbm4b:s22+s9], $0x2800, $0x38;
	[tilespmem:$0x1E6F8] =	vst v63  }
0xda: {  	s8 =	rddreg [dreg:$0x19];
	s31 =	simm.s32 $0x280  }
0xdb: {  	[tilespmem:s31], [sflag:$0xA] =	stream.linear.gather [hbm4b:s30+s9], $0x80, $0x38;
	[tilespmem:$0x1E6F8] =	vst v63  }
0xdc: {  	s10 =	rddreg [dreg:$0x1e]  }
0xdd: {  	[tilespmem:s4], [sflag:$0x3] =	stream.linear.gather [hbm4b:s8+s9], $0x80, $0x38;
	[tilespmem:$0x1E6F8] =	vst v63  }
0xde: {  	p3 =	por @!p0 $0x0, $0x0;
	s13 =	simm.s32 $0x5400;
	s21 =	rddreg [dreg:$0x1a]  }
0xdf: {  	[tilespmem:s13], [sflag:$0x7] =	stream.linear.gather [hbm4b:s10+s9], $0x2800, $0x38;
	[tilespmem:$0x1E6F8] =	vst v63  }
0xe0: {  	p4 =	por @!p1 $0x1, $0x1;
	s22 =	simm.s32 $0x300;
	s24 =	sld [smem:$0x7EE]  }
0xe1: {  	[tilespmem:s22], [sflag:$0xB] =	stream.linear.gather [hbm4b:s21+s9], $0x80, $0x38;
	[tilespmem:$0x1E6F8] =	vst v63  }
0xe2: {  	p4 =	por @!p2 p3, p3;
	s30 =	rddreg [dreg:$0x1f];
	s21 =	simm.s32 $0x180  }
0xe3: {  	[tilespmem:s21], [sflag:$0x4] =	stream.linear.gather [hbm4b:s24+s9], $0x80, $0x38;
	[tilespmem:$0x1E6F8] =	vst v63  }
0xe4: {  	p3 =	por $0x0, $0x0;
	s31 =	sld [smem:$0x7EF];
	s8 =	simm.s32 $0x7C00  }
0xe5: {  	[tilespmem:s8], [sflag:$0x8] =	stream.linear.gather [hbm4b:s30+s9], $0x2800, $0x38;
	[tilespmem:$0x1E6F8] =	vst v63  }
0xe6: {  	p3 =	por @!p0 p4, p4;
	s10 =	sld [smem:$0x7F2];
	s22 =	simm.s32 $0x380  }
0xe7: {  	[tilespmem:s22], [sflag:$0xC] =	stream.linear.gather [hbm4b:s31+s9], $0x80, $0x38;
	[tilespmem:$0x1E6F8] =	vst v63  }
.LBB2_6:
0xe8: {  	_ =	swait.ge [sflag:s16], $0x80  }
0xe9: {  	[sflag:s16] =	ssyncset.done $0x0  }
0xea: {  	[sflag:s16] =	ssyncadd.s32 $0xFFFFFF80  }
0xeb: {  	_ =	swait.ge [sflag:s17], $0x2800  }
0xec: {  	[sflag:s17] =	ssyncset.done $0x0  }
0xed: {  	[sflag:s17] =	ssyncadd.s32 $0xFFFFD800  }
0xee: {  	_ =	swait.ge [sflag:s18], $0x80  }
0xef: {  	[sflag:s18] =	ssyncset.done $0x0  }
0xf0: {  	s13 =	simm.s32 $0x400;
	[sflag:s18] =	ssyncadd.s32 $0xFFFFFF80  }
0xf1: {  	[spmem:s12] =	stream.indirect.scatter.add.f32 [tilespmem:s13], [sflag:$0xD], $0x80, s2, s19, $0xb8;
	[tilespmem:$0x1E6F8] =	vst v63  }
0xf2: {  	s4 =	simm.s32 $0x200  }
0xf3: {  	[spmem:s14] =	stream.indirect.scatter.add.f32 [tilespmem:s4], [sflag:$0xD], $0x1, s2, s19, $0xb8;
	[tilespmem:$0x1E6F8] =	vst v63  }
0xf4: {  	_ =	swait.ge [sflag:s20], $0x2800  }
0xf5: {  	[sflag:s20] =	ssyncset.done $0x0  }
0xf6: {  	[sflag:s20] =	ssyncadd.s32 $0xFFFFD800  }
0xf7: {  	_ =	swait.ge [sflag:s20], $0x50  }
0xf8: {  	s24 =	sshrl.u32 s0, $0x3;
	[sflag:s20] =	ssyncset.done $0x0;
	s5 =	rddreg [dreg:$0xe]  }
0xf9: {  	[sflag:s20] =	ssyncadd.s32 $0xFFFFFFB0;
	s5 =	sadd.s32 s5, s24  }
0xfa: {  	[tilespmem:s2], [sflag:$0x1] =	stream.linear.gather [hbm4b:s5+s2], $0x80, $0x38;
	[tilespmem:$0x1E6F8] =	vst v63  }
0xfb: {  	_ = 	snop  }
0xfc: {  	[tilespmem:s13], [sflag:$0x5] =	stream.linear.gather [hbm4b:s10+s2], $0x2800, $0x38;
	[tilespmem:$0x1E6F8] =	vst v63  }
0xfd: {  	s13 =	rddreg [dreg:$0x1]  }
0xfe: {  	s5 =	sadd.s32 s13, s24;
	s24 =	simm.s32 $0x2  }
0xff: {  	[tilespmem:s4], [sflag:$0x9] =	stream.linear.gather [hbm4b:s5+s2], $0x80, $0x38;
	[tilespmem:$0x1E6F8] =	vst v63  }
0x100: {  	_ =	swait.ge [sflag:s24], $0x80  }
0x101: {  	[sflag:s24] =	ssyncset.done $0x0  }
0x102: {  	s30 =	simm.s32 $0x6;
	[sflag:s24] =	ssyncadd.s32 $0xFFFFFF80  }
0x103: {  	_ =	swait.ge [sflag:s30], $0x2800  }
0x104: {  	[sflag:s30] =	ssyncset.done $0x0  }
0x105: {  	[sflag:s30] =	ssyncadd.s32 $0xFFFFD800  }
0x106: {  	_ =	swait.ge [sflag:s23], $0x80  }
0x107: {  	[sflag:s23] =	ssyncset.done $0x0  }
0x108: {  	s5 =	simm.s32 $0x80;
	s4 =	simm.s32 $0x2C00;
	[sflag:s23] =	ssyncadd.s32 $0xFFFFFF80  }
0x109: {  	[spmem:s12] =	stream.indirect.scatter.add.f32 [tilespmem:s4], [sflag:$0xE], $0x80, s5, s19, $0xb8;
	[tilespmem:$0x1E6F8] =	vst v63  }
0x10a: {  	s30 =	simm.s32 $0x280  }
0x10b: {  	[spmem:s14] =	stream.indirect.scatter.add.f32 [tilespmem:s30], [sflag:$0xE], $0x1, s5, s19, $0xb8;
	[tilespmem:$0x1E6F8] =	vst v63  }
0x10c: {  	_ =	swait.ge [sflag:s1], $0x2800  }
0x10d: {  	[sflag:s1] =	ssyncset.done $0x0  }
0x10e: {  	[sflag:s1] =	ssyncadd.s32 $0xFFFFD800  }
0x10f: {  	_ =	swait.ge [sflag:s1], $0x50  }
0x110: {  	s5 =	sld [smem:$0x7F4]  }
0x111: {  	p4 =	seq.s32 s9, $0x780  }
0x112: {  	s24 =	simm.s32 @!p4 $0x0;
	[sflag:s1] =	ssyncset.done $0x0  }
0x113: {  	s30 =	simm.s32 @!p4 $0x80;
	[sflag:s1] =	ssyncadd.s32 $0xFFFFFFB0;
	s5 =	sadd.s32 @!p4 s9, s5  }
0x114: {  	[tilespmem:s30], [sflag:$0x2] =	stream.linear.gather @!p4 [hbm4b:s5+s24], $0x80, $0x38;
	[tilespmem:$0x1E6F8] =	vst v63  }
0x115: {  	s5 =	sadd.s32 @!p4 $0x500, s10;
	s30 =	simm.s32 @!p4 $0x2C00  }
0x116: {  	[tilespmem:s30], [sflag:$0x6] =	stream.linear.gather @!p4 [hbm4b:s5+s24], $0x2800, $0x38;
	[tilespmem:$0x1E6F8] =	vst v63  }
0x117: {  	s5 =	sld [smem:$0x7F3];
	_ =	sdelay $0x2  }
0x118: {  	s30 =	simm.s32 @!p4 $0x280;
	s5 =	sadd.s32 @!p4 s9, s5  }
0x119: {  	[tilespmem:s30], [sflag:$0xA] =	stream.linear.gather @!p4 [hbm4b:s5+s24], $0x80, $0x38;
	[tilespmem:$0x1E6F8] =	vst v63  }
0x11a: {  	_ =	swait.ge [sflag:s6], $0x80  }
0x11b: {  	[sflag:s6] =	ssyncset.done $0x0  }
0x11c: {  	[sflag:s6] =	ssyncadd.s32 $0xFFFFFF80  }
0x11d: {  	_ =	swait.ge [sflag:s7], $0x2800  }
0x11e: {  	[sflag:s7] =	ssyncset.done $0x0  }
0x11f: {  	[sflag:s7] =	ssyncadd.s32 $0xFFFFD800  }
0x120: {  	_ =	swait.ge [sflag:s11], $0x80  }
0x121: {  	[sflag:s11] =	ssyncset.done $0x0  }
0x122: {  	s4 =	simm.s32 $0x5400;
	s30 =	simm.s32 $0x100;
	[sflag:s11] =	ssyncadd.s32 $0xFFFFFF80  }
0x123: {  	[spmem:s12] =	stream.indirect.scatter.add.f32 [tilespmem:s4], [sflag:$0xF], $0x80, s30, s19, $0xb8;
	[tilespmem:$0x1E6F8] =	vst v63  }
0x124: {  	s5 =	simm.s32 $0x300  }
0x125: {  	[spmem:s14] =	stream.indirect.scatter.add.f32 [tilespmem:s5], [sflag:$0xF], $0x1, s30, s19, $0xb8;
	[tilespmem:$0x1E6F8] =	vst v63  }
0x126: {  	_ =	swait.ge [sflag:s28], $0x2800  }
0x127: {  	[sflag:s28] =	ssyncset.done $0x0  }
0x128: {  	[sflag:s28] =	ssyncadd.s32 $0xFFFFD800  }
0x129: {  	_ =	swait.ge [sflag:s28], $0x50  }
0x12a: {  	s5 =	sld [smem:$0x7F7];
	_ =	sdelay $0x1  }
0x12b: {  	[sflag:s28] =	ssyncset.done $0x0  }
0x12c: {  	s30 =	simm.s32 @!p4 $0x100;
	[sflag:s28] =	ssyncadd.s32 $0xFFFFFFB0;
	s5 =	sadd.s32 @!p4 s9, s5  }
0x12d: {  	[tilespmem:s30], [sflag:$0x3] =	stream.linear.gather @!p4 [hbm4b:s5+s24], $0x80, $0x38;
	[tilespmem:$0x1E6F8] =	vst v63  }
0x12e: {  	s5 =	sadd.s32 @!p4 $0xA00, s10;
	s30 =	simm.s32 @!p4 $0x5400  }
0x12f: {  	[tilespmem:s30], [sflag:$0x7] =	stream.linear.gather @!p4 [hbm4b:s5+s24], $0x2800, $0x38;
	[tilespmem:$0x1E6F8] =	vst v63  }
0x130: {  	s5 =	sld [smem:$0x7F6];
	_ =	sdelay $0x2  }
0x131: {  	s30 =	simm.s32 @!p4 $0x300;
	s5 =	sadd.s32 @!p4 s9, s5  }
0x132: {  	[tilespmem:s30], [sflag:$0xB] =	stream.linear.gather @!p4 [hbm4b:s5+s24], $0x80, $0x38;
	[tilespmem:$0x1E6F8] =	vst v63  }
0x133: {  	_ =	swait.ge [sflag:s3], $0x80  }
0x134: {  	[sflag:s3] =	ssyncset.done $0x0  }
0x135: {  	[sflag:s3] =	ssyncadd.s32 $0xFFFFFF80  }
0x136: {  	_ =	swait.ge [sflag:s15], $0x2800  }
0x137: {  	[sflag:s15] =	ssyncset.done $0x0  }
0x138: {  	[sflag:s15] =	ssyncadd.s32 $0xFFFFD800  }
0x139: {  	_ =	swait.ge [sflag:s25], $0x80  }
0x13a: {  	[sflag:s25] =	ssyncset.done $0x0  }
0x13b: {  	[sflag:s25] =	ssyncadd.s32 $0xFFFFFF80  }
0x13c: {  	[spmem:s12] =	stream.indirect.scatter.add.f32 [tilespmem:s8], [sflag:$0x10], $0x80, s21, s19, $0xb8;
	[tilespmem:$0x1E6F8] =	vst v63  }
0x13d: {  	_ = 	snop  }
0x13e: {  	[spmem:s14] =	stream.indirect.scatter.add.f32 [tilespmem:s22], [sflag:$0x10], $0x1, s21, s19, $0xb8;
	[tilespmem:$0x1E6F8] =	vst v63  }
0x13f: {  	_ =	swait.ge [sflag:s26], $0x2800  }
.Ltmp4:
0x140: {  	[sflag:s26] =	ssyncset.done $0x0;
	(pc) =	sbr.rel @p4 .LBB2_8-.Ltmp4, $4  }
0x141: {  	[sflag:s26] =	ssyncadd.s32 $0xFFFFD800  }
0x142: {  	s31 =	simm.s32 $0x80;
	s13 =	simm.s32 $0x200;
	_ =	swait.ge [sflag:s26], $0x50  }
0x143: {  	s4 =	simm.s32 $0x100;
	s8 =	simm.s32 $0x7C00;
	[sflag:s26] =	ssyncset.done $0x0  }
0x144: {  	s21 =	simm.s32 $0x180;
	s22 =	simm.s32 $0x380;
	[sflag:s26] =	ssyncadd.s32 $0xFFFFFFB0  }
0x145: {  	s5 =	sld [smem:$0x7F9];
	_ =	sdelay $0x2  }
0x146: {  	s31 =	sld [smem:$0x7F8];
	s5 =	sadd.s32 s9, s5  }
0x147: {  	[tilespmem:s21], [sflag:$0x4] =	stream.linear.gather [hbm4b:s5+s2], $0x80, $0x38;
	[tilespmem:$0x1E6F8] =	vst v63  }
.Ltmp5:
0x148: {  	s30 =	sadd.s32 $0xF00, s10;
	s0 =	sadd.s32 $0x200, s0;
	(pc) =	sbr.rel .LBB2_6-.Ltmp5, $4  }
0x149: {  	[tilespmem:s8], [sflag:$0x8] =	stream.linear.gather [hbm4b:s30+s2], $0x2800, $0x38;
	[tilespmem:$0x1E6F8] =	vst v63  }
0x14a: {  	s10 =	sadd.s32 $0x1400, s10;
	s5 =	sadd.s32 s9, s31;
	s9 =	sadd.s32 $0x40, s9  }
0x14b: {  	[tilespmem:s22], [sflag:$0xC] =	stream.linear.gather [hbm4b:s5+s2], $0x80, $0x38;
	[tilespmem:$0x1E6F8] =	vst v63  }
0x14c: {  	s21 =	simm.s32 $0x180;
	s8 =	simm.s32 $0x7C00;
	s22 =	simm.s32 $0x380  }
.LBB2_9:
0x14d: {  	_ =	sfence.sel $0x180000  }
0x14e: {  	[bflag:$0x0] =	sbarrier.arrive $0xFFFF  }
0x14f: {  	_ =	strace $0x9000004A  }
0x150: {  	[bflag:$0x2] =	sbarrier.arrive $0xFFFF  }
0x151: {  	p0 =	sne.s32 s9, $0x0;
	s0 =	rddreg [dreg:$0x4]  }
0x152: {  	s0 =	sadd.s32 @!p0 $0x100000, s0  }
0x153: {  	[sflag:s0] =	ssyncadd.tile.s32 @!p0 $0x1;
	_ =	shalt  }
.Lfunc_end2:
_tile_overlayer_lowered:
.L_overlay_start_2:
0x154: {  	(tag) =	ssettag $0x2  }
0x155: {  	s0 =	rddreg [dreg:$0x0];
	s2 =	stileid.u32  }
0x156: {  	s1 =	rddreg [dreg:$0x1];
	p0 =	sne.s32 s2, $0x0  }
0x157: {  	s3 =	rddreg [dreg:$0x2];
	[bflag:$0x3] =	sbarrier.arrive $0xFFFF;
	s2 =	simm.s32 @!p0 $0x1C11  }
0x158: {  	[timem:s3], [sflag:s2] =	dma.local @!p0 [hbm:s0], s1  }
0x159: {  	s0 =	simm.s32 @!p0 $0x11  }
0x15a: {  	_ =	swait.ge @!p0 [sflag:s0], s1  }
0x15b: {  	s1 =	ssub.s32 @!p0 $0x0, s1;
	[sflag:s0] =	ssyncset.done @!p0 $0x0  }
0x15c: {  	[sflag:s0] =	ssyncadd.s32 @!p0 s1  }
0x15d: {  	[bflag:$0x3] =	sbarrier.arrive $0xFFFF  }
0x15e: {  	_ =	shalt  }

</sc_bundles>
